<compile_context>
chip_gen: v7x
topology: tpu7x:2x2x1
jax: 0.10.2.dev20260603
libtpu: 0.0.44.dev20260713+nightly
codegen_flags: <defaults>
</compile_context>

<pallas_src>
import functools

import jax
import jax.numpy as jnp
from jax import lax
from jax.experimental import pallas as pl
from jax.experimental.pallas import tpu as pltpu
from jax.experimental.pallas import tpu_sc as plsc

N = 10000
B = 4
E = 160000
NN = B * N
NE = B * E
HEADS = 8
CH = 16
F1 = HEADS * CH
EMB = 16
HID = 16

NS = 16
NC = 2
EPC = NE // NC
EPT = EPC // NS
K = 80
NCHUNK = EPT // K
ZROWS = 80
NZCH = N // ZROWS

_HIGH = jax.lax.Precision.HIGHEST


def _elu(x):
    return jnp.where(x > 0, x, jnp.exp(x) - 1.0)


def _dense1_body(x_ref, w1_ref, wa_ref, h1_ref, asad_ref):
    xv = x_ref[...]
    h1_ref[...] = jnp.dot(xv, w1_ref[...], precision=_HIGH)
    asad_ref[...] = jnp.dot(xv, wa_ref[...], precision=_HIGH)


def _dense1(x, w1, wa):
    bm = 4000
    return pl.pallas_call(
        _dense1_body,
        grid=(NN // bm,),
        in_specs=[
            pl.BlockSpec((bm, 3), lambda i: (i, 0)),
            pl.BlockSpec((3, F1), lambda i: (0, 0)),
            pl.BlockSpec((3, 32), lambda i: (0, 0)),
        ],
        out_specs=[
            pl.BlockSpec((bm, F1), lambda i: (i, 0)),
            pl.BlockSpec((bm, 32), lambda i: (i, 0)),
        ],
        out_shape=[
            jax.ShapeDtypeStruct((NN, F1), jnp.float32),
            jax.ShapeDtypeStruct((NN, 32), jnp.float32),
        ],
    )(x, w1, wa)


def _edges1_body(src_ref, dst_ref, as_ref, ad_ref, h1_ref, out_ref,
                 sidx, didx, lidx, gs, gd, gh, exb, stage, zbuf, acc,
                 sem0, sem1, sem2):
    c = lax.axis_index("c")
    s = lax.axis_index("s")

    def _zrow(r, _):
        for j in range(144 // 16):
            zbuf[r, pl.ds(j * 16, 16)] = jnp.zeros((16,), jnp.float32)
        return _
    lax.fori_loop(0, ZROWS, _zrow, 0)
    for t in range(8):
        cid = s + t * NS

        @pl.when(cid < NZCH)
        def _():
            pltpu.sync_copy(zbuf, acc.at[pl.ds(cid * ZROWS, ZROWS)])
    plsc.subcore_barrier()

    base_e = c * EPC + s * EPT
    dst_base = 2 * N + c * N

    def _chunk(ch, _):
        e0 = base_e + ch * K
        pltpu.sync_copy(src_ref.at[pl.ds(e0, K)], sidx)
        pltpu.sync_copy(dst_ref.at[pl.ds(e0, K)], didx)
        cp0 = pltpu.async_copy(as_ref.at[sidx], gs, sem0)
        cp1 = pltpu.async_copy(ad_ref.at[didx], gd, sem1)
        cp2 = pltpu.async_copy(h1_ref.at[sidx], gh, sem2)
        cp0.wait()
        cp1.wait()
        cp2.wait()

        def _lidx(q, _):
            lidx[pl.ds(q * 16, 16)] = didx[pl.ds(q * 16, 16)] - dst_base
            return _
        lax.fori_loop(0, K // 16, _lidx, 0)

        def _edge(e, _):
            sv = gs[e, :] + gd[e, :]
            ex = jnp.exp(jnp.maximum(sv, 0.2 * sv))
            exb[pl.ds(e * 16, 16)] = ex
            stage[e, pl.ds(F1, 16)] = ex
            for j in range(HEADS):
                mult = plsc.load_gather(
                    exb, [jnp.full((16,), e * 16 + j, jnp.int32)])
                stage[e, pl.ds(j * 16, 16)] = gh[e, pl.ds(j * 16, 16)] * mult
            return _
        lax.fori_loop(0, K, _edge, 0)

        pltpu.sync_copy(stage, acc.at[lidx], add=True)
        return _

    lax.fori_loop(0, NCHUNK, _chunk, 0)
    plsc.subcore_barrier()

    for t in range(8):
        cid = s + t * NS

        @pl.when(cid < NZCH)
        def _():
            r0 = cid * ZROWS
            pltpu.sync_copy(acc.at[pl.ds(r0, ZROWS)],
                            out_ref.at[pl.ds(c * N + r0, ZROWS)])


def _edges1(src, dst, as1p, ad1p, h1):
    mesh = plsc.VectorSubcoreMesh(core_axis_name="c", subcore_axis_name="s")
    fn = pl.kernel(
        _edges1_body,
        out_type=jax.ShapeDtypeStruct((2 * N, 144), jnp.float32),
        mesh=mesh,
        compiler_params=pltpu.CompilerParams(
            needs_layout_passes=False, use_tc_tiling_on_sc=False),
        scratch_types=[
            pltpu.VMEM((K,), jnp.int32),
            pltpu.VMEM((K,), jnp.int32),
            pltpu.VMEM((K,), jnp.int32),
            pltpu.VMEM((K, 16), jnp.float32),
            pltpu.VMEM((K, 16), jnp.float32),
            pltpu.VMEM((K, F1), jnp.float32),
            pltpu.VMEM((K * 16,), jnp.float32),
            pltpu.VMEM((K, 144), jnp.float32),
            pltpu.VMEM((ZROWS, 144), jnp.float32),
            pltpu.VMEM_SHARED((N, 144), jnp.float32),
            pltpu.SemaphoreType.DMA,
            pltpu.SemaphoreType.DMA,
            pltpu.SemaphoreType.DMA,
        ],
    )
    return fn(src, dst, as1p, ad1p, h1)


def _fin1_body(h1_ref, asad_ref, accn_ref, accd_ref, b1_ref, w2_ref,
               seladd_ref, rep_ref, y_ref):
    i = pl.program_id(0)
    h1v = h1_ref[...]
    s1 = jnp.dot(asad_ref[...], seladd_ref[...], precision=_HIGH)
    ex_s = jnp.exp(jnp.maximum(s1, 0.2 * s1))
    ex128 = jnp.dot(ex_s, rep_ref[...], precision=_HIGH)
    den128 = jnp.dot(accd_ref[...][:, 0:16], rep_ref[...], precision=_HIGH)
    num = accn_ref[...]
    out_hi = (num + ex128 * h1v) / (den128 + ex128 + 1e-16)
    xin = jnp.where(i < 10, h1v, out_hi)
    x2 = _elu(xin + b1_ref[...])
    y_ref[...] = jnp.dot(x2, w2_ref[...], precision=_HIGH)


def _fin1(h1, asad, acc1, b1r, w2cat, seladd, rep16):
    bm = 2000
    return pl.pallas_call(
        _fin1_body,
        grid=(NN // bm,),
        in_specs=[
            pl.BlockSpec((bm, F1), lambda i: (i, 0)),
            pl.BlockSpec((bm, 32), lambda i: (i, 0)),
            pl.BlockSpec((bm, 128), lambda i: (jnp.maximum(i - 10, 0), 0)),
            pl.BlockSpec((bm, 128), lambda i: (jnp.maximum(i - 10, 0), 1)),
            pl.BlockSpec((1, F1), lambda i: (0, 0)),
            pl.BlockSpec((F1, 32), lambda i: (0, 0)),
            pl.BlockSpec((32, 16), lambda i: (0, 0)),
            pl.BlockSpec((16, F1), lambda i: (0, 0)),
        ],
        out_specs=pl.BlockSpec((bm, 32), lambda i: (i, 0)),
        out_shape=jax.ShapeDtypeStruct((NN, 32), jnp.float32),
    )(h1, asad, acc1, acc1, b1r, w2cat, seladd, rep16)


def _edges2_body(src_ref, dst_ref, h2_ref, as2_ref, ad2_ref, out_ref,
                 sidx, didx, lidx, g2, exb, stage, as2l, ad2l, zbuf, acc,
                 sem0):
    c = lax.axis_index("c")
    s = lax.axis_index("s")

    def _zrow(r, _):
        for j in range(32 // 16):
            zbuf[r, pl.ds(j * 16, 16)] = jnp.zeros((16,), jnp.float32)
        return _
    lax.fori_loop(0, ZROWS, _zrow, 0)
    for t in range(8):
        cid = s + t * NS

        @pl.when(cid < NZCH)
        def _():
            pltpu.sync_copy(zbuf, acc.at[pl.ds(cid * ZROWS, ZROWS)])

    dst_base = 2 * N + c * N
    src_base = c * N
    pltpu.sync_copy(as2_ref.at[pl.ds(src_base, N)], as2l)
    pltpu.sync_copy(ad2_ref.at[pl.ds(dst_base, N)], ad2l)
    plsc.subcore_barrier()

    base_e = c * EPC + s * EPT

    def _chunk(ch, _):
        e0 = base_e + ch * K
        pltpu.sync_copy(src_ref.at[pl.ds(e0, K)], sidx)
        pltpu.sync_copy(dst_ref.at[pl.ds(e0, K)], didx)
        pltpu.async_copy(h2_ref.at[sidx], g2, sem0).wait()

        def _pre(q, _):
            lv = didx[pl.ds(q * 16, 16)] - dst_base
            lidx[pl.ds(q * 16, 16)] = lv
            asv = plsc.load_gather(
                as2l, [sidx[pl.ds(q * 16, 16)] - src_base])
            adv = plsc.load_gather(ad2l, [lv])
            sv = asv + adv
            exb[pl.ds(q * 16, 16)] = jnp.exp(jnp.maximum(sv, 0.2 * sv))
            return _
        lax.fori_loop(0, K // 16, _pre, 0)

        def _edge(e, _):
            mult = plsc.load_gather(exb, [jnp.full((16,), e, jnp.int32)])
            stage[e, pl.ds(0, 16)] = g2[e, pl.ds(0, 16)] * mult
            stage[e, pl.ds(16, 16)] = exb[pl.ds(e, 16)]
            return _
        lax.fori_loop(0, K, _edge, 0)

        pltpu.sync_copy(stage, acc.at[lidx], add=True)
        return _

    lax.fori_loop(0, NCHUNK, _chunk, 0)
    plsc.subcore_barrier()

    for t in range(8):
        cid = s + t * NS

        @pl.when(cid < NZCH)
        def _():
            r0 = cid * ZROWS
            pltpu.sync_copy(acc.at[pl.ds(r0, ZROWS)],
                            out_ref.at[pl.ds(c * N + r0, ZROWS)])


def _edges2(src, dst, h2, as2, ad2):
    mesh = plsc.VectorSubcoreMesh(core_axis_name="c", subcore_axis_name="s")
    fn = pl.kernel(
        _edges2_body,
        out_type=jax.ShapeDtypeStruct((2 * N, 32), jnp.float32),
        mesh=mesh,
        compiler_params=pltpu.CompilerParams(
            needs_layout_passes=False, use_tc_tiling_on_sc=False),
        scratch_types=[
            pltpu.VMEM((K,), jnp.int32),
            pltpu.VMEM((K,), jnp.int32),
            pltpu.VMEM((K,), jnp.int32),
            pltpu.VMEM((K, 16), jnp.float32),
            pltpu.VMEM((K + 16,), jnp.float32),
            pltpu.VMEM((K, 32), jnp.float32),
            pltpu.VMEM((N,), jnp.float32),
            pltpu.VMEM((N,), jnp.float32),
            pltpu.VMEM((ZROWS, 32), jnp.float32),
            pltpu.VMEM_SHARED((N, 32), jnp.float32),
            pltpu.SemaphoreType.DMA,
        ],
    )
    return fn(src, dst, h2, as2, ad2)


def _fin2_body(y1_ref, acc2_ref, b2_ref, sels_ref, seld_ref, x3_ref):
    i = pl.program_id(0)
    y1v = y1_ref[...]
    h2 = y1v[:, 0:16]
    s2 = jnp.dot(y1v, sels_ref[...], precision=_HIGH)
    ex_s = jnp.exp(jnp.maximum(s2, 0.2 * s2))
    acc2v = acc2_ref[...]
    num2 = acc2v[:, 0:16]
    den2 = jnp.dot(acc2v, seld_ref[...], precision=_HIGH)
    out_hi = (num2 + ex_s * h2) / (den2 + ex_s + 1e-16)
    xin = jnp.where(i < 10, h2, out_hi)
    x3_ref[...] = _elu(xin + b2_ref[...])


def _fin2(y1, acc2, b2r, sels, seld):
    bm = 2000
    return pl.pallas_call(
        _fin2_body,
        grid=(NN // bm,),
        in_specs=[
            pl.BlockSpec((bm, 32), lambda i: (i, 0)),
            pl.BlockSpec((bm, 32), lambda i: (jnp.maximum(i - 10, 0), 0)),
            pl.BlockSpec((1, 16), lambda i: (0, 0)),
            pl.BlockSpec((32, 16), lambda i: (0, 0)),
            pl.BlockSpec((32, 16), lambda i: (0, 0)),
        ],
        out_specs=pl.BlockSpec((bm, 16), lambda i: (i, 0)),
        out_shape=jax.ShapeDtypeStruct((NN, 16), jnp.float32),
    )(y1, acc2, b2r, sels, seld)


def _mlpa_body(x3_ref, mw0_ref, mb0_ref, mw1_ref, mb1_ref, y_ref):
    k = pl.program_id(0)
    part = jnp.dot(x3_ref[...], mw0_ref[...], precision=_HIGH)

    @pl.when(k == 0)
    def _():
        y_ref[...] = part

    @pl.when(k > 0)
    def _():
        y_ref[...] += part

    @pl.when(k == pl.num_programs(0) - 1)
    def _():
        y = jax.nn.relu(y_ref[...] + mb0_ref[...])
        y = jax.nn.relu(jnp.dot(y, mw1_ref[...], precision=_HIGH)
                        + mb1_ref[...])
        y_ref[...] = y


def _mlpa(x3r, mw0, mb0r, mw1, mb1r):
    bk = 6400
    return pl.pallas_call(
        _mlpa_body,
        grid=(NN * EMB // bk,),
        in_specs=[
            pl.BlockSpec((8, bk), lambda k: (0, k)),
            pl.BlockSpec((bk, HID), lambda k: (k, 0)),
            pl.BlockSpec((1, HID), lambda k: (0, 0)),
            pl.BlockSpec((HID, HID), lambda k: (0, 0)),
            pl.BlockSpec((1, HID), lambda k: (0, 0)),
        ],
        out_specs=pl.BlockSpec((8, HID), lambda k: (0, 0)),
        out_shape=jax.ShapeDtypeStruct((8, HID), jnp.float32),
    )(x3r, mw0, mb0r, mw1, mb1r)


def _mlpb_body(y_ref, ow_ref, ob_ref, z_ref):
    z = jnp.dot(y_ref[...], ow_ref[...], precision=_HIGH) + ob_ref[...]
    z_ref[...] = jax.nn.sigmoid(z)


def _mlpb(y2, ow, obr):
    return pl.pallas_call(
        _mlpb_body,
        in_specs=[
            pl.BlockSpec((B, HID), lambda: (0, 0)),
            pl.BlockSpec((HID, N), lambda: (0, 0)),
            pl.BlockSpec((1, N), lambda: (0, 0)),
        ],
        out_specs=pl.BlockSpec((B, N), lambda: (0, 0)),
        out_shape=jax.ShapeDtypeStruct((B, N), jnp.float32),
    )(y2, ow, obr)


@jax.jit
def _run(actions, node_features, edge_index, W1, a_src1, a_dst1, b1, W2,
         a_src2, a_dst2, b2, mW0, mb0, mW1, mb1, oW, ob):
    nf = node_features.reshape(B, N)
    x = jnp.stack((actions[:, :, 0], actions[:, :, 1], nf), axis=2)
    x = x.reshape(NN, 3)
    offsets = (jnp.arange(B, dtype=edge_index.dtype) * N)[:, None, None]
    ei = (edge_index + offsets).reshape(2, NE)
    src, dst = ei[0], ei[1]

    eye8 = jnp.eye(HEADS, dtype=jnp.float32)
    a1s = (eye8[:, None, :] * a_src1[:, :, None]).reshape(F1, HEADS)
    a1d = (eye8[:, None, :] * a_dst1[:, :, None]).reshape(F1, HEADS)
    pad8 = jnp.zeros((3, 8), jnp.float32)
    wa = jnp.concatenate([W1 @ a1s, pad8, W1 @ a1d, pad8], axis=1)

    w2cat = jnp.concatenate(
        [W2, W2 @ a_src2.T, W2 @ a_dst2.T,
         jnp.zeros((F1, 14), jnp.float32)], axis=1)

    rep8 = jnp.kron(eye8, jnp.ones((1, CH), jnp.float32))
    rep16 = jnp.concatenate([rep8, jnp.zeros((8, F1), jnp.float32)], axis=0)
    eye16 = jnp.eye(16, dtype=jnp.float32)
    seladd = jnp.concatenate([eye16, eye16], axis=0)
    sels = jnp.zeros((32, 16), jnp.float32)
    sels = sels.at[16].set(1.0).at[17].set(1.0)
    seld = jnp.zeros((32, 16), jnp.float32).at[16].set(1.0)

    b1r = b1.reshape(1, F1)
    b2r = b2.reshape(1, EMB)
    mb0r = mb0.reshape(1, HID)
    mb1r = mb1.reshape(1, HID)
    obr = ob.reshape(1, N)

    h1, asad1 = _dense1(x, W1, wa)
    as1p = asad1[:, 0:16]
    ad1p = asad1[:, 16:32]
    acc1 = _edges1(src, dst, as1p, ad1p, h1)
    y1 = _fin1(h1, asad1, acc1, b1r, w2cat, seladd, rep16)
    h2 = y1[:, 0:16]
    as2 = y1[:, 16]
    ad2 = y1[:, 17]
    acc2 = _edges2(src, dst, h2, as2, ad2)
    x3 = _fin2(y1, acc2, b2r, sels, seld)
    x3r = x3.reshape(B, N * EMB)
    x3p = jnp.concatenate(
        [x3r, jnp.zeros((8 - B, N * EMB), jnp.float32)], axis=0)
    y2 = _mlpa(x3p, mW0, mb0r, mW1, mb1r)[0:B]
    return _mlpb(y2, oW, obr)


def kernel(actions, node_features, edge_index, W1, a_src1, a_dst1, b1, W2,
           a_src2, a_dst2, b2, mW0, mb0, mW1, mb1, oW, ob):
    return _run(actions, node_features, edge_index, W1, a_src1, a_dst1, b1,
                W2, a_src2, a_dst2, b2, mW0, mb0, mW1, mb1, oW, ob)

# --- scband reference (transcript-rebuilt; emitter-appended) ---
"""Pipeline reference for scband-gat-critic-34187939676289 (READ-ONLY COPY).

The authoritative reference and input builder live on the scoring server;
editing this copy changes nothing except your own understanding.
"""

import jax, jax.numpy as jnp
import numpy as np

NUM_NODES = 10000
BATCH = 4
NUM_EDGES = 160000
HIDDEN = 16
EMBED = 16
HEADS1 = 8


def _gat_conv(x, src, dst, W, a_src, a_dst, bias, heads, out_ch, n):
    # PyG GATConv semantics: linear transform, add self loops, edge softmax over dst,
    # weighted scatter-add of source messages. concat if heads>1 handled by reshape.
    h = (x @ W).reshape(n, heads, out_ch)
    loop = jnp.arange(n, dtype=src.dtype)
    src = jnp.concatenate([src, loop])
    dst = jnp.concatenate([dst, loop])
    a_s = (h * a_src[None, :, :]).sum(-1)  # [n, heads]
    a_d = (h * a_dst[None, :, :]).sum(-1)
    alpha = a_s[src] + a_d[dst]            # [e, heads]
    alpha = jnp.where(alpha > 0, alpha, 0.2 * alpha)  # leaky_relu(0.2)
    amax = jax.ops.segment_max(alpha, dst, num_segments=n)
    amax = jnp.where(jnp.isfinite(amax), amax, 0.0)
    ex = jnp.exp(alpha - amax[dst])
    denom = jax.ops.segment_sum(ex, dst, num_segments=n)
    coef = ex / (denom[dst] + 1e-16)
    out = jax.ops.segment_sum(h[src] * coef[:, :, None], dst, num_segments=n)
    return out.reshape(n, heads * out_ch) + bias


def setup_inputs(seed: int = 0) -> dict:
    key = jax.random.key(seed)
    ks = jax.random.split(key, 16)
    actions = jax.random.normal(ks[0], (BATCH, NUM_NODES, 2), dtype=jnp.float32)
    node_features = jax.random.normal(ks[1], (BATCH, 1, NUM_NODES), dtype=jnp.float32)
    edge_index = jax.random.randint(ks[2], (BATCH, 2, NUM_EDGES), 0, NUM_NODES, dtype=jnp.int32)
    W1 = jax.random.normal(ks[3], (3, HEADS1 * HIDDEN), dtype=jnp.float32) / np.sqrt(3.0)
    a_src1 = jax.random.normal(ks[4], (HEADS1, HIDDEN), dtype=jnp.float32) * 0.1
    a_dst1 = jax.random.normal(ks[5], (HEADS1, HIDDEN), dtype=jnp.float32) * 0.1
    b1 = jnp.zeros((HEADS1 * HIDDEN,), jnp.float32)
    W2 = jax.random.normal(ks[6], (HEADS1 * HIDDEN, EMBED), dtype=jnp.float32) / np.sqrt(HEADS1 * HIDDEN)
    a_src2 = jax.random.normal(ks[7], (1, EMBED), dtype=jnp.float32) * 0.1
    a_dst2 = jax.random.normal(ks[8], (1, EMBED), dtype=jnp.float32) * 0.1
    b2 = jnp.zeros((EMBED,), jnp.float32)
    mW0 = jax.random.normal(ks[9], (NUM_NODES * EMBED, HIDDEN), dtype=jnp.float32) / np.sqrt(NUM_NODES * EMBED)
    mb0 = jnp.zeros((HIDDEN,), jnp.float32)
    mW1 = jax.random.normal(ks[10], (HIDDEN, HIDDEN), dtype=jnp.float32) / np.sqrt(HIDDEN)
    mb1 = jnp.zeros((HIDDEN,), jnp.float32)
    oW = jax.random.normal(ks[11], (HIDDEN, NUM_NODES), dtype=jnp.float32) / np.sqrt(HIDDEN)
    ob = jnp.zeros((NUM_NODES,), jnp.float32)
    return {"actions": actions, "node_features": node_features, "edge_index": edge_index,
            "W1": W1, "a_src1": a_src1, "a_dst1": a_dst1, "b1": b1,
            "W2": W2, "a_src2": a_src2, "a_dst2": a_dst2, "b2": b2,
            "mW0": mW0, "mb0": mb0, "mW1": mW1, "mb1": mb1, "oW": oW, "ob": ob}


def reference(actions, node_features, edge_index, W1, a_src1, a_dst1, b1, W2, a_src2, a_dst2, b2, mW0, mb0, mW1, mb1, oW, ob):
    B, _, N = node_features.shape
    nf = node_features.reshape(B, N).astype(jnp.float32)  # squeeze
    x = jnp.stack((actions[:, :, 0], actions[:, :, 1], nf), axis=2)  # [B, N, 3]
    x = x.reshape(B * N, 3)
    # per-batch node-id offsets, then the (faithful) reshape(2, B*E) from the torch code
    offsets = (jnp.arange(B, dtype=edge_index.dtype) * N)[:, None, None]
    ei = (edge_index + offsets).reshape(2, B * edge_index.shape[2])
    src, dst = ei[0], ei[1]
    n = B * N
    x = jax.nn.elu(_gat_conv(x, src, dst, W1, a_src1, a_dst1, b1, HEADS1, HIDDEN, n))
    # dropout: identity in eval mode
    x = jax.nn.elu(_gat_conv(x, src, dst, W2, a_src2, a_dst2, b2, 1, EMBED, n))
    x = x.reshape(B, N * EMBED)
    x = jax.nn.relu(x @ mW0 + mb0)
    x = jax.nn.relu(x @ mW1 + mb1)
    x = x @ oW + ob
    return jax.nn.sigmoid(x)

if __name__ == "__main__":
    import jax
    _d = setup_inputs()
    print(jax.jit(kernel)(*tuple(_d.values())))

</pallas_src>

<mosaic_0001>
#map = affine_map<(d0, d1) -> (0)>
#map1 = affine_map<(d0, d1) -> (0, 0)>
module attributes {stable_mosaic.version = 14 : i64} {
  func.func @_edges2_body(%arg0: i32, %arg1: i32, %arg2: memref<640000xi32, #tpu.memory_space<hbm>>, %arg3: memref<640000xi32, #tpu.memory_space<hbm>>, %arg4: memref<40000x16xf32, #tpu.memory_space<hbm>>, %arg5: memref<40000xf32, #tpu.memory_space<hbm>>, %arg6: memref<40000xf32, #tpu.memory_space<hbm>>, %arg7: memref<20000x32xf32, #tpu.memory_space<hbm>>, %arg8: memref<80xi32, #tpu.memory_space<vmem>>, %arg9: memref<80xi32, #tpu.memory_space<vmem>>, %arg10: memref<80xi32, #tpu.memory_space<vmem>>, %arg11: memref<80x16xf32, #tpu.memory_space<vmem>>, %arg12: memref<96xf32, #tpu.memory_space<vmem>>, %arg13: memref<80x32xf32, #tpu.memory_space<vmem>>, %arg14: memref<10000xf32, #tpu.memory_space<vmem>>, %arg15: memref<10000xf32, #tpu.memory_space<vmem>>, %arg16: memref<80x32xf32, #tpu.memory_space<vmem>>, %arg17: memref<10000x32xf32, #tpu.memory_space<vmem_shared>>, %arg18: memref<!tpu.dma_semaphore, #tpu.memory_space<semaphore_mem>>) attributes {dimension_semantics = [#tpu.dimension_semantics<core_parallel>, #tpu.dimension_semantics<subcore_parallel>], iteration_bounds = array<i64: 2, 16>, scalar_prefetch = 0 : i64, scratch_operands = 11 : i64, tpu.core_type = #tpu.core_type<sc_vector_subcore>, window_params = [{transform_indices = #map}, {transform_indices = #map}, {transform_indices = #map1}, {transform_indices = #map}, {transform_indices = #map}, {transform_indices = #map1}]} {
    %scan3A = arith.constant 0 : i32
    %scan3A_0 = arith.constant 0 : i32
    %scan3A_1 = arith.constant 80 : i32
    %scan3A_2 = arith.addi %scan3A_0, %scan3A_1 : i32
    %scan3A_3 = arith.constant 1 : i32
    scf.for %scan3A_130 = %scan3A_0 to %scan3A_2 step %scan3A_3  : i32 {
      %broadcast_in_dim3A = arith.constant 0.000000e+00 : f32
      %broadcast_in_dim3A_131 = vector.broadcast %broadcast_in_dim3A : f32 to vector<16xf32>
      %swap3A = arith.index_cast %scan3A_130 : i32 to index
      %swap3A_132 = arith.constant 0 : index
      %swap3A_133 = tpu.vector_load %arg16[%swap3A, %swap3A_132] {strides = array<i32>} : memref<80x32xf32, #tpu.memory_space<vmem>>, vector<16xf32>,
      tpu.vector_store %arg16[%swap3A, %swap3A_132], %broadcast_in_dim3A_131 {strides = array<i32>} : memref<80x32xf32, #tpu.memory_space<vmem>>, vector<16xf32>,
      %broadcast_in_dim3A_134 = arith.constant 0.000000e+00 : f32
      %broadcast_in_dim3A_135 = vector.broadcast %broadcast_in_dim3A_134 : f32 to vector<16xf32>
      %swap3A_136 = arith.index_cast %scan3A_130 : i32 to index
      %swap3A_137 = arith.constant 16 : index
      %swap3A_138 = tpu.vector_load %arg16[%swap3A_136, %swap3A_137] {strides = array<i32>} : memref<80x32xf32, #tpu.memory_space<vmem>>, vector<16xf32>,
      tpu.vector_store %arg16[%swap3A_136, %swap3A_137], %broadcast_in_dim3A_135 {strides = array<i32>} : memref<80x32xf32, #tpu.memory_space<vmem>>, vector<16xf32>,
    }
    %scan3A_4 = arith.constant 80 : i32
    %add3A = arith.constant 0 : i32
    %add3A_5 = arith.addi %arg1, %add3A : i32
    %lt3A = arith.constant 125 : i32
    %lt3A_6 = arith.cmpi slt, %add3A_5, %lt3A : i32
    %convert_element_type3A = arith.extui %lt3A_6 : i1 to i32
    %cond3A = arith.constant 0 : i32
    %cond3A_7 = arith.cmpi ne, %convert_element_type3A, %cond3A : i32
    scf.if %cond3A_7 {
      %mul3A_130 = arith.constant 80 : i32
      %mul3A_131 = arith.muli %add3A_5, %mul3A_130 : i32
      "tpu.region"() ({
        %run_scoped3A = tpu.sem_alloc : memref<!tpu.dma_semaphore, #tpu.memory_space<semaphore_mem>>
        %dma_start3A = arith.constant 0 : i32
        %dma_start3A_132 = tpu.memref_slice %arg17[%mul3A_131, %dma_start3A] : memref<10000x32xf32, #tpu.memory_space<vmem_shared>> -> memref<80x32xf32, #tpu.memory_space<vmem_shared>>
        %dma_start3A_133 = arith.constant 0 : i32
        %dma_start3A_134 = tpu.memref_slice %arg17[%mul3A_131, %dma_start3A_133] : memref<10000x32xf32, #tpu.memory_space<vmem_shared>> -> memref<80x32xf32, #tpu.memory_space<vmem_shared>>
        tpu.enqueue_dma source(%arg16 : memref<80x32xf32, #tpu.memory_space<vmem>>) target(%dma_start3A_134 : memref<80x32xf32, #tpu.memory_space<vmem_shared>>) target_semaphore(%run_scoped3A : memref<!tpu.dma_semaphore, #tpu.memory_space<semaphore_mem>>)
        %dma_wait3A = arith.constant 0 : i32
        %dma_wait3A_135 = tpu.memref_slice %arg17[%mul3A_131, %dma_wait3A] : memref<10000x32xf32, #tpu.memory_space<vmem_shared>> -> memref<80x32xf32, #tpu.memory_space<vmem_shared>>
        %dma_wait3A_136 = arith.constant 0 : i32
        %dma_wait3A_137 = tpu.memref_slice %arg17[%mul3A_131, %dma_wait3A_136] : memref<10000x32xf32, #tpu.memory_space<vmem_shared>> -> memref<80x32xf32, #tpu.memory_space<vmem_shared>>
        tpu.wait_dma2 semaphore(%run_scoped3A : memref<!tpu.dma_semaphore, #tpu.memory_space<semaphore_mem>>) src(%arg16 : memref<80x32xf32, #tpu.memory_space<vmem>>) dst(%dma_wait3A_137 : memref<80x32xf32, #tpu.memory_space<vmem_shared>>)
        tpu.yield
      }) : () -> ()
    } else {
    }
    %add3A_8 = arith.constant 16 : i32
    %add3A_9 = arith.addi %arg1, %add3A_8 : i32
    %lt3A_10 = arith.constant 125 : i32
    %lt3A_11 = arith.cmpi slt, %add3A_9, %lt3A_10 : i32
    %convert_element_type3A_12 = arith.extui %lt3A_11 : i1 to i32
    %cond3A_13 = arith.constant 0 : i32
    %cond3A_14 = arith.cmpi ne, %convert_element_type3A_12, %cond3A_13 : i32
    scf.if %cond3A_14 {
      %mul3A_130 = arith.constant 80 : i32
      %mul3A_131 = arith.muli %add3A_9, %mul3A_130 : i32
      "tpu.region"() ({
        %run_scoped3A = tpu.sem_alloc : memref<!tpu.dma_semaphore, #tpu.memory_space<semaphore_mem>>
        %dma_start3A = arith.constant 0 : i32
        %dma_start3A_132 = tpu.memref_slice %arg17[%mul3A_131, %dma_start3A] : memref<10000x32xf32, #tpu.memory_space<vmem_shared>> -> memref<80x32xf32, #tpu.memory_space<vmem_shared>>
        %dma_start3A_133 = arith.constant 0 : i32
        %dma_start3A_134 = tpu.memref_slice %arg17[%mul3A_131, %dma_start3A_133] : memref<10000x32xf32, #tpu.memory_space<vmem_shared>> -> memref<80x32xf32, #tpu.memory_space<vmem_shared>>
        tpu.enqueue_dma source(%arg16 : memref<80x32xf32, #tpu.memory_space<vmem>>) target(%dma_start3A_134 : memref<80x32xf32, #tpu.memory_space<vmem_shared>>) target_semaphore(%run_scoped3A : memref<!tpu.dma_semaphore, #tpu.memory_space<semaphore_mem>>)
        %dma_wait3A = arith.constant 0 : i32
        %dma_wait3A_135 = tpu.memref_slice %arg17[%mul3A_131, %dma_wait3A] : memref<10000x32xf32, #tpu.memory_space<vmem_shared>> -> memref<80x32xf32, #tpu.memory_space<vmem_shared>>
        %dma_wait3A_136 = arith.constant 0 : i32
        %dma_wait3A_137 = tpu.memref_slice %arg17[%mul3A_131, %dma_wait3A_136] : memref<10000x32xf32, #tpu.memory_space<vmem_shared>> -> memref<80x32xf32, #tpu.memory_space<vmem_shared>>
        tpu.wait_dma2 semaphore(%run_scoped3A : memref<!tpu.dma_semaphore, #tpu.memory_space<semaphore_mem>>) src(%arg16 : memref<80x32xf32, #tpu.memory_space<vmem>>) dst(%dma_wait3A_137 : memref<80x32xf32, #tpu.memory_space<vmem_shared>>)
        tpu.yield
      }) : () -> ()
    } else {
    }
    %add3A_15 = arith.constant 32 : i32
    %add3A_16 = arith.addi %arg1, %add3A_15 : i32
    %lt3A_17 = arith.constant 125 : i32
    %lt3A_18 = arith.cmpi slt, %add3A_16, %lt3A_17 : i32
    %convert_element_type3A_19 = arith.extui %lt3A_18 : i1 to i32
    %cond3A_20 = arith.constant 0 : i32
    %cond3A_21 = arith.cmpi ne, %convert_element_type3A_19, %cond3A_20 : i32
    scf.if %cond3A_21 {
      %mul3A_130 = arith.constant 80 : i32
      %mul3A_131 = arith.muli %add3A_16, %mul3A_130 : i32
      "tpu.region"() ({
        %run_scoped3A = tpu.sem_alloc : memref<!tpu.dma_semaphore, #tpu.memory_space<semaphore_mem>>
        %dma_start3A = arith.constant 0 : i32
        %dma_start3A_132 = tpu.memref_slice %arg17[%mul3A_131, %dma_start3A] : memref<10000x32xf32, #tpu.memory_space<vmem_shared>> -> memref<80x32xf32, #tpu.memory_space<vmem_shared>>
        %dma_start3A_133 = arith.constant 0 : i32
        %dma_start3A_134 = tpu.memref_slice %arg17[%mul3A_131, %dma_start3A_133] : memref<10000x32xf32, #tpu.memory_space<vmem_shared>> -> memref<80x32xf32, #tpu.memory_space<vmem_shared>>
        tpu.enqueue_dma source(%arg16 : memref<80x32xf32, #tpu.memory_space<vmem>>) target(%dma_start3A_134 : memref<80x32xf32, #tpu.memory_space<vmem_shared>>) target_semaphore(%run_scoped3A : memref<!tpu.dma_semaphore, #tpu.memory_space<semaphore_mem>>)
        %dma_wait3A = arith.constant 0 : i32
        %dma_wait3A_135 = tpu.memref_slice %arg17[%mul3A_131, %dma_wait3A] : memref<10000x32xf32, #tpu.memory_space<vmem_shared>> -> memref<80x32xf32, #tpu.memory_space<vmem_shared>>
        %dma_wait3A_136 = arith.constant 0 : i32
        %dma_wait3A_137 = tpu.memref_slice %arg17[%mul3A_131, %dma_wait3A_136] : memref<10000x32xf32, #tpu.memory_space<vmem_shared>> -> memref<80x32xf32, #tpu.memory_space<vmem_shared>>
        tpu.wait_dma2 semaphore(%run_scoped3A : memref<!tpu.dma_semaphore, #tpu.memory_space<semaphore_mem>>) src(%arg16 : memref<80x32xf32, #tpu.memory_space<vmem>>) dst(%dma_wait3A_137 : memref<80x32xf32, #tpu.memory_space<vmem_shared>>)
        tpu.yield
      }) : () -> ()
    } else {
    }
    %add3A_22 = arith.constant 48 : i32
    %add3A_23 = arith.addi %arg1, %add3A_22 : i32
    %lt3A_24 = arith.constant 125 : i32
    %lt3A_25 = arith.cmpi slt, %add3A_23, %lt3A_24 : i32
    %convert_element_type3A_26 = arith.extui %lt3A_25 : i1 to i32
    %cond3A_27 = arith.constant 0 : i32
    %cond3A_28 = arith.cmpi ne, %convert_element_type3A_26, %cond3A_27 : i32
    scf.if %cond3A_28 {
      %mul3A_130 = arith.constant 80 : i32
      %mul3A_131 = arith.muli %add3A_23, %mul3A_130 : i32
      "tpu.region"() ({
        %run_scoped3A = tpu.sem_alloc : memref<!tpu.dma_semaphore, #tpu.memory_space<semaphore_mem>>
        %dma_start3A = arith.constant 0 : i32
        %dma_start3A_132 = tpu.memref_slice %arg17[%mul3A_131, %dma_start3A] : memref<10000x32xf32, #tpu.memory_space<vmem_shared>> -> memref<80x32xf32, #tpu.memory_space<vmem_shared>>
        %dma_start3A_133 = arith.constant 0 : i32
        %dma_start3A_134 = tpu.memref_slice %arg17[%mul3A_131, %dma_start3A_133] : memref<10000x32xf32, #tpu.memory_space<vmem_shared>> -> memref<80x32xf32, #tpu.memory_space<vmem_shared>>
        tpu.enqueue_dma source(%arg16 : memref<80x32xf32, #tpu.memory_space<vmem>>) target(%dma_start3A_134 : memref<80x32xf32, #tpu.memory_space<vmem_shared>>) target_semaphore(%run_scoped3A : memref<!tpu.dma_semaphore, #tpu.memory_space<semaphore_mem>>)
        %dma_wait3A = arith.constant 0 : i32
        %dma_wait3A_135 = tpu.memref_slice %arg17[%mul3A_131, %dma_wait3A] : memref<10000x32xf32, #tpu.memory_space<vmem_shared>> -> memref<80x32xf32, #tpu.memory_space<vmem_shared>>
        %dma_wait3A_136 = arith.constant 0 : i32
        %dma_wait3A_137 = tpu.memref_slice %arg17[%mul3A_131, %dma_wait3A_136] : memref<10000x32xf32, #tpu.memory_space<vmem_shared>> -> memref<80x32xf32, #tpu.memory_space<vmem_shared>>
        tpu.wait_dma2 semaphore(%run_scoped3A : memref<!tpu.dma_semaphore, #tpu.memory_space<semaphore_mem>>) src(%arg16 : memref<80x32xf32, #tpu.memory_space<vmem>>) dst(%dma_wait3A_137 : memref<80x32xf32, #tpu.memory_space<vmem_shared>>)
        tpu.yield
      }) : () -> ()
    } else {
    }
    %add3A_29 = arith.constant 64 : i32
    %add3A_30 = arith.addi %arg1, %add3A_29 : i32
    %lt3A_31 = arith.constant 125 : i32
    %lt3A_32 = arith.cmpi slt, %add3A_30, %lt3A_31 : i32
    %convert_element_type3A_33 = arith.extui %lt3A_32 : i1 to i32
    %cond3A_34 = arith.constant 0 : i32
    %cond3A_35 = arith.cmpi ne, %convert_element_type3A_33, %cond3A_34 : i32
    scf.if %cond3A_35 {
      %mul3A_130 = arith.constant 80 : i32
      %mul3A_131 = arith.muli %add3A_30, %mul3A_130 : i32
      "tpu.region"() ({
        %run_scoped3A = tpu.sem_alloc : memref<!tpu.dma_semaphore, #tpu.memory_space<semaphore_mem>>
        %dma_start3A = arith.constant 0 : i32
        %dma_start3A_132 = tpu.memref_slice %arg17[%mul3A_131, %dma_start3A] : memref<10000x32xf32, #tpu.memory_space<vmem_shared>> -> memref<80x32xf32, #tpu.memory_space<vmem_shared>>
        %dma_start3A_133 = arith.constant 0 : i32
        %dma_start3A_134 = tpu.memref_slice %arg17[%mul3A_131, %dma_start3A_133] : memref<10000x32xf32, #tpu.memory_space<vmem_shared>> -> memref<80x32xf32, #tpu.memory_space<vmem_shared>>
        tpu.enqueue_dma source(%arg16 : memref<80x32xf32, #tpu.memory_space<vmem>>) target(%dma_start3A_134 : memref<80x32xf32, #tpu.memory_space<vmem_shared>>) target_semaphore(%run_scoped3A : memref<!tpu.dma_semaphore, #tpu.memory_space<semaphore_mem>>)
        %dma_wait3A = arith.constant 0 : i32
        %dma_wait3A_135 = tpu.memref_slice %arg17[%mul3A_131, %dma_wait3A] : memref<10000x32xf32, #tpu.memory_space<vmem_shared>> -> memref<80x32xf32, #tpu.memory_space<vmem_shared>>
        %dma_wait3A_136 = arith.constant 0 : i32
        %dma_wait3A_137 = tpu.memref_slice %arg17[%mul3A_131, %dma_wait3A_136] : memref<10000x32xf32, #tpu.memory_space<vmem_shared>> -> memref<80x32xf32, #tpu.memory_space<vmem_shared>>
        tpu.wait_dma2 semaphore(%run_scoped3A : memref<!tpu.dma_semaphore, #tpu.memory_space<semaphore_mem>>) src(%arg16 : memref<80x32xf32, #tpu.memory_space<vmem>>) dst(%dma_wait3A_137 : memref<80x32xf32, #tpu.memory_space<vmem_shared>>)
        tpu.yield
      }) : () -> ()
    } else {
    }
    %add3A_36 = arith.constant 80 : i32
    %add3A_37 = arith.addi %arg1, %add3A_36 : i32
    %lt3A_38 = arith.constant 125 : i32
    %lt3A_39 = arith.cmpi slt, %add3A_37, %lt3A_38 : i32
    %convert_element_type3A_40 = arith.extui %lt3A_39 : i1 to i32
    %cond3A_41 = arith.constant 0 : i32
    %cond3A_42 = arith.cmpi ne, %convert_element_type3A_40, %cond3A_41 : i32
    scf.if %cond3A_42 {
      %mul3A_130 = arith.constant 80 : i32
      %mul3A_131 = arith.muli %add3A_37, %mul3A_130 : i32
      "tpu.region"() ({
        %run_scoped3A = tpu.sem_alloc : memref<!tpu.dma_semaphore, #tpu.memory_space<semaphore_mem>>
        %dma_start3A = arith.constant 0 : i32
        %dma_start3A_132 = tpu.memref_slice %arg17[%mul3A_131, %dma_start3A] : memref<10000x32xf32, #tpu.memory_space<vmem_shared>> -> memref<80x32xf32, #tpu.memory_space<vmem_shared>>
        %dma_start3A_133 = arith.constant 0 : i32
        %dma_start3A_134 = tpu.memref_slice %arg17[%mul3A_131, %dma_start3A_133] : memref<10000x32xf32, #tpu.memory_space<vmem_shared>> -> memref<80x32xf32, #tpu.memory_space<vmem_shared>>
        tpu.enqueue_dma source(%arg16 : memref<80x32xf32, #tpu.memory_space<vmem>>) target(%dma_start3A_134 : memref<80x32xf32, #tpu.memory_space<vmem_shared>>) target_semaphore(%run_scoped3A : memref<!tpu.dma_semaphore, #tpu.memory_space<semaphore_mem>>)
        %dma_wait3A = arith.constant 0 : i32
        %dma_wait3A_135 = tpu.memref_slice %arg17[%mul3A_131, %dma_wait3A] : memref<10000x32xf32, #tpu.memory_space<vmem_shared>> -> memref<80x32xf32, #tpu.memory_space<vmem_shared>>
        %dma_wait3A_136 = arith.constant 0 : i32
        %dma_wait3A_137 = tpu.memref_slice %arg17[%mul3A_131, %dma_wait3A_136] : memref<10000x32xf32, #tpu.memory_space<vmem_shared>> -> memref<80x32xf32, #tpu.memory_space<vmem_shared>>
        tpu.wait_dma2 semaphore(%run_scoped3A : memref<!tpu.dma_semaphore, #tpu.memory_space<semaphore_mem>>) src(%arg16 : memref<80x32xf32, #tpu.memory_space<vmem>>) dst(%dma_wait3A_137 : memref<80x32xf32, #tpu.memory_space<vmem_shared>>)
        tpu.yield
      }) : () -> ()
    } else {
    }
    %add3A_43 = arith.constant 96 : i32
    %add3A_44 = arith.addi %arg1, %add3A_43 : i32
    %lt3A_45 = arith.constant 125 : i32
    %lt3A_46 = arith.cmpi slt, %add3A_44, %lt3A_45 : i32
    %convert_element_type3A_47 = arith.extui %lt3A_46 : i1 to i32
    %cond3A_48 = arith.constant 0 : i32
    %cond3A_49 = arith.cmpi ne, %convert_element_type3A_47, %cond3A_48 : i32
    scf.if %cond3A_49 {
      %mul3A_130 = arith.constant 80 : i32
      %mul3A_131 = arith.muli %add3A_44, %mul3A_130 : i32
      "tpu.region"() ({
        %run_scoped3A = tpu.sem_alloc : memref<!tpu.dma_semaphore, #tpu.memory_space<semaphore_mem>>
        %dma_start3A = arith.constant 0 : i32
        %dma_start3A_132 = tpu.memref_slice %arg17[%mul3A_131, %dma_start3A] : memref<10000x32xf32, #tpu.memory_space<vmem_shared>> -> memref<80x32xf32, #tpu.memory_space<vmem_shared>>
        %dma_start3A_133 = arith.constant 0 : i32
        %dma_start3A_134 = tpu.memref_slice %arg17[%mul3A_131, %dma_start3A_133] : memref<10000x32xf32, #tpu.memory_space<vmem_shared>> -> memref<80x32xf32, #tpu.memory_space<vmem_shared>>
        tpu.enqueue_dma source(%arg16 : memref<80x32xf32, #tpu.memory_space<vmem>>) target(%dma_start3A_134 : memref<80x32xf32, #tpu.memory_space<vmem_shared>>) target_semaphore(%run_scoped3A : memref<!tpu.dma_semaphore, #tpu.memory_space<semaphore_mem>>)
        %dma_wait3A = arith.constant 0 : i32
        %dma_wait3A_135 = tpu.memref_slice %arg17[%mul3A_131, %dma_wait3A] : memref<10000x32xf32, #tpu.memory_space<vmem_shared>> -> memref<80x32xf32, #tpu.memory_space<vmem_shared>>
        %dma_wait3A_136 = arith.constant 0 : i32
        %dma_wait3A_137 = tpu.memref_slice %arg17[%mul3A_131, %dma_wait3A_136] : memref<10000x32xf32, #tpu.memory_space<vmem_shared>> -> memref<80x32xf32, #tpu.memory_space<vmem_shared>>
        tpu.wait_dma2 semaphore(%run_scoped3A : memref<!tpu.dma_semaphore, #tpu.memory_space<semaphore_mem>>) src(%arg16 : memref<80x32xf32, #tpu.memory_space<vmem>>) dst(%dma_wait3A_137 : memref<80x32xf32, #tpu.memory_space<vmem_shared>>)
        tpu.yield
      }) : () -> ()
    } else {
    }
    %add3A_50 = arith.constant 112 : i32
    %add3A_51 = arith.addi %arg1, %add3A_50 : i32
    %lt3A_52 = arith.constant 125 : i32
    %lt3A_53 = arith.cmpi slt, %add3A_51, %lt3A_52 : i32
    %convert_element_type3A_54 = arith.extui %lt3A_53 : i1 to i32
    %cond3A_55 = arith.constant 0 : i32
    %cond3A_56 = arith.cmpi ne, %convert_element_type3A_54, %cond3A_55 : i32
    scf.if %cond3A_56 {
      %mul3A_130 = arith.constant 80 : i32
      %mul3A_131 = arith.muli %add3A_51, %mul3A_130 : i32
      "tpu.region"() ({
        %run_scoped3A = tpu.sem_alloc : memref<!tpu.dma_semaphore, #tpu.memory_space<semaphore_mem>>
        %dma_start3A = arith.constant 0 : i32
        %dma_start3A_132 = tpu.memref_slice %arg17[%mul3A_131, %dma_start3A] : memref<10000x32xf32, #tpu.memory_space<vmem_shared>> -> memref<80x32xf32, #tpu.memory_space<vmem_shared>>
        %dma_start3A_133 = arith.constant 0 : i32
        %dma_start3A_134 = tpu.memref_slice %arg17[%mul3A_131, %dma_start3A_133] : memref<10000x32xf32, #tpu.memory_space<vmem_shared>> -> memref<80x32xf32, #tpu.memory_space<vmem_shared>>
        tpu.enqueue_dma source(%arg16 : memref<80x32xf32, #tpu.memory_space<vmem>>) target(%dma_start3A_134 : memref<80x32xf32, #tpu.memory_space<vmem_shared>>) target_semaphore(%run_scoped3A : memref<!tpu.dma_semaphore, #tpu.memory_space<semaphore_mem>>)
        %dma_wait3A = arith.constant 0 : i32
        %dma_wait3A_135 = tpu.memref_slice %arg17[%mul3A_131, %dma_wait3A] : memref<10000x32xf32, #tpu.memory_space<vmem_shared>> -> memref<80x32xf32, #tpu.memory_space<vmem_shared>>
        %dma_wait3A_136 = arith.constant 0 : i32
        %dma_wait3A_137 = tpu.memref_slice %arg17[%mul3A_131, %dma_wait3A_136] : memref<10000x32xf32, #tpu.memory_space<vmem_shared>> -> memref<80x32xf32, #tpu.memory_space<vmem_shared>>
        tpu.wait_dma2 semaphore(%run_scoped3A : memref<!tpu.dma_semaphore, #tpu.memory_space<semaphore_mem>>) src(%arg16 : memref<80x32xf32, #tpu.memory_space<vmem>>) dst(%dma_wait3A_137 : memref<80x32xf32, #tpu.memory_space<vmem_shared>>)
        tpu.yield
      }) : () -> ()
    } else {
    }
    %mul3A = arith.constant 10000 : i32
    %mul3A_57 = arith.muli %arg0, %mul3A : i32
    %add3A_58 = arith.constant 20000 : i32
    %add3A_59 = arith.addi %add3A_58, %mul3A_57 : i32
    %mul3A_60 = arith.constant 10000 : i32
    %mul3A_61 = arith.muli %arg0, %mul3A_60 : i32
    "tpu.region"() ({
      %run_scoped3A = tpu.sem_alloc : memref<!tpu.dma_semaphore, #tpu.memory_space<semaphore_mem>>
      %dma_start3A = tpu.memref_slice %arg5[%mul3A_61] : memref<40000xf32, #tpu.memory_space<hbm>> -> memref<10000xf32, #tpu.memory_space<hbm>>
      %dma_start3A_130 = tpu.memref_slice %arg5[%mul3A_61] : memref<40000xf32, #tpu.memory_space<hbm>> -> memref<10000xf32, #tpu.memory_space<hbm>>
      tpu.enqueue_dma source(%dma_start3A_130 : memref<10000xf32, #tpu.memory_space<hbm>>) target(%arg14 : memref<10000xf32, #tpu.memory_space<vmem>>) target_semaphore(%run_scoped3A : memref<!tpu.dma_semaphore, #tpu.memory_space<semaphore_mem>>)
      %dma_wait3A = tpu.memref_slice %arg5[%mul3A_61] : memref<40000xf32, #tpu.memory_space<hbm>> -> memref<10000xf32, #tpu.memory_space<hbm>>
      %dma_wait3A_131 = tpu.memref_slice %arg5[%mul3A_61] : memref<40000xf32, #tpu.memory_space<hbm>> -> memref<10000xf32, #tpu.memory_space<hbm>>
      tpu.wait_dma2 semaphore(%run_scoped3A : memref<!tpu.dma_semaphore, #tpu.memory_space<semaphore_mem>>) src(%dma_wait3A_131 : memref<10000xf32, #tpu.memory_space<hbm>>) dst(%arg14 : memref<10000xf32, #tpu.memory_space<vmem>>)
      tpu.yield
    }) : () -> ()
    "tpu.region"() ({
      %run_scoped3A = tpu.sem_alloc : memref<!tpu.dma_semaphore, #tpu.memory_space<semaphore_mem>>
      %dma_start3A = tpu.memref_slice %arg6[%add3A_59] : memref<40000xf32, #tpu.memory_space<hbm>> -> memref<10000xf32, #tpu.memory_space<hbm>>
      %dma_start3A_130 = tpu.memref_slice %arg6[%add3A_59] : memref<40000xf32, #tpu.memory_space<hbm>> -> memref<10000xf32, #tpu.memory_space<hbm>>
      tpu.enqueue_dma source(%dma_start3A_130 : memref<10000xf32, #tpu.memory_space<hbm>>) target(%arg15 : memref<10000xf32, #tpu.memory_space<vmem>>) target_semaphore(%run_scoped3A : memref<!tpu.dma_semaphore, #tpu.memory_space<semaphore_mem>>)
      %dma_wait3A = tpu.memref_slice %arg6[%add3A_59] : memref<40000xf32, #tpu.memory_space<hbm>> -> memref<10000xf32, #tpu.memory_space<hbm>>
      %dma_wait3A_131 = tpu.memref_slice %arg6[%add3A_59] : memref<40000xf32, #tpu.memory_space<hbm>> -> memref<10000xf32, #tpu.memory_space<hbm>>
      tpu.wait_dma2 semaphore(%run_scoped3A : memref<!tpu.dma_semaphore, #tpu.memory_space<semaphore_mem>>) src(%dma_wait3A_131 : memref<10000xf32, #tpu.memory_space<hbm>>) dst(%arg15 : memref<10000xf32, #tpu.memory_space<vmem>>)
      tpu.yield
    }) : () -> ()
    %barrier3A = arith.constant 0 : index
    tpu.barrier barrier_id(%barrier3A)
    %mul3A_62 = arith.constant 320000 : i32
    %mul3A_63 = arith.muli %arg0, %mul3A_62 : i32
    %mul3A_64 = arith.constant 20000 : i32
    %mul3A_65 = arith.muli %arg1, %mul3A_64 : i32
    %add3A_66 = arith.addi %mul3A_63, %mul3A_65 : i32
    %scan3A_67 = arith.constant 0 : i32
    %scan3A_68 = arith.constant 0 : i32
    %scan3A_69 = arith.constant 250 : i32
    %scan3A_70 = arith.addi %scan3A_68, %scan3A_69 : i32
    %scan3A_71 = arith.constant 1 : i32
    scf.for %scan3A_130 = %scan3A_68 to %scan3A_70 step %scan3A_71  : i32 {
      %mul3A_131 = arith.constant 80 : i32
      %mul3A_132 = arith.muli %scan3A_130, %mul3A_131 : i32
      %add3A_133 = arith.addi %add3A_66, %mul3A_132 : i32
      "tpu.region"() ({
        %run_scoped3A = tpu.sem_alloc : memref<!tpu.dma_semaphore, #tpu.memory_space<semaphore_mem>>
        %dma_start3A_150 = tpu.memref_slice %arg2[%add3A_133] : memref<640000xi32, #tpu.memory_space<hbm>> -> memref<80xi32, #tpu.memory_space<hbm>>
        %dma_start3A_151 = tpu.memref_slice %arg2[%add3A_133] : memref<640000xi32, #tpu.memory_space<hbm>> -> memref<80xi32, #tpu.memory_space<hbm>>
        tpu.enqueue_dma source(%dma_start3A_151 : memref<80xi32, #tpu.memory_space<hbm>>) target(%arg8 : memref<80xi32, #tpu.memory_space<vmem>>) target_semaphore(%run_scoped3A : memref<!tpu.dma_semaphore, #tpu.memory_space<semaphore_mem>>)
        %dma_wait3A_152 = tpu.memref_slice %arg2[%add3A_133] : memref<640000xi32, #tpu.memory_space<hbm>> -> memref<80xi32, #tpu.memory_space<hbm>>
        %dma_wait3A_153 = tpu.memref_slice %arg2[%add3A_133] : memref<640000xi32, #tpu.memory_space<hbm>> -> memref<80xi32, #tpu.memory_space<hbm>>
        tpu.wait_dma2 semaphore(%run_scoped3A : memref<!tpu.dma_semaphore, #tpu.memory_space<semaphore_mem>>) src(%dma_wait3A_153 : memref<80xi32, #tpu.memory_space<hbm>>) dst(%arg8 : memref<80xi32, #tpu.memory_space<vmem>>)
        tpu.yield
      }) : () -> ()
      "tpu.region"() ({
        %run_scoped3A = tpu.sem_alloc : memref<!tpu.dma_semaphore, #tpu.memory_space<semaphore_mem>>
        %dma_start3A_150 = tpu.memref_slice %arg3[%add3A_133] : memref<640000xi32, #tpu.memory_space<hbm>> -> memref<80xi32, #tpu.memory_space<hbm>>
        %dma_start3A_151 = tpu.memref_slice %arg3[%add3A_133] : memref<640000xi32, #tpu.memory_space<hbm>> -> memref<80xi32, #tpu.memory_space<hbm>>
        tpu.enqueue_dma source(%dma_start3A_151 : memref<80xi32, #tpu.memory_space<hbm>>) target(%arg9 : memref<80xi32, #tpu.memory_space<vmem>>) target_semaphore(%run_scoped3A : memref<!tpu.dma_semaphore, #tpu.memory_space<semaphore_mem>>)
        %dma_wait3A_152 = tpu.memref_slice %arg3[%add3A_133] : memref<640000xi32, #tpu.memory_space<hbm>> -> memref<80xi32, #tpu.memory_space<hbm>>
        %dma_wait3A_153 = tpu.memref_slice %arg3[%add3A_133] : memref<640000xi32, #tpu.memory_space<hbm>> -> memref<80xi32, #tpu.memory_space<hbm>>
        tpu.wait_dma2 semaphore(%run_scoped3A : memref<!tpu.dma_semaphore, #tpu.memory_space<semaphore_mem>>) src(%dma_wait3A_153 : memref<80xi32, #tpu.memory_space<hbm>>) dst(%arg9 : memref<80xi32, #tpu.memory_space<vmem>>)
        tpu.yield
      }) : () -> ()
      %dma_start3A = arith.constant 0 : i32
      %dma_start3A_134 = arith.constant 0 : i32
      %dma_start3A_135 = tpu.memref_slice %arg4[%dma_start3A, %dma_start3A_134] : memref<40000x16xf32, #tpu.memory_space<hbm>> -> memref<40000x16xf32, #tpu.memory_space<hbm>>
      tpu.enqueue_indirect_dma source(%dma_start3A_135 : memref<40000x16xf32, #tpu.memory_space<hbm>>) target(%arg11 : memref<80x16xf32, #tpu.memory_space<vmem>>) offsets(%arg8 : memref<80xi32, #tpu.memory_space<vmem>>) semaphore(%arg18 : memref<!tpu.dma_semaphore, #tpu.memory_space<semaphore_mem>>)
      %dma_wait3A = arith.constant 0 : i32
      %dma_wait3A_136 = arith.constant 0 : i32
      %dma_wait3A_137 = tpu.memref_slice %arg4[%dma_wait3A, %dma_wait3A_136] : memref<40000x16xf32, #tpu.memory_space<hbm>> -> memref<40000x16xf32, #tpu.memory_space<hbm>>
      tpu.wait_indirect_dma semaphore(%arg18 : memref<!tpu.dma_semaphore, #tpu.memory_space<semaphore_mem>>) src(%dma_wait3A_137 : memref<40000x16xf32, #tpu.memory_space<hbm>>) dst(%arg11 : memref<80x16xf32, #tpu.memory_space<vmem>>)
      %scan3A_138 = arith.constant 0 : i32
      %scan3A_139 = arith.constant 0 : i32
      %scan3A_140 = arith.constant 5 : i32
      %scan3A_141 = arith.addi %scan3A_139, %scan3A_140 : i32
      %scan3A_142 = arith.constant 1 : i32
      scf.for %scan3A_150 = %scan3A_139 to %scan3A_141 step %scan3A_142  : i32 {
        %mul3A_151 = arith.constant 16 : i32
        %mul3A_152 = arith.muli %scan3A_150, %mul3A_151 : i32
        %get3A = arith.index_cast %mul3A_152 : i32 to index
        %get3A_153 = tpu.vector_load %arg9[%get3A] {strides = array<i32>} : memref<80xi32, #tpu.memory_space<vmem>>, vector<16xi32>,
        %sub3A = vector.broadcast %add3A_59 : i32 to vector<16xi32>
        %sub3A_154 = arith.subi %get3A_153, %sub3A : vector<16xi32>
        %mul3A_155 = arith.constant 16 : i32
        %mul3A_156 = arith.muli %scan3A_150, %mul3A_155 : i32
        %swap3A = arith.index_cast %mul3A_156 : i32 to index
        %swap3A_157 = tpu.vector_load %arg10[%swap3A] {strides = array<i32>} : memref<80xi32, #tpu.memory_space<vmem>>, vector<16xi32>,
        tpu.vector_store %arg10[%swap3A], %sub3A_154 {strides = array<i32>} : memref<80xi32, #tpu.memory_space<vmem>>, vector<16xi32>,
        %mul3A_158 = arith.constant 16 : i32
        %mul3A_159 = arith.muli %scan3A_150, %mul3A_158 : i32
        %get3A_160 = arith.index_cast %mul3A_159 : i32 to index
        %get3A_161 = tpu.vector_load %arg8[%get3A_160] {strides = array<i32>} : memref<80xi32, #tpu.memory_space<vmem>>, vector<16xi32>,
        %sub3A_162 = vector.broadcast %mul3A_61 : i32 to vector<16xi32>
        %sub3A_163 = arith.subi %get3A_161, %sub3A_162 : vector<16xi32>
        %gather3A = tpu.vector_load_idx %arg14[%sub3A_163] : memref<10000xf32, #tpu.memory_space<vmem>>[vector<16xi32>], vector<16xf32>,
        %gather3A_164 = tpu.vector_load_idx %arg15[%sub3A_154] : memref<10000xf32, #tpu.memory_space<vmem>>[vector<16xi32>], vector<16xf32>,
        %add3A_165 = arith.addf %gather3A, %gather3A_164 : vector<16xf32>
        %mul3A_166 = arith.constant 2.000000e-01 : f32
        %mul3A_167 = vector.broadcast %mul3A_166 : f32 to vector<16xf32>
        %mul3A_168 = arith.mulf %mul3A_167, %add3A_165 : vector<16xf32>
        %max3A = arith.maximumf %add3A_165, %mul3A_168 : vector<16xf32>
        %exp3A = math.exp %max3A : vector<16xf32>
        %mul3A_169 = arith.constant 16 : i32
        %mul3A_170 = arith.muli %scan3A_150, %mul3A_169 : i32
        %swap3A_171 = arith.index_cast %mul3A_170 : i32 to index
        %swap3A_172 = tpu.vector_load %arg12[%swap3A_171] {strides = array<i32>} : memref<96xf32, #tpu.memory_space<vmem>>, vector<16xf32>,
        tpu.vector_store %arg12[%swap3A_171], %exp3A {strides = array<i32>} : memref<96xf32, #tpu.memory_space<vmem>>, vector<16xf32>,
      }
      %scan3A_143 = arith.constant 5 : i32
      %scan3A_144 = arith.constant 0 : i32
      %scan3A_145 = arith.constant 0 : i32
      %scan3A_146 = arith.constant 80 : i32
      %scan3A_147 = arith.addi %scan3A_145, %scan3A_146 : i32
      %scan3A_148 = arith.constant 1 : i32
      scf.for %scan3A_150 = %scan3A_145 to %scan3A_147 step %scan3A_148  : i32 {
        %broadcast_in_dim3A = vector.broadcast %scan3A_150 : i32 to vector<16xi32>
        %gather3A = tpu.vector_load_idx %arg12[%broadcast_in_dim3A] : memref<96xf32, #tpu.memory_space<vmem>>[vector<16xi32>], vector<16xf32>,
        %get3A = arith.index_cast %scan3A_150 : i32 to index
        %get3A_151 = arith.constant 0 : index
        %get3A_152 = tpu.vector_load %arg11[%get3A, %get3A_151] {strides = array<i32>} : memref<80x16xf32, #tpu.memory_space<vmem>>, vector<16xf32>,
        %mul3A_153 = arith.mulf %get3A_152, %gather3A : vector<16xf32>
        %swap3A = arith.index_cast %scan3A_150 : i32 to index
        %swap3A_154 = arith.constant 0 : index
        %swap3A_155 = tpu.vector_load %arg13[%swap3A, %swap3A_154] {strides = array<i32>} : memref<80x32xf32, #tpu.memory_space<vmem>>, vector<16xf32>,
        tpu.vector_store %arg13[%swap3A, %swap3A_154], %mul3A_153 {strides = array<i32>} : memref<80x32xf32, #tpu.memory_space<vmem>>, vector<16xf32>,
        %get3A_156 = arith.index_cast %scan3A_150 : i32 to index
        %get3A_157 = tpu.vector_load %arg12[%get3A_156] {strides = array<i32>} : memref<96xf32, #tpu.memory_space<vmem>>, vector<16xf32>,
        %swap3A_158 = arith.index_cast %scan3A_150 : i32 to index
        %swap3A_159 = arith.constant 16 : index
        %swap3A_160 = tpu.vector_load %arg13[%swap3A_158, %swap3A_159] {strides = array<i32>} : memref<80x32xf32, #tpu.memory_space<vmem>>, vector<16xf32>,
        tpu.vector_store %arg13[%swap3A_158, %swap3A_159], %get3A_157 {strides = array<i32>} : memref<80x32xf32, #tpu.memory_space<vmem>>, vector<16xf32>,
      }
      %scan3A_149 = arith.constant 80 : i32
      "tpu.region"() ({
        %run_scoped3A = tpu.sem_alloc : memref<!tpu.dma_semaphore, #tpu.memory_space<semaphore_mem>>
        %dma_start3A_150 = arith.constant 0 : i32
        %dma_start3A_151 = arith.constant 0 : i32
        %dma_start3A_152 = tpu.memref_slice %arg17[%dma_start3A_150, %dma_start3A_151] : memref<10000x32xf32, #tpu.memory_space<vmem_shared>> -> memref<10000x32xf32, #tpu.memory_space<vmem_shared>>
        tpu.enqueue_indirect_dma source(%arg13 : memref<80x32xf32, #tpu.memory_space<vmem>>) target(%dma_start3A_152 : memref<10000x32xf32, #tpu.memory_space<vmem_shared>>) offsets(%arg10 : memref<80xi32, #tpu.memory_space<vmem>>) semaphore(%run_scoped3A : memref<!tpu.dma_semaphore, #tpu.memory_space<semaphore_mem>>) {add = true}
        %dma_wait3A_153 = arith.constant 0 : i32
        %dma_wait3A_154 = arith.constant 0 : i32
        %dma_wait3A_155 = tpu.memref_slice %arg17[%dma_wait3A_153, %dma_wait3A_154] : memref<10000x32xf32, #tpu.memory_space<vmem_shared>> -> memref<10000x32xf32, #tpu.memory_space<vmem_shared>>
        tpu.wait_indirect_dma semaphore(%run_scoped3A : memref<!tpu.dma_semaphore, #tpu.memory_space<semaphore_mem>>) src(%arg13 : memref<80x32xf32, #tpu.memory_space<vmem>>) dst(%dma_wait3A_155 : memref<10000x32xf32, #tpu.memory_space<vmem_shared>>)
        tpu.yield
      }) : () -> ()
    }
    %scan3A_72 = arith.constant 250 : i32
    %barrier3A_73 = arith.constant 0 : index
    tpu.barrier barrier_id(%barrier3A_73)
    %add3A_74 = arith.constant 0 : i32
    %add3A_75 = arith.addi %arg1, %add3A_74 : i32
    %lt3A_76 = arith.constant 125 : i32
    %lt3A_77 = arith.cmpi slt, %add3A_75, %lt3A_76 : i32
    %convert_element_type3A_78 = arith.extui %lt3A_77 : i1 to i32
    %cond3A_79 = arith.constant 0 : i32
    %cond3A_80 = arith.cmpi ne, %convert_element_type3A_78, %cond3A_79 : i32
    scf.if %cond3A_80 {
      %mul3A_130 = arith.constant 80 : i32
      %mul3A_131 = arith.muli %add3A_75, %mul3A_130 : i32
      %mul3A_132 = arith.constant 10000 : i32
      %mul3A_133 = arith.muli %arg0, %mul3A_132 : i32
      %add3A_134 = arith.addi %mul3A_133, %mul3A_131 : i32
      "tpu.region"() ({
        %run_scoped3A = tpu.sem_alloc : memref<!tpu.dma_semaphore, #tpu.memory_space<semaphore_mem>>
        %dma_start3A = arith.constant 0 : i32
        %dma_start3A_135 = tpu.memref_slice %arg7[%add3A_134, %dma_start3A] : memref<20000x32xf32, #tpu.memory_space<hbm>> -> memref<80x32xf32, #tpu.memory_space<hbm>>
        %dma_start3A_136 = arith.constant 0 : i32
        %dma_start3A_137 = tpu.memref_slice %arg17[%mul3A_131, %dma_start3A_136] : memref<10000x32xf32, #tpu.memory_space<vmem_shared>> -> memref<80x32xf32, #tpu.memory_space<vmem_shared>>
        tpu.enqueue_dma source(%dma_start3A_137 : memref<80x32xf32, #tpu.memory_space<vmem_shared>>) target(%dma_start3A_135 : memref<80x32xf32, #tpu.memory_space<hbm>>) target_semaphore(%run_scoped3A : memref<!tpu.dma_semaphore, #tpu.memory_space<semaphore_mem>>)
        %dma_wait3A = arith.constant 0 : i32
        %dma_wait3A_138 = tpu.memref_slice %arg7[%add3A_134, %dma_wait3A] : memref<20000x32xf32, #tpu.memory_space<hbm>> -> memref<80x32xf32, #tpu.memory_space<hbm>>
        %dma_wait3A_139 = arith.constant 0 : i32
        %dma_wait3A_140 = tpu.memref_slice %arg17[%mul3A_131, %dma_wait3A_139] : memref<10000x32xf32, #tpu.memory_space<vmem_shared>> -> memref<80x32xf32, #tpu.memory_space<vmem_shared>>
        tpu.wait_dma2 semaphore(%run_scoped3A : memref<!tpu.dma_semaphore, #tpu.memory_space<semaphore_mem>>) src(%dma_wait3A_140 : memref<80x32xf32, #tpu.memory_space<vmem_shared>>) dst(%dma_wait3A_138 : memref<80x32xf32, #tpu.memory_space<hbm>>)
        tpu.yield
      }) : () -> ()
    } else {
    }
    %add3A_81 = arith.constant 16 : i32
    %add3A_82 = arith.addi %arg1, %add3A_81 : i32
    %lt3A_83 = arith.constant 125 : i32
    %lt3A_84 = arith.cmpi slt, %add3A_82, %lt3A_83 : i32
    %convert_element_type3A_85 = arith.extui %lt3A_84 : i1 to i32
    %cond3A_86 = arith.constant 0 : i32
    %cond3A_87 = arith.cmpi ne, %convert_element_type3A_85, %cond3A_86 : i32
    scf.if %cond3A_87 {
      %mul3A_130 = arith.constant 80 : i32
      %mul3A_131 = arith.muli %add3A_82, %mul3A_130 : i32
      %mul3A_132 = arith.constant 10000 : i32
      %mul3A_133 = arith.muli %arg0, %mul3A_132 : i32
      %add3A_134 = arith.addi %mul3A_133, %mul3A_131 : i32
      "tpu.region"() ({
        %run_scoped3A = tpu.sem_alloc : memref<!tpu.dma_semaphore, #tpu.memory_space<semaphore_mem>>
        %dma_start3A = arith.constant 0 : i32
        %dma_start3A_135 = tpu.memref_slice %arg7[%add3A_134, %dma_start3A] : memref<20000x32xf32, #tpu.memory_space<hbm>> -> memref<80x32xf32, #tpu.memory_space<hbm>>
        %dma_start3A_136 = arith.constant 0 : i32
        %dma_start3A_137 = tpu.memref_slice %arg17[%mul3A_131, %dma_start3A_136] : memref<10000x32xf32, #tpu.memory_space<vmem_shared>> -> memref<80x32xf32, #tpu.memory_space<vmem_shared>>
        tpu.enqueue_dma source(%dma_start3A_137 : memref<80x32xf32, #tpu.memory_space<vmem_shared>>) target(%dma_start3A_135 : memref<80x32xf32, #tpu.memory_space<hbm>>) target_semaphore(%run_scoped3A : memref<!tpu.dma_semaphore, #tpu.memory_space<semaphore_mem>>)
        %dma_wait3A = arith.constant 0 : i32
        %dma_wait3A_138 = tpu.memref_slice %arg7[%add3A_134, %dma_wait3A] : memref<20000x32xf32, #tpu.memory_space<hbm>> -> memref<80x32xf32, #tpu.memory_space<hbm>>
        %dma_wait3A_139 = arith.constant 0 : i32
        %dma_wait3A_140 = tpu.memref_slice %arg17[%mul3A_131, %dma_wait3A_139] : memref<10000x32xf32, #tpu.memory_space<vmem_shared>> -> memref<80x32xf32, #tpu.memory_space<vmem_shared>>
        tpu.wait_dma2 semaphore(%run_scoped3A : memref<!tpu.dma_semaphore, #tpu.memory_space<semaphore_mem>>) src(%dma_wait3A_140 : memref<80x32xf32, #tpu.memory_space<vmem_shared>>) dst(%dma_wait3A_138 : memref<80x32xf32, #tpu.memory_space<hbm>>)
        tpu.yield
      }) : () -> ()
    } else {
    }
    %add3A_88 = arith.constant 32 : i32
    %add3A_89 = arith.addi %arg1, %add3A_88 : i32
    %lt3A_90 = arith.constant 125 : i32
    %lt3A_91 = arith.cmpi slt, %add3A_89, %lt3A_90 : i32
    %convert_element_type3A_92 = arith.extui %lt3A_91 : i1 to i32
    %cond3A_93 = arith.constant 0 : i32
    %cond3A_94 = arith.cmpi ne, %convert_element_type3A_92, %cond3A_93 : i32
    scf.if %cond3A_94 {
      %mul3A_130 = arith.constant 80 : i32
      %mul3A_131 = arith.muli %add3A_89, %mul3A_130 : i32
      %mul3A_132 = arith.constant 10000 : i32
      %mul3A_133 = arith.muli %arg0, %mul3A_132 : i32
      %add3A_134 = arith.addi %mul3A_133, %mul3A_131 : i32
      "tpu.region"() ({
        %run_scoped3A = tpu.sem_alloc : memref<!tpu.dma_semaphore, #tpu.memory_space<semaphore_mem>>
        %dma_start3A = arith.constant 0 : i32
        %dma_start3A_135 = tpu.memref_slice %arg7[%add3A_134, %dma_start3A] : memref<20000x32xf32, #tpu.memory_space<hbm>> -> memref<80x32xf32, #tpu.memory_space<hbm>>
        %dma_start3A_136 = arith.constant 0 : i32
        %dma_start3A_137 = tpu.memref_slice %arg17[%mul3A_131, %dma_start3A_136] : memref<10000x32xf32, #tpu.memory_space<vmem_shared>> -> memref<80x32xf32, #tpu.memory_space<vmem_shared>>
        tpu.enqueue_dma source(%dma_start3A_137 : memref<80x32xf32, #tpu.memory_space<vmem_shared>>) target(%dma_start3A_135 : memref<80x32xf32, #tpu.memory_space<hbm>>) target_semaphore(%run_scoped3A : memref<!tpu.dma_semaphore, #tpu.memory_space<semaphore_mem>>)
        %dma_wait3A = arith.constant 0 : i32
        %dma_wait3A_138 = tpu.memref_slice %arg7[%add3A_134, %dma_wait3A] : memref<20000x32xf32, #tpu.memory_space<hbm>> -> memref<80x32xf32, #tpu.memory_space<hbm>>
        %dma_wait3A_139 = arith.constant 0 : i32
        %dma_wait3A_140 = tpu.memref_slice %arg17[%mul3A_131, %dma_wait3A_139] : memref<10000x32xf32, #tpu.memory_space<vmem_shared>> -> memref<80x32xf32, #tpu.memory_space<vmem_shared>>
        tpu.wait_dma2 semaphore(%run_scoped3A : memref<!tpu.dma_semaphore, #tpu.memory_space<semaphore_mem>>) src(%dma_wait3A_140 : memref<80x32xf32, #tpu.memory_space<vmem_shared>>) dst(%dma_wait3A_138 : memref<80x32xf32, #tpu.memory_space<hbm>>)
        tpu.yield
      }) : () -> ()
    } else {
    }
    %add3A_95 = arith.constant 48 : i32
    %add3A_96 = arith.addi %arg1, %add3A_95 : i32
    %lt3A_97 = arith.constant 125 : i32
    %lt3A_98 = arith.cmpi slt, %add3A_96, %lt3A_97 : i32
    %convert_element_type3A_99 = arith.extui %lt3A_98 : i1 to i32
    %cond3A_100 = arith.constant 0 : i32
    %cond3A_101 = arith.cmpi ne, %convert_element_type3A_99, %cond3A_100 : i32
    scf.if %cond3A_101 {
      %mul3A_130 = arith.constant 80 : i32
      %mul3A_131 = arith.muli %add3A_96, %mul3A_130 : i32
      %mul3A_132 = arith.constant 10000 : i32
      %mul3A_133 = arith.muli %arg0, %mul3A_132 : i32
      %add3A_134 = arith.addi %mul3A_133, %mul3A_131 : i32
      "tpu.region"() ({
        %run_scoped3A = tpu.sem_alloc : memref<!tpu.dma_semaphore, #tpu.memory_space<semaphore_mem>>
        %dma_start3A = arith.constant 0 : i32
        %dma_start3A_135 = tpu.memref_slice %arg7[%add3A_134, %dma_start3A] : memref<20000x32xf32, #tpu.memory_space<hbm>> -> memref<80x32xf32, #tpu.memory_space<hbm>>
        %dma_start3A_136 = arith.constant 0 : i32
        %dma_start3A_137 = tpu.memref_slice %arg17[%mul3A_131, %dma_start3A_136] : memref<10000x32xf32, #tpu.memory_space<vmem_shared>> -> memref<80x32xf32, #tpu.memory_space<vmem_shared>>
        tpu.enqueue_dma source(%dma_start3A_137 : memref<80x32xf32, #tpu.memory_space<vmem_shared>>) target(%dma_start3A_135 : memref<80x32xf32, #tpu.memory_space<hbm>>) target_semaphore(%run_scoped3A : memref<!tpu.dma_semaphore, #tpu.memory_space<semaphore_mem>>)
        %dma_wait3A = arith.constant 0 : i32
        %dma_wait3A_138 = tpu.memref_slice %arg7[%add3A_134, %dma_wait3A] : memref<20000x32xf32, #tpu.memory_space<hbm>> -> memref<80x32xf32, #tpu.memory_space<hbm>>
        %dma_wait3A_139 = arith.constant 0 : i32
        %dma_wait3A_140 = tpu.memref_slice %arg17[%mul3A_131, %dma_wait3A_139] : memref<10000x32xf32, #tpu.memory_space<vmem_shared>> -> memref<80x32xf32, #tpu.memory_space<vmem_shared>>
        tpu.wait_dma2 semaphore(%run_scoped3A : memref<!tpu.dma_semaphore, #tpu.memory_space<semaphore_mem>>) src(%dma_wait3A_140 : memref<80x32xf32, #tpu.memory_space<vmem_shared>>) dst(%dma_wait3A_138 : memref<80x32xf32, #tpu.memory_space<hbm>>)
        tpu.yield
      }) : () -> ()
    } else {
    }
    %add3A_102 = arith.constant 64 : i32
    %add3A_103 = arith.addi %arg1, %add3A_102 : i32
    %lt3A_104 = arith.constant 125 : i32
    %lt3A_105 = arith.cmpi slt, %add3A_103, %lt3A_104 : i32
    %convert_element_type3A_106 = arith.extui %lt3A_105 : i1 to i32
    %cond3A_107 = arith.constant 0 : i32
    %cond3A_108 = arith.cmpi ne, %convert_element_type3A_106, %cond3A_107 : i32
    scf.if %cond3A_108 {
      %mul3A_130 = arith.constant 80 : i32
      %mul3A_131 = arith.muli %add3A_103, %mul3A_130 : i32
      %mul3A_132 = arith.constant 10000 : i32
      %mul3A_133 = arith.muli %arg0, %mul3A_132 : i32
      %add3A_134 = arith.addi %mul3A_133, %mul3A_131 : i32
      "tpu.region"() ({
        %run_scoped3A = tpu.sem_alloc : memref<!tpu.dma_semaphore, #tpu.memory_space<semaphore_mem>>
        %dma_start3A = arith.constant 0 : i32
        %dma_start3A_135 = tpu.memref_slice %arg7[%add3A_134, %dma_start3A] : memref<20000x32xf32, #tpu.memory_space<hbm>> -> memref<80x32xf32, #tpu.memory_space<hbm>>
        %dma_start3A_136 = arith.constant 0 : i32
        %dma_start3A_137 = tpu.memref_slice %arg17[%mul3A_131, %dma_start3A_136] : memref<10000x32xf32, #tpu.memory_space<vmem_shared>> -> memref<80x32xf32, #tpu.memory_space<vmem_shared>>
        tpu.enqueue_dma source(%dma_start3A_137 : memref<80x32xf32, #tpu.memory_space<vmem_shared>>) target(%dma_start3A_135 : memref<80x32xf32, #tpu.memory_space<hbm>>) target_semaphore(%run_scoped3A : memref<!tpu.dma_semaphore, #tpu.memory_space<semaphore_mem>>)
        %dma_wait3A = arith.constant 0 : i32
        %dma_wait3A_138 = tpu.memref_slice %arg7[%add3A_134, %dma_wait3A] : memref<20000x32xf32, #tpu.memory_space<hbm>> -> memref<80x32xf32, #tpu.memory_space<hbm>>
        %dma_wait3A_139 = arith.constant 0 : i32
        %dma_wait3A_140 = tpu.memref_slice %arg17[%mul3A_131, %dma_wait3A_139] : memref<10000x32xf32, #tpu.memory_space<vmem_shared>> -> memref<80x32xf32, #tpu.memory_space<vmem_shared>>
        tpu.wait_dma2 semaphore(%run_scoped3A : memref<!tpu.dma_semaphore, #tpu.memory_space<semaphore_mem>>) src(%dma_wait3A_140 : memref<80x32xf32, #tpu.memory_space<vmem_shared>>) dst(%dma_wait3A_138 : memref<80x32xf32, #tpu.memory_space<hbm>>)
        tpu.yield
      }) : () -> ()
    } else {
    }
    %add3A_109 = arith.constant 80 : i32
    %add3A_110 = arith.addi %arg1, %add3A_109 : i32
    %lt3A_111 = arith.constant 125 : i32
    %lt3A_112 = arith.cmpi slt, %add3A_110, %lt3A_111 : i32
    %convert_element_type3A_113 = arith.extui %lt3A_112 : i1 to i32
    %cond3A_114 = arith.constant 0 : i32
    %cond3A_115 = arith.cmpi ne, %convert_element_type3A_113, %cond3A_114 : i32
    scf.if %cond3A_115 {
      %mul3A_130 = arith.constant 80 : i32
      %mul3A_131 = arith.muli %add3A_110, %mul3A_130 : i32
      %mul3A_132 = arith.constant 10000 : i32
      %mul3A_133 = arith.muli %arg0, %mul3A_132 : i32
      %add3A_134 = arith.addi %mul3A_133, %mul3A_131 : i32
      "tpu.region"() ({
        %run_scoped3A = tpu.sem_alloc : memref<!tpu.dma_semaphore, #tpu.memory_space<semaphore_mem>>
        %dma_start3A = arith.constant 0 : i32
        %dma_start3A_135 = tpu.memref_slice %arg7[%add3A_134, %dma_start3A] : memref<20000x32xf32, #tpu.memory_space<hbm>> -> memref<80x32xf32, #tpu.memory_space<hbm>>
        %dma_start3A_136 = arith.constant 0 : i32
        %dma_start3A_137 = tpu.memref_slice %arg17[%mul3A_131, %dma_start3A_136] : memref<10000x32xf32, #tpu.memory_space<vmem_shared>> -> memref<80x32xf32, #tpu.memory_space<vmem_shared>>
        tpu.enqueue_dma source(%dma_start3A_137 : memref<80x32xf32, #tpu.memory_space<vmem_shared>>) target(%dma_start3A_135 : memref<80x32xf32, #tpu.memory_space<hbm>>) target_semaphore(%run_scoped3A : memref<!tpu.dma_semaphore, #tpu.memory_space<semaphore_mem>>)
        %dma_wait3A = arith.constant 0 : i32
        %dma_wait3A_138 = tpu.memref_slice %arg7[%add3A_134, %dma_wait3A] : memref<20000x32xf32, #tpu.memory_space<hbm>> -> memref<80x32xf32, #tpu.memory_space<hbm>>
        %dma_wait3A_139 = arith.constant 0 : i32
        %dma_wait3A_140 = tpu.memref_slice %arg17[%mul3A_131, %dma_wait3A_139] : memref<10000x32xf32, #tpu.memory_space<vmem_shared>> -> memref<80x32xf32, #tpu.memory_space<vmem_shared>>
        tpu.wait_dma2 semaphore(%run_scoped3A : memref<!tpu.dma_semaphore, #tpu.memory_space<semaphore_mem>>) src(%dma_wait3A_140 : memref<80x32xf32, #tpu.memory_space<vmem_shared>>) dst(%dma_wait3A_138 : memref<80x32xf32, #tpu.memory_space<hbm>>)
        tpu.yield
      }) : () -> ()
    } else {
    }
    %add3A_116 = arith.constant 96 : i32
    %add3A_117 = arith.addi %arg1, %add3A_116 : i32
    %lt3A_118 = arith.constant 125 : i32
    %lt3A_119 = arith.cmpi slt, %add3A_117, %lt3A_118 : i32
    %convert_element_type3A_120 = arith.extui %lt3A_119 : i1 to i32
    %cond3A_121 = arith.constant 0 : i32
    %cond3A_122 = arith.cmpi ne, %convert_element_type3A_120, %cond3A_121 : i32
    scf.if %cond3A_122 {
      %mul3A_130 = arith.constant 80 : i32
      %mul3A_131 = arith.muli %add3A_117, %mul3A_130 : i32
      %mul3A_132 = arith.constant 10000 : i32
      %mul3A_133 = arith.muli %arg0, %mul3A_132 : i32
      %add3A_134 = arith.addi %mul3A_133, %mul3A_131 : i32
      "tpu.region"() ({
        %run_scoped3A = tpu.sem_alloc : memref<!tpu.dma_semaphore, #tpu.memory_space<semaphore_mem>>
        %dma_start3A = arith.constant 0 : i32
        %dma_start3A_135 = tpu.memref_slice %arg7[%add3A_134, %dma_start3A] : memref<20000x32xf32, #tpu.memory_space<hbm>> -> memref<80x32xf32, #tpu.memory_space<hbm>>
        %dma_start3A_136 = arith.constant 0 : i32
        %dma_start3A_137 = tpu.memref_slice %arg17[%mul3A_131, %dma_start3A_136] : memref<10000x32xf32, #tpu.memory_space<vmem_shared>> -> memref<80x32xf32, #tpu.memory_space<vmem_shared>>
        tpu.enqueue_dma source(%dma_start3A_137 : memref<80x32xf32, #tpu.memory_space<vmem_shared>>) target(%dma_start3A_135 : memref<80x32xf32, #tpu.memory_space<hbm>>) target_semaphore(%run_scoped3A : memref<!tpu.dma_semaphore, #tpu.memory_space<semaphore_mem>>)
        %dma_wait3A = arith.constant 0 : i32
        %dma_wait3A_138 = tpu.memref_slice %arg7[%add3A_134, %dma_wait3A] : memref<20000x32xf32, #tpu.memory_space<hbm>> -> memref<80x32xf32, #tpu.memory_space<hbm>>
        %dma_wait3A_139 = arith.constant 0 : i32
        %dma_wait3A_140 = tpu.memref_slice %arg17[%mul3A_131, %dma_wait3A_139] : memref<10000x32xf32, #tpu.memory_space<vmem_shared>> -> memref<80x32xf32, #tpu.memory_space<vmem_shared>>
        tpu.wait_dma2 semaphore(%run_scoped3A : memref<!tpu.dma_semaphore, #tpu.memory_space<semaphore_mem>>) src(%dma_wait3A_140 : memref<80x32xf32, #tpu.memory_space<vmem_shared>>) dst(%dma_wait3A_138 : memref<80x32xf32, #tpu.memory_space<hbm>>)
        tpu.yield
      }) : () -> ()
    } else {
    }
    %add3A_123 = arith.constant 112 : i32
    %add3A_124 = arith.addi %arg1, %add3A_123 : i32
    %lt3A_125 = arith.constant 125 : i32
    %lt3A_126 = arith.cmpi slt, %add3A_124, %lt3A_125 : i32
    %convert_element_type3A_127 = arith.extui %lt3A_126 : i1 to i32
    %cond3A_128 = arith.constant 0 : i32
    %cond3A_129 = arith.cmpi ne, %convert_element_type3A_127, %cond3A_128 : i32
    scf.if %cond3A_129 {
      %mul3A_130 = arith.constant 80 : i32
      %mul3A_131 = arith.muli %add3A_124, %mul3A_130 : i32
      %mul3A_132 = arith.constant 10000 : i32
      %mul3A_133 = arith.muli %arg0, %mul3A_132 : i32
      %add3A_134 = arith.addi %mul3A_133, %mul3A_131 : i32
      "tpu.region"() ({
        %run_scoped3A = tpu.sem_alloc : memref<!tpu.dma_semaphore, #tpu.memory_space<semaphore_mem>>
        %dma_start3A = arith.constant 0 : i32
        %dma_start3A_135 = tpu.memref_slice %arg7[%add3A_134, %dma_start3A] : memref<20000x32xf32, #tpu.memory_space<hbm>> -> memref<80x32xf32, #tpu.memory_space<hbm>>
        %dma_start3A_136 = arith.constant 0 : i32
        %dma_start3A_137 = tpu.memref_slice %arg17[%mul3A_131, %dma_start3A_136] : memref<10000x32xf32, #tpu.memory_space<vmem_shared>> -> memref<80x32xf32, #tpu.memory_space<vmem_shared>>
        tpu.enqueue_dma source(%dma_start3A_137 : memref<80x32xf32, #tpu.memory_space<vmem_shared>>) target(%dma_start3A_135 : memref<80x32xf32, #tpu.memory_space<hbm>>) target_semaphore(%run_scoped3A : memref<!tpu.dma_semaphore, #tpu.memory_space<semaphore_mem>>)
        %dma_wait3A = arith.constant 0 : i32
        %dma_wait3A_138 = tpu.memref_slice %arg7[%add3A_134, %dma_wait3A] : memref<20000x32xf32, #tpu.memory_space<hbm>> -> memref<80x32xf32, #tpu.memory_space<hbm>>
        %dma_wait3A_139 = arith.constant 0 : i32
        %dma_wait3A_140 = tpu.memref_slice %arg17[%mul3A_131, %dma_wait3A_139] : memref<10000x32xf32, #tpu.memory_space<vmem_shared>> -> memref<80x32xf32, #tpu.memory_space<vmem_shared>>
        tpu.wait_dma2 semaphore(%run_scoped3A : memref<!tpu.dma_semaphore, #tpu.memory_space<semaphore_mem>>) src(%dma_wait3A_140 : memref<80x32xf32, #tpu.memory_space<vmem_shared>>) dst(%dma_wait3A_138 : memref<80x32xf32, #tpu.memory_space<hbm>>)
        tpu.yield
      }) : () -> ()
    } else {
    }
    return
  }
}

#map = affine_map<(d0, d1) -> (0)>
#map1 = affine_map<(d0, d1) -> (0, 0)>
module attributes {stable_mosaic.version = 14 : i64} {
  func.func @_edges1_body(%arg0: i32, %arg1: i32, %arg2: memref<640000xi32, #tpu.memory_space<hbm>>, %arg3: memref<640000xi32, #tpu.memory_space<hbm>>, %arg4: memref<40000x16xf32, #tpu.memory_space<hbm>>, %arg5: memref<40000x16xf32, #tpu.memory_space<hbm>>, %arg6: memref<40000x128xf32, #tpu.memory_space<hbm>>, %arg7: memref<20000x144xf32, #tpu.memory_space<hbm>>, %arg8: memref<80xi32, #tpu.memory_space<vmem>>, %arg9: memref<80xi32, #tpu.memory_space<vmem>>, %arg10: memref<80xi32, #tpu.memory_space<vmem>>, %arg11: memref<80x16xf32, #tpu.memory_space<vmem>>, %arg12: memref<80x16xf32, #tpu.memory_space<vmem>>, %arg13: memref<80x128xf32, #tpu.memory_space<vmem>>, %arg14: memref<1280xf32, #tpu.memory_space<vmem>>, %arg15: memref<80x144xf32, #tpu.memory_space<vmem>>, %arg16: memref<80x144xf32, #tpu.memory_space<vmem>>, %arg17: memref<10000x144xf32, #tpu.memory_space<vmem_shared>>, %arg18: memref<!tpu.dma_semaphore, #tpu.memory_space<semaphore_mem>>, %arg19: memref<!tpu.dma_semaphore, #tpu.memory_space<semaphore_mem>>, %arg20: memref<!tpu.dma_semaphore, #tpu.memory_space<semaphore_mem>>) attributes {dimension_semantics = [#tpu.dimension_semantics<core_parallel>, #tpu.dimension_semantics<subcore_parallel>], iteration_bounds = array<i64: 2, 16>, scalar_prefetch = 0 : i64, scratch_operands = 13 : i64, tpu.core_type = #tpu.core_type<sc_vector_subcore>, window_params = [{transform_indices = #map}, {transform_indices = #map}, {transform_indices = #map1}, {transform_indices = #map1}, {transform_indices = #map1}, {transform_indices = #map1}]} {
    %scan3A = arith.constant 0 : i32
    %scan3A_0 = arith.constant 0 : i32
    %scan3A_1 = arith.constant 80 : i32
    %scan3A_2 = arith.addi %scan3A_0, %scan3A_1 : i32
    %scan3A_3 = arith.constant 1 : i32
    scf.for %scan3A_128 = %scan3A_0 to %scan3A_2 step %scan3A_3  : i32 {
      %broadcast_in_dim3A = arith.constant 0.000000e+00 : f32
      %broadcast_in_dim3A_129 = vector.broadcast %broadcast_in_dim3A : f32 to vector<16xf32>
      %swap3A = arith.index_cast %scan3A_128 : i32 to index
      %swap3A_130 = arith.constant 0 : index
      %swap3A_131 = tpu.vector_load %arg16[%swap3A, %swap3A_130] {strides = array<i32>} : memref<80x144xf32, #tpu.memory_space<vmem>>, vector<16xf32>,
      tpu.vector_store %arg16[%swap3A, %swap3A_130], %broadcast_in_dim3A_129 {strides = array<i32>} : memref<80x144xf32, #tpu.memory_space<vmem>>, vector<16xf32>,
      %broadcast_in_dim3A_132 = arith.constant 0.000000e+00 : f32
      %broadcast_in_dim3A_133 = vector.broadcast %broadcast_in_dim3A_132 : f32 to vector<16xf32>
      %swap3A_134 = arith.index_cast %scan3A_128 : i32 to index
      %swap3A_135 = arith.constant 16 : index
      %swap3A_136 = tpu.vector_load %arg16[%swap3A_134, %swap3A_135] {strides = array<i32>} : memref<80x144xf32, #tpu.memory_space<vmem>>, vector<16xf32>,
      tpu.vector_store %arg16[%swap3A_134, %swap3A_135], %broadcast_in_dim3A_133 {strides = array<i32>} : memref<80x144xf32, #tpu.memory_space<vmem>>, vector<16xf32>,
      %broadcast_in_dim3A_137 = arith.constant 0.000000e+00 : f32
      %broadcast_in_dim3A_138 = vector.broadcast %broadcast_in_dim3A_137 : f32 to vector<16xf32>
      %swap3A_139 = arith.index_cast %scan3A_128 : i32 to index
      %swap3A_140 = arith.constant 32 : index
      %swap3A_141 = tpu.vector_load %arg16[%swap3A_139, %swap3A_140] {strides = array<i32>} : memref<80x144xf32, #tpu.memory_space<vmem>>, vector<16xf32>,
      tpu.vector_store %arg16[%swap3A_139, %swap3A_140], %broadcast_in_dim3A_138 {strides = array<i32>} : memref<80x144xf32, #tpu.memory_space<vmem>>, vector<16xf32>,
      %broadcast_in_dim3A_142 = arith.constant 0.000000e+00 : f32
      %broadcast_in_dim3A_143 = vector.broadcast %broadcast_in_dim3A_142 : f32 to vector<16xf32>
      %swap3A_144 = arith.index_cast %scan3A_128 : i32 to index
      %swap3A_145 = arith.constant 48 : index
      %swap3A_146 = tpu.vector_load %arg16[%swap3A_144, %swap3A_145] {strides = array<i32>} : memref<80x144xf32, #tpu.memory_space<vmem>>, vector<16xf32>,
      tpu.vector_store %arg16[%swap3A_144, %swap3A_145], %broadcast_in_dim3A_143 {strides = array<i32>} : memref<80x144xf32, #tpu.memory_space<vmem>>, vector<16xf32>,
      %broadcast_in_dim3A_147 = arith.constant 0.000000e+00 : f32
      %broadcast_in_dim3A_148 = vector.broadcast %broadcast_in_dim3A_147 : f32 to vector<16xf32>
      %swap3A_149 = arith.index_cast %scan3A_128 : i32 to index
      %swap3A_150 = arith.constant 64 : index
      %swap3A_151 = tpu.vector_load %arg16[%swap3A_149, %swap3A_150] {strides = array<i32>} : memref<80x144xf32, #tpu.memory_space<vmem>>, vector<16xf32>,
      tpu.vector_store %arg16[%swap3A_149, %swap3A_150], %broadcast_in_dim3A_148 {strides = array<i32>} : memref<80x144xf32, #tpu.memory_space<vmem>>, vector<16xf32>,
      %broadcast_in_dim3A_152 = arith.constant 0.000000e+00 : f32
      %broadcast_in_dim3A_153 = vector.broadcast %broadcast_in_dim3A_152 : f32 to vector<16xf32>
      %swap3A_154 = arith.index_cast %scan3A_128 : i32 to index
      %swap3A_155 = arith.constant 80 : index
      %swap3A_156 = tpu.vector_load %arg16[%swap3A_154, %swap3A_155] {strides = array<i32>} : memref<80x144xf32, #tpu.memory_space<vmem>>, vector<16xf32>,
      tpu.vector_store %arg16[%swap3A_154, %swap3A_155], %broadcast_in_dim3A_153 {strides = array<i32>} : memref<80x144xf32, #tpu.memory_space<vmem>>, vector<16xf32>,
      %broadcast_in_dim3A_157 = arith.constant 0.000000e+00 : f32
      %broadcast_in_dim3A_158 = vector.broadcast %broadcast_in_dim3A_157 : f32 to vector<16xf32>
      %swap3A_159 = arith.index_cast %scan3A_128 : i32 to index
      %swap3A_160 = arith.constant 96 : index
      %swap3A_161 = tpu.vector_load %arg16[%swap3A_159, %swap3A_160] {strides = array<i32>} : memref<80x144xf32, #tpu.memory_space<vmem>>, vector<16xf32>,
      tpu.vector_store %arg16[%swap3A_159, %swap3A_160], %broadcast_in_dim3A_158 {strides = array<i32>} : memref<80x144xf32, #tpu.memory_space<vmem>>, vector<16xf32>,
      %broadcast_in_dim3A_162 = arith.constant 0.000000e+00 : f32
      %broadcast_in_dim3A_163 = vector.broadcast %broadcast_in_dim3A_162 : f32 to vector<16xf32>
      %swap3A_164 = arith.index_cast %scan3A_128 : i32 to index
      %swap3A_165 = arith.constant 112 : index
      %swap3A_166 = tpu.vector_load %arg16[%swap3A_164, %swap3A_165] {strides = array<i32>} : memref<80x144xf32, #tpu.memory_space<vmem>>, vector<16xf32>,
      tpu.vector_store %arg16[%swap3A_164, %swap3A_165], %broadcast_in_dim3A_163 {strides = array<i32>} : memref<80x144xf32, #tpu.memory_space<vmem>>, vector<16xf32>,
      %broadcast_in_dim3A_167 = arith.constant 0.000000e+00 : f32
      %broadcast_in_dim3A_168 = vector.broadcast %broadcast_in_dim3A_167 : f32 to vector<16xf32>
      %swap3A_169 = arith.index_cast %scan3A_128 : i32 to index
      %swap3A_170 = arith.constant 128 : index
      %swap3A_171 = tpu.vector_load %arg16[%swap3A_169, %swap3A_170] {strides = array<i32>} : memref<80x144xf32, #tpu.memory_space<vmem>>, vector<16xf32>,
      tpu.vector_store %arg16[%swap3A_169, %swap3A_170], %broadcast_in_dim3A_168 {strides = array<i32>} : memref<80x144xf32, #tpu.memory_space<vmem>>, vector<16xf32>,
    }
    %scan3A_4 = arith.constant 80 : i32
    %add3A = arith.constant 0 : i32
    %add3A_5 = arith.addi %arg1, %add3A : i32
    %lt3A = arith.constant 125 : i32
    %lt3A_6 = arith.cmpi slt, %add3A_5, %lt3A : i32
    %convert_element_type3A = arith.extui %lt3A_6 : i1 to i32
    %cond3A = arith.constant 0 : i32
    %cond3A_7 = arith.cmpi ne, %convert_element_type3A, %cond3A : i32
    scf.if %cond3A_7 {
      %mul3A_128 = arith.constant 80 : i32
      %mul3A_129 = arith.muli %add3A_5, %mul3A_128 : i32
      "tpu.region"() ({
        %run_scoped3A = tpu.sem_alloc : memref<!tpu.dma_semaphore, #tpu.memory_space<semaphore_mem>>
        %dma_start3A = arith.constant 0 : i32
        %dma_start3A_130 = tpu.memref_slice %arg17[%mul3A_129, %dma_start3A] : memref<10000x144xf32, #tpu.memory_space<vmem_shared>> -> memref<80x144xf32, #tpu.memory_space<vmem_shared>>
        %dma_start3A_131 = arith.constant 0 : i32
        %dma_start3A_132 = tpu.memref_slice %arg17[%mul3A_129, %dma_start3A_131] : memref<10000x144xf32, #tpu.memory_space<vmem_shared>> -> memref<80x144xf32, #tpu.memory_space<vmem_shared>>
        tpu.enqueue_dma source(%arg16 : memref<80x144xf32, #tpu.memory_space<vmem>>) target(%dma_start3A_132 : memref<80x144xf32, #tpu.memory_space<vmem_shared>>) target_semaphore(%run_scoped3A : memref<!tpu.dma_semaphore, #tpu.memory_space<semaphore_mem>>)
        %dma_wait3A = arith.constant 0 : i32
        %dma_wait3A_133 = tpu.memref_slice %arg17[%mul3A_129, %dma_wait3A] : memref<10000x144xf32, #tpu.memory_space<vmem_shared>> -> memref<80x144xf32, #tpu.memory_space<vmem_shared>>
        %dma_wait3A_134 = arith.constant 0 : i32
        %dma_wait3A_135 = tpu.memref_slice %arg17[%mul3A_129, %dma_wait3A_134] : memref<10000x144xf32, #tpu.memory_space<vmem_shared>> -> memref<80x144xf32, #tpu.memory_space<vmem_shared>>
        tpu.wait_dma2 semaphore(%run_scoped3A : memref<!tpu.dma_semaphore, #tpu.memory_space<semaphore_mem>>) src(%arg16 : memref<80x144xf32, #tpu.memory_space<vmem>>) dst(%dma_wait3A_135 : memref<80x144xf32, #tpu.memory_space<vmem_shared>>)
        tpu.yield
      }) : () -> ()
    } else {
    }
    %add3A_8 = arith.constant 16 : i32
    %add3A_9 = arith.addi %arg1, %add3A_8 : i32
    %lt3A_10 = arith.constant 125 : i32
    %lt3A_11 = arith.cmpi slt, %add3A_9, %lt3A_10 : i32
    %convert_element_type3A_12 = arith.extui %lt3A_11 : i1 to i32
    %cond3A_13 = arith.constant 0 : i32
    %cond3A_14 = arith.cmpi ne, %convert_element_type3A_12, %cond3A_13 : i32
    scf.if %cond3A_14 {
      %mul3A_128 = arith.constant 80 : i32
      %mul3A_129 = arith.muli %add3A_9, %mul3A_128 : i32
      "tpu.region"() ({
        %run_scoped3A = tpu.sem_alloc : memref<!tpu.dma_semaphore, #tpu.memory_space<semaphore_mem>>
        %dma_start3A = arith.constant 0 : i32
        %dma_start3A_130 = tpu.memref_slice %arg17[%mul3A_129, %dma_start3A] : memref<10000x144xf32, #tpu.memory_space<vmem_shared>> -> memref<80x144xf32, #tpu.memory_space<vmem_shared>>
        %dma_start3A_131 = arith.constant 0 : i32
        %dma_start3A_132 = tpu.memref_slice %arg17[%mul3A_129, %dma_start3A_131] : memref<10000x144xf32, #tpu.memory_space<vmem_shared>> -> memref<80x144xf32, #tpu.memory_space<vmem_shared>>
        tpu.enqueue_dma source(%arg16 : memref<80x144xf32, #tpu.memory_space<vmem>>) target(%dma_start3A_132 : memref<80x144xf32, #tpu.memory_space<vmem_shared>>) target_semaphore(%run_scoped3A : memref<!tpu.dma_semaphore, #tpu.memory_space<semaphore_mem>>)
        %dma_wait3A = arith.constant 0 : i32
        %dma_wait3A_133 = tpu.memref_slice %arg17[%mul3A_129, %dma_wait3A] : memref<10000x144xf32, #tpu.memory_space<vmem_shared>> -> memref<80x144xf32, #tpu.memory_space<vmem_shared>>
        %dma_wait3A_134 = arith.constant 0 : i32
        %dma_wait3A_135 = tpu.memref_slice %arg17[%mul3A_129, %dma_wait3A_134] : memref<10000x144xf32, #tpu.memory_space<vmem_shared>> -> memref<80x144xf32, #tpu.memory_space<vmem_shared>>
        tpu.wait_dma2 semaphore(%run_scoped3A : memref<!tpu.dma_semaphore, #tpu.memory_space<semaphore_mem>>) src(%arg16 : memref<80x144xf32, #tpu.memory_space<vmem>>) dst(%dma_wait3A_135 : memref<80x144xf32, #tpu.memory_space<vmem_shared>>)
        tpu.yield
      }) : () -> ()
    } else {
    }
    %add3A_15 = arith.constant 32 : i32
    %add3A_16 = arith.addi %arg1, %add3A_15 : i32
    %lt3A_17 = arith.constant 125 : i32
    %lt3A_18 = arith.cmpi slt, %add3A_16, %lt3A_17 : i32
    %convert_element_type3A_19 = arith.extui %lt3A_18 : i1 to i32
    %cond3A_20 = arith.constant 0 : i32
    %cond3A_21 = arith.cmpi ne, %convert_element_type3A_19, %cond3A_20 : i32
    scf.if %cond3A_21 {
      %mul3A_128 = arith.constant 80 : i32
      %mul3A_129 = arith.muli %add3A_16, %mul3A_128 : i32
      "tpu.region"() ({
        %run_scoped3A = tpu.sem_alloc : memref<!tpu.dma_semaphore, #tpu.memory_space<semaphore_mem>>
        %dma_start3A = arith.constant 0 : i32
        %dma_start3A_130 = tpu.memref_slice %arg17[%mul3A_129, %dma_start3A] : memref<10000x144xf32, #tpu.memory_space<vmem_shared>> -> memref<80x144xf32, #tpu.memory_space<vmem_shared>>
        %dma_start3A_131 = arith.constant 0 : i32
        %dma_start3A_132 = tpu.memref_slice %arg17[%mul3A_129, %dma_start3A_131] : memref<10000x144xf32, #tpu.memory_space<vmem_shared>> -> memref<80x144xf32, #tpu.memory_space<vmem_shared>>
        tpu.enqueue_dma source(%arg16 : memref<80x144xf32, #tpu.memory_space<vmem>>) target(%dma_start3A_132 : memref<80x144xf32, #tpu.memory_space<vmem_shared>>) target_semaphore(%run_scoped3A : memref<!tpu.dma_semaphore, #tpu.memory_space<semaphore_mem>>)
        %dma_wait3A = arith.constant 0 : i32
        %dma_wait3A_133 = tpu.memref_slice %arg17[%mul3A_129, %dma_wait3A] : memref<10000x144xf32, #tpu.memory_space<vmem_shared>> -> memref<80x144xf32, #tpu.memory_space<vmem_shared>>
        %dma_wait3A_134 = arith.constant 0 : i32
        %dma_wait3A_135 = tpu.memref_slice %arg17[%mul3A_129, %dma_wait3A_134] : memref<10000x144xf32, #tpu.memory_space<vmem_shared>> -> memref<80x144xf32, #tpu.memory_space<vmem_shared>>
        tpu.wait_dma2 semaphore(%run_scoped3A : memref<!tpu.dma_semaphore, #tpu.memory_space<semaphore_mem>>) src(%arg16 : memref<80x144xf32, #tpu.memory_space<vmem>>) dst(%dma_wait3A_135 : memref<80x144xf32, #tpu.memory_space<vmem_shared>>)
        tpu.yield
      }) : () -> ()
    } else {
    }
    %add3A_22 = arith.constant 48 : i32
    %add3A_23 = arith.addi %arg1, %add3A_22 : i32
    %lt3A_24 = arith.constant 125 : i32
    %lt3A_25 = arith.cmpi slt, %add3A_23, %lt3A_24 : i32
    %convert_element_type3A_26 = arith.extui %lt3A_25 : i1 to i32
    %cond3A_27 = arith.constant 0 : i32
    %cond3A_28 = arith.cmpi ne, %convert_element_type3A_26, %cond3A_27 : i32
    scf.if %cond3A_28 {
      %mul3A_128 = arith.constant 80 : i32
      %mul3A_129 = arith.muli %add3A_23, %mul3A_128 : i32
      "tpu.region"() ({
        %run_scoped3A = tpu.sem_alloc : memref<!tpu.dma_semaphore, #tpu.memory_space<semaphore_mem>>
        %dma_start3A = arith.constant 0 : i32
        %dma_start3A_130 = tpu.memref_slice %arg17[%mul3A_129, %dma_start3A] : memref<10000x144xf32, #tpu.memory_space<vmem_shared>> -> memref<80x144xf32, #tpu.memory_space<vmem_shared>>
        %dma_start3A_131 = arith.constant 0 : i32
        %dma_start3A_132 = tpu.memref_slice %arg17[%mul3A_129, %dma_start3A_131] : memref<10000x144xf32, #tpu.memory_space<vmem_shared>> -> memref<80x144xf32, #tpu.memory_space<vmem_shared>>
        tpu.enqueue_dma source(%arg16 : memref<80x144xf32, #tpu.memory_space<vmem>>) target(%dma_start3A_132 : memref<80x144xf32, #tpu.memory_space<vmem_shared>>) target_semaphore(%run_scoped3A : memref<!tpu.dma_semaphore, #tpu.memory_space<semaphore_mem>>)
        %dma_wait3A = arith.constant 0 : i32
        %dma_wait3A_133 = tpu.memref_slice %arg17[%mul3A_129, %dma_wait3A] : memref<10000x144xf32, #tpu.memory_space<vmem_shared>> -> memref<80x144xf32, #tpu.memory_space<vmem_shared>>
        %dma_wait3A_134 = arith.constant 0 : i32
        %dma_wait3A_135 = tpu.memref_slice %arg17[%mul3A_129, %dma_wait3A_134] : memref<10000x144xf32, #tpu.memory_space<vmem_shared>> -> memref<80x144xf32, #tpu.memory_space<vmem_shared>>
        tpu.wait_dma2 semaphore(%run_scoped3A : memref<!tpu.dma_semaphore, #tpu.memory_space<semaphore_mem>>) src(%arg16 : memref<80x144xf32, #tpu.memory_space<vmem>>) dst(%dma_wait3A_135 : memref<80x144xf32, #tpu.memory_space<vmem_shared>>)
        tpu.yield
      }) : () -> ()
    } else {
    }
    %add3A_29 = arith.constant 64 : i32
    %add3A_30 = arith.addi %arg1, %add3A_29 : i32
    %lt3A_31 = arith.constant 125 : i32
    %lt3A_32 = arith.cmpi slt, %add3A_30, %lt3A_31 : i32
    %convert_element_type3A_33 = arith.extui %lt3A_32 : i1 to i32
    %cond3A_34 = arith.constant 0 : i32
    %cond3A_35 = arith.cmpi ne, %convert_element_type3A_33, %cond3A_34 : i32
    scf.if %cond3A_35 {
      %mul3A_128 = arith.constant 80 : i32
      %mul3A_129 = arith.muli %add3A_30, %mul3A_128 : i32
      "tpu.region"() ({
        %run_scoped3A = tpu.sem_alloc : memref<!tpu.dma_semaphore, #tpu.memory_space<semaphore_mem>>
        %dma_start3A = arith.constant 0 : i32
        %dma_start3A_130 = tpu.memref_slice %arg17[%mul3A_129, %dma_start3A] : memref<10000x144xf32, #tpu.memory_space<vmem_shared>> -> memref<80x144xf32, #tpu.memory_space<vmem_shared>>
        %dma_start3A_131 = arith.constant 0 : i32
        %dma_start3A_132 = tpu.memref_slice %arg17[%mul3A_129, %dma_start3A_131] : memref<10000x144xf32, #tpu.memory_space<vmem_shared>> -> memref<80x144xf32, #tpu.memory_space<vmem_shared>>
        tpu.enqueue_dma source(%arg16 : memref<80x144xf32, #tpu.memory_space<vmem>>) target(%dma_start3A_132 : memref<80x144xf32, #tpu.memory_space<vmem_shared>>) target_semaphore(%run_scoped3A : memref<!tpu.dma_semaphore, #tpu.memory_space<semaphore_mem>>)
        %dma_wait3A = arith.constant 0 : i32
        %dma_wait3A_133 = tpu.memref_slice %arg17[%mul3A_129, %dma_wait3A] : memref<10000x144xf32, #tpu.memory_space<vmem_shared>> -> memref<80x144xf32, #tpu.memory_space<vmem_shared>>
        %dma_wait3A_134 = arith.constant 0 : i32
        %dma_wait3A_135 = tpu.memref_slice %arg17[%mul3A_129, %dma_wait3A_134] : memref<10000x144xf32, #tpu.memory_space<vmem_shared>> -> memref<80x144xf32, #tpu.memory_space<vmem_shared>>
        tpu.wait_dma2 semaphore(%run_scoped3A : memref<!tpu.dma_semaphore, #tpu.memory_space<semaphore_mem>>) src(%arg16 : memref<80x144xf32, #tpu.memory_space<vmem>>) dst(%dma_wait3A_135 : memref<80x144xf32, #tpu.memory_space<vmem_shared>>)
        tpu.yield
      }) : () -> ()
    } else {
    }
    %add3A_36 = arith.constant 80 : i32
    %add3A_37 = arith.addi %arg1, %add3A_36 : i32
    %lt3A_38 = arith.constant 125 : i32
    %lt3A_39 = arith.cmpi slt, %add3A_37, %lt3A_38 : i32
    %convert_element_type3A_40 = arith.extui %lt3A_39 : i1 to i32
    %cond3A_41 = arith.constant 0 : i32
    %cond3A_42 = arith.cmpi ne, %convert_element_type3A_40, %cond3A_41 : i32
    scf.if %cond3A_42 {
      %mul3A_128 = arith.constant 80 : i32
      %mul3A_129 = arith.muli %add3A_37, %mul3A_128 : i32
      "tpu.region"() ({
        %run_scoped3A = tpu.sem_alloc : memref<!tpu.dma_semaphore, #tpu.memory_space<semaphore_mem>>
        %dma_start3A = arith.constant 0 : i32
        %dma_start3A_130 = tpu.memref_slice %arg17[%mul3A_129, %dma_start3A] : memref<10000x144xf32, #tpu.memory_space<vmem_shared>> -> memref<80x144xf32, #tpu.memory_space<vmem_shared>>
        %dma_start3A_131 = arith.constant 0 : i32
        %dma_start3A_132 = tpu.memref_slice %arg17[%mul3A_129, %dma_start3A_131] : memref<10000x144xf32, #tpu.memory_space<vmem_shared>> -> memref<80x144xf32, #tpu.memory_space<vmem_shared>>
        tpu.enqueue_dma source(%arg16 : memref<80x144xf32, #tpu.memory_space<vmem>>) target(%dma_start3A_132 : memref<80x144xf32, #tpu.memory_space<vmem_shared>>) target_semaphore(%run_scoped3A : memref<!tpu.dma_semaphore, #tpu.memory_space<semaphore_mem>>)
        %dma_wait3A = arith.constant 0 : i32
        %dma_wait3A_133 = tpu.memref_slice %arg17[%mul3A_129, %dma_wait3A] : memref<10000x144xf32, #tpu.memory_space<vmem_shared>> -> memref<80x144xf32, #tpu.memory_space<vmem_shared>>
        %dma_wait3A_134 = arith.constant 0 : i32
        %dma_wait3A_135 = tpu.memref_slice %arg17[%mul3A_129, %dma_wait3A_134] : memref<10000x144xf32, #tpu.memory_space<vmem_shared>> -> memref<80x144xf32, #tpu.memory_space<vmem_shared>>
        tpu.wait_dma2 semaphore(%run_scoped3A : memref<!tpu.dma_semaphore, #tpu.memory_space<semaphore_mem>>) src(%arg16 : memref<80x144xf32, #tpu.memory_space<vmem>>) dst(%dma_wait3A_135 : memref<80x144xf32, #tpu.memory_space<vmem_shared>>)
        tpu.yield
      }) : () -> ()
    } else {
    }
    %add3A_43 = arith.constant 96 : i32
    %add3A_44 = arith.addi %arg1, %add3A_43 : i32
    %lt3A_45 = arith.constant 125 : i32
    %lt3A_46 = arith.cmpi slt, %add3A_44, %lt3A_45 : i32
    %convert_element_type3A_47 = arith.extui %lt3A_46 : i1 to i32
    %cond3A_48 = arith.constant 0 : i32
    %cond3A_49 = arith.cmpi ne, %convert_element_type3A_47, %cond3A_48 : i32
    scf.if %cond3A_49 {
      %mul3A_128 = arith.constant 80 : i32
      %mul3A_129 = arith.muli %add3A_44, %mul3A_128 : i32
      "tpu.region"() ({
        %run_scoped3A = tpu.sem_alloc : memref<!tpu.dma_semaphore, #tpu.memory_space<semaphore_mem>>
        %dma_start3A = arith.constant 0 : i32
        %dma_start3A_130 = tpu.memref_slice %arg17[%mul3A_129, %dma_start3A] : memref<10000x144xf32, #tpu.memory_space<vmem_shared>> -> memref<80x144xf32, #tpu.memory_space<vmem_shared>>
        %dma_start3A_131 = arith.constant 0 : i32
        %dma_start3A_132 = tpu.memref_slice %arg17[%mul3A_129, %dma_start3A_131] : memref<10000x144xf32, #tpu.memory_space<vmem_shared>> -> memref<80x144xf32, #tpu.memory_space<vmem_shared>>
        tpu.enqueue_dma source(%arg16 : memref<80x144xf32, #tpu.memory_space<vmem>>) target(%dma_start3A_132 : memref<80x144xf32, #tpu.memory_space<vmem_shared>>) target_semaphore(%run_scoped3A : memref<!tpu.dma_semaphore, #tpu.memory_space<semaphore_mem>>)
        %dma_wait3A = arith.constant 0 : i32
        %dma_wait3A_133 = tpu.memref_slice %arg17[%mul3A_129, %dma_wait3A] : memref<10000x144xf32, #tpu.memory_space<vmem_shared>> -> memref<80x144xf32, #tpu.memory_space<vmem_shared>>
        %dma_wait3A_134 = arith.constant 0 : i32
        %dma_wait3A_135 = tpu.memref_slice %arg17[%mul3A_129, %dma_wait3A_134] : memref<10000x144xf32, #tpu.memory_space<vmem_shared>> -> memref<80x144xf32, #tpu.memory_space<vmem_shared>>
        tpu.wait_dma2 semaphore(%run_scoped3A : memref<!tpu.dma_semaphore, #tpu.memory_space<semaphore_mem>>) src(%arg16 : memref<80x144xf32, #tpu.memory_space<vmem>>) dst(%dma_wait3A_135 : memref<80x144xf32, #tpu.memory_space<vmem_shared>>)
        tpu.yield
      }) : () -> ()
    } else {
    }
    %add3A_50 = arith.constant 112 : i32
    %add3A_51 = arith.addi %arg1, %add3A_50 : i32
    %lt3A_52 = arith.constant 125 : i32
    %lt3A_53 = arith.cmpi slt, %add3A_51, %lt3A_52 : i32
    %convert_element_type3A_54 = arith.extui %lt3A_53 : i1 to i32
    %cond3A_55 = arith.constant 0 : i32
    %cond3A_56 = arith.cmpi ne, %convert_element_type3A_54, %cond3A_55 : i32
    scf.if %cond3A_56 {
      %mul3A_128 = arith.constant 80 : i32
      %mul3A_129 = arith.muli %add3A_51, %mul3A_128 : i32
      "tpu.region"() ({
        %run_scoped3A = tpu.sem_alloc : memref<!tpu.dma_semaphore, #tpu.memory_space<semaphore_mem>>
        %dma_start3A = arith.constant 0 : i32
        %dma_start3A_130 = tpu.memref_slice %arg17[%mul3A_129, %dma_start3A] : memref<10000x144xf32, #tpu.memory_space<vmem_shared>> -> memref<80x144xf32, #tpu.memory_space<vmem_shared>>
        %dma_start3A_131 = arith.constant 0 : i32
        %dma_start3A_132 = tpu.memref_slice %arg17[%mul3A_129, %dma_start3A_131] : memref<10000x144xf32, #tpu.memory_space<vmem_shared>> -> memref<80x144xf32, #tpu.memory_space<vmem_shared>>
        tpu.enqueue_dma source(%arg16 : memref<80x144xf32, #tpu.memory_space<vmem>>) target(%dma_start3A_132 : memref<80x144xf32, #tpu.memory_space<vmem_shared>>) target_semaphore(%run_scoped3A : memref<!tpu.dma_semaphore, #tpu.memory_space<semaphore_mem>>)
        %dma_wait3A = arith.constant 0 : i32
        %dma_wait3A_133 = tpu.memref_slice %arg17[%mul3A_129, %dma_wait3A] : memref<10000x144xf32, #tpu.memory_space<vmem_shared>> -> memref<80x144xf32, #tpu.memory_space<vmem_shared>>
        %dma_wait3A_134 = arith.constant 0 : i32
        %dma_wait3A_135 = tpu.memref_slice %arg17[%mul3A_129, %dma_wait3A_134] : memref<10000x144xf32, #tpu.memory_space<vmem_shared>> -> memref<80x144xf32, #tpu.memory_space<vmem_shared>>
        tpu.wait_dma2 semaphore(%run_scoped3A : memref<!tpu.dma_semaphore, #tpu.memory_space<semaphore_mem>>) src(%arg16 : memref<80x144xf32, #tpu.memory_space<vmem>>) dst(%dma_wait3A_135 : memref<80x144xf32, #tpu.memory_space<vmem_shared>>)
        tpu.yield
      }) : () -> ()
    } else {
    }
    %barrier3A = arith.constant 0 : index
    tpu.barrier barrier_id(%barrier3A)
    %mul3A = arith.constant 320000 : i32
    %mul3A_57 = arith.muli %arg0, %mul3A : i32
    %mul3A_58 = arith.constant 20000 : i32
    %mul3A_59 = arith.muli %arg1, %mul3A_58 : i32
    %add3A_60 = arith.addi %mul3A_57, %mul3A_59 : i32
    %mul3A_61 = arith.constant 10000 : i32
    %mul3A_62 = arith.muli %arg0, %mul3A_61 : i32
    %add3A_63 = arith.constant 20000 : i32
    %add3A_64 = arith.addi %add3A_63, %mul3A_62 : i32
    %scan3A_65 = arith.constant 0 : i32
    %scan3A_66 = arith.constant 0 : i32
    %scan3A_67 = arith.constant 250 : i32
    %scan3A_68 = arith.addi %scan3A_66, %scan3A_67 : i32
    %scan3A_69 = arith.constant 1 : i32
    scf.for %scan3A_128 = %scan3A_66 to %scan3A_68 step %scan3A_69  : i32 {
      %mul3A_129 = arith.constant 80 : i32
      %mul3A_130 = arith.muli %scan3A_128, %mul3A_129 : i32
      %add3A_131 = arith.addi %add3A_60, %mul3A_130 : i32
      "tpu.region"() ({
        %run_scoped3A = tpu.sem_alloc : memref<!tpu.dma_semaphore, #tpu.memory_space<semaphore_mem>>
        %dma_start3A_160 = tpu.memref_slice %arg2[%add3A_131] : memref<640000xi32, #tpu.memory_space<hbm>> -> memref<80xi32, #tpu.memory_space<hbm>>
        %dma_start3A_161 = tpu.memref_slice %arg2[%add3A_131] : memref<640000xi32, #tpu.memory_space<hbm>> -> memref<80xi32, #tpu.memory_space<hbm>>
        tpu.enqueue_dma source(%dma_start3A_161 : memref<80xi32, #tpu.memory_space<hbm>>) target(%arg8 : memref<80xi32, #tpu.memory_space<vmem>>) target_semaphore(%run_scoped3A : memref<!tpu.dma_semaphore, #tpu.memory_space<semaphore_mem>>)
        %dma_wait3A_162 = tpu.memref_slice %arg2[%add3A_131] : memref<640000xi32, #tpu.memory_space<hbm>> -> memref<80xi32, #tpu.memory_space<hbm>>
        %dma_wait3A_163 = tpu.memref_slice %arg2[%add3A_131] : memref<640000xi32, #tpu.memory_space<hbm>> -> memref<80xi32, #tpu.memory_space<hbm>>
        tpu.wait_dma2 semaphore(%run_scoped3A : memref<!tpu.dma_semaphore, #tpu.memory_space<semaphore_mem>>) src(%dma_wait3A_163 : memref<80xi32, #tpu.memory_space<hbm>>) dst(%arg8 : memref<80xi32, #tpu.memory_space<vmem>>)
        tpu.yield
      }) : () -> ()
      "tpu.region"() ({
        %run_scoped3A = tpu.sem_alloc : memref<!tpu.dma_semaphore, #tpu.memory_space<semaphore_mem>>
        %dma_start3A_160 = tpu.memref_slice %arg3[%add3A_131] : memref<640000xi32, #tpu.memory_space<hbm>> -> memref<80xi32, #tpu.memory_space<hbm>>
        %dma_start3A_161 = tpu.memref_slice %arg3[%add3A_131] : memref<640000xi32, #tpu.memory_space<hbm>> -> memref<80xi32, #tpu.memory_space<hbm>>
        tpu.enqueue_dma source(%dma_start3A_161 : memref<80xi32, #tpu.memory_space<hbm>>) target(%arg9 : memref<80xi32, #tpu.memory_space<vmem>>) target_semaphore(%run_scoped3A : memref<!tpu.dma_semaphore, #tpu.memory_space<semaphore_mem>>)
        %dma_wait3A_162 = tpu.memref_slice %arg3[%add3A_131] : memref<640000xi32, #tpu.memory_space<hbm>> -> memref<80xi32, #tpu.memory_space<hbm>>
        %dma_wait3A_163 = tpu.memref_slice %arg3[%add3A_131] : memref<640000xi32, #tpu.memory_space<hbm>> -> memref<80xi32, #tpu.memory_space<hbm>>
        tpu.wait_dma2 semaphore(%run_scoped3A : memref<!tpu.dma_semaphore, #tpu.memory_space<semaphore_mem>>) src(%dma_wait3A_163 : memref<80xi32, #tpu.memory_space<hbm>>) dst(%arg9 : memref<80xi32, #tpu.memory_space<vmem>>)
        tpu.yield
      }) : () -> ()
      %dma_start3A = arith.constant 0 : i32
      %dma_start3A_132 = arith.constant 0 : i32
      %dma_start3A_133 = tpu.memref_slice %arg4[%dma_start3A, %dma_start3A_132] : memref<40000x16xf32, #tpu.memory_space<hbm>> -> memref<40000x16xf32, #tpu.memory_space<hbm>>
      tpu.enqueue_indirect_dma source(%dma_start3A_133 : memref<40000x16xf32, #tpu.memory_space<hbm>>) target(%arg11 : memref<80x16xf32, #tpu.memory_space<vmem>>) offsets(%arg8 : memref<80xi32, #tpu.memory_space<vmem>>) semaphore(%arg18 : memref<!tpu.dma_semaphore, #tpu.memory_space<semaphore_mem>>)
      %dma_start3A_134 = arith.constant 0 : i32
      %dma_start3A_135 = arith.constant 0 : i32
      %dma_start3A_136 = tpu.memref_slice %arg5[%dma_start3A_134, %dma_start3A_135] : memref<40000x16xf32, #tpu.memory_space<hbm>> -> memref<40000x16xf32, #tpu.memory_space<hbm>>
      tpu.enqueue_indirect_dma source(%dma_start3A_136 : memref<40000x16xf32, #tpu.memory_space<hbm>>) target(%arg12 : memref<80x16xf32, #tpu.memory_space<vmem>>) offsets(%arg9 : memref<80xi32, #tpu.memory_space<vmem>>) semaphore(%arg19 : memref<!tpu.dma_semaphore, #tpu.memory_space<semaphore_mem>>)
      %dma_start3A_137 = arith.constant 0 : i32
      %dma_start3A_138 = arith.constant 0 : i32
      %dma_start3A_139 = tpu.memref_slice %arg6[%dma_start3A_137, %dma_start3A_138] : memref<40000x128xf32, #tpu.memory_space<hbm>> -> memref<40000x128xf32, #tpu.memory_space<hbm>>
      tpu.enqueue_indirect_dma source(%dma_start3A_139 : memref<40000x128xf32, #tpu.memory_space<hbm>>) target(%arg13 : memref<80x128xf32, #tpu.memory_space<vmem>>) offsets(%arg8 : memref<80xi32, #tpu.memory_space<vmem>>) semaphore(%arg20 : memref<!tpu.dma_semaphore, #tpu.memory_space<semaphore_mem>>)
      %dma_wait3A = arith.constant 0 : i32
      %dma_wait3A_140 = arith.constant 0 : i32
      %dma_wait3A_141 = tpu.memref_slice %arg4[%dma_wait3A, %dma_wait3A_140] : memref<40000x16xf32, #tpu.memory_space<hbm>> -> memref<40000x16xf32, #tpu.memory_space<hbm>>
      tpu.wait_indirect_dma semaphore(%arg18 : memref<!tpu.dma_semaphore, #tpu.memory_space<semaphore_mem>>) src(%dma_wait3A_141 : memref<40000x16xf32, #tpu.memory_space<hbm>>) dst(%arg11 : memref<80x16xf32, #tpu.memory_space<vmem>>)
      %dma_wait3A_142 = arith.constant 0 : i32
      %dma_wait3A_143 = arith.constant 0 : i32
      %dma_wait3A_144 = tpu.memref_slice %arg5[%dma_wait3A_142, %dma_wait3A_143] : memref<40000x16xf32, #tpu.memory_space<hbm>> -> memref<40000x16xf32, #tpu.memory_space<hbm>>
      tpu.wait_indirect_dma semaphore(%arg19 : memref<!tpu.dma_semaphore, #tpu.memory_space<semaphore_mem>>) src(%dma_wait3A_144 : memref<40000x16xf32, #tpu.memory_space<hbm>>) dst(%arg12 : memref<80x16xf32, #tpu.memory_space<vmem>>)
      %dma_wait3A_145 = arith.constant 0 : i32
      %dma_wait3A_146 = arith.constant 0 : i32
      %dma_wait3A_147 = tpu.memref_slice %arg6[%dma_wait3A_145, %dma_wait3A_146] : memref<40000x128xf32, #tpu.memory_space<hbm>> -> memref<40000x128xf32, #tpu.memory_space<hbm>>
      tpu.wait_indirect_dma semaphore(%arg20 : memref<!tpu.dma_semaphore, #tpu.memory_space<semaphore_mem>>) src(%dma_wait3A_147 : memref<40000x128xf32, #tpu.memory_space<hbm>>) dst(%arg13 : memref<80x128xf32, #tpu.memory_space<vmem>>)
      %scan3A_148 = arith.constant 0 : i32
      %scan3A_149 = arith.constant 0 : i32
      %scan3A_150 = arith.constant 5 : i32
      %scan3A_151 = arith.addi %scan3A_149, %scan3A_150 : i32
      %scan3A_152 = arith.constant 1 : i32
      scf.for %scan3A_160 = %scan3A_149 to %scan3A_151 step %scan3A_152  : i32 {
        %mul3A_161 = arith.constant 16 : i32
        %mul3A_162 = arith.muli %scan3A_160, %mul3A_161 : i32
        %get3A = arith.index_cast %mul3A_162 : i32 to index
        %get3A_163 = tpu.vector_load %arg9[%get3A] {strides = array<i32>} : memref<80xi32, #tpu.memory_space<vmem>>, vector<16xi32>,
        %sub3A = vector.broadcast %add3A_64 : i32 to vector<16xi32>
        %sub3A_164 = arith.subi %get3A_163, %sub3A : vector<16xi32>
        %mul3A_165 = arith.constant 16 : i32
        %mul3A_166 = arith.muli %scan3A_160, %mul3A_165 : i32
        %swap3A = arith.index_cast %mul3A_166 : i32 to index
        %swap3A_167 = tpu.vector_load %arg10[%swap3A] {strides = array<i32>} : memref<80xi32, #tpu.memory_space<vmem>>, vector<16xi32>,
        tpu.vector_store %arg10[%swap3A], %sub3A_164 {strides = array<i32>} : memref<80xi32, #tpu.memory_space<vmem>>, vector<16xi32>,
      }
      %scan3A_153 = arith.constant 5 : i32
      %scan3A_154 = arith.constant 0 : i32
      %scan3A_155 = arith.constant 0 : i32
      %scan3A_156 = arith.constant 80 : i32
      %scan3A_157 = arith.addi %scan3A_155, %scan3A_156 : i32
      %scan3A_158 = arith.constant 1 : i32
      scf.for %scan3A_160 = %scan3A_155 to %scan3A_157 step %scan3A_158  : i32 {
        %get3A = arith.index_cast %scan3A_160 : i32 to index
        %get3A_161 = arith.constant 0 : index
        %get3A_162 = tpu.vector_load %arg11[%get3A, %get3A_161] {strides = array<i32>} : memref<80x16xf32, #tpu.memory_space<vmem>>, vector<16xf32>,
        %get3A_163 = arith.index_cast %scan3A_160 : i32 to index
        %get3A_164 = arith.constant 0 : index
        %get3A_165 = tpu.vector_load %arg12[%get3A_163, %get3A_164] {strides = array<i32>} : memref<80x16xf32, #tpu.memory_space<vmem>>, vector<16xf32>,
        %add3A_166 = arith.addf %get3A_162, %get3A_165 : vector<16xf32>
        %mul3A_167 = arith.constant 2.000000e-01 : f32
        %mul3A_168 = vector.broadcast %mul3A_167 : f32 to vector<16xf32>
        %mul3A_169 = arith.mulf %mul3A_168, %add3A_166 : vector<16xf32>
        %max3A = arith.maximumf %add3A_166, %mul3A_169 : vector<16xf32>
        %exp3A = math.exp %max3A : vector<16xf32>
        %mul3A_170 = arith.constant 16 : i32
        %mul3A_171 = arith.muli %scan3A_160, %mul3A_170 : i32
        %swap3A = arith.index_cast %mul3A_171 : i32 to index
        %swap3A_172 = tpu.vector_load %arg14[%swap3A] {strides = array<i32>} : memref<1280xf32, #tpu.memory_space<vmem>>, vector<16xf32>,
        tpu.vector_store %arg14[%swap3A], %exp3A {strides = array<i32>} : memref<1280xf32, #tpu.memory_space<vmem>>, vector<16xf32>,
        %swap3A_173 = arith.index_cast %scan3A_160 : i32 to index
        %swap3A_174 = arith.constant 128 : index
        %swap3A_175 = tpu.vector_load %arg15[%swap3A_173, %swap3A_174] {strides = array<i32>} : memref<80x144xf32, #tpu.memory_space<vmem>>, vector<16xf32>,
        tpu.vector_store %arg15[%swap3A_173, %swap3A_174], %exp3A {strides = array<i32>} : memref<80x144xf32, #tpu.memory_space<vmem>>, vector<16xf32>,
        %mul3A_176 = arith.constant 16 : i32
        %mul3A_177 = arith.muli %scan3A_160, %mul3A_176 : i32
        %add3A_178 = arith.constant 0 : i32
        %add3A_179 = arith.addi %mul3A_177, %add3A_178 : i32
        %broadcast_in_dim3A = vector.broadcast %add3A_179 : i32 to vector<16xi32>
        %gather3A = tpu.vector_load_idx %arg14[%broadcast_in_dim3A] : memref<1280xf32, #tpu.memory_space<vmem>>[vector<16xi32>], vector<16xf32>,
        %get3A_180 = arith.index_cast %scan3A_160 : i32 to index
        %get3A_181 = arith.constant 0 : index
        %get3A_182 = tpu.vector_load %arg13[%get3A_180, %get3A_181] {strides = array<i32>} : memref<80x128xf32, #tpu.memory_space<vmem>>, vector<16xf32>,
        %mul3A_183 = arith.mulf %get3A_182, %gather3A : vector<16xf32>
        %swap3A_184 = arith.index_cast %scan3A_160 : i32 to index
        %swap3A_185 = arith.constant 0 : index
        %swap3A_186 = tpu.vector_load %arg15[%swap3A_184, %swap3A_185] {strides = array<i32>} : memref<80x144xf32, #tpu.memory_space<vmem>>, vector<16xf32>,
        tpu.vector_store %arg15[%swap3A_184, %swap3A_185], %mul3A_183 {strides = array<i32>} : memref<80x144xf32, #tpu.memory_space<vmem>>, vector<16xf32>,
        %mul3A_187 = arith.constant 16 : i32
        %mul3A_188 = arith.muli %scan3A_160, %mul3A_187 : i32
        %add3A_189 = arith.constant 1 : i32
        %add3A_190 = arith.addi %mul3A_188, %add3A_189 : i32
        %broadcast_in_dim3A_191 = vector.broadcast %add3A_190 : i32 to vector<16xi32>
        %gather3A_192 = tpu.vector_load_idx %arg14[%broadcast_in_dim3A_191] : memref<1280xf32, #tpu.memory_space<vmem>>[vector<16xi32>], vector<16xf32>,
        %get3A_193 = arith.index_cast %scan3A_160 : i32 to index
        %get3A_194 = arith.constant 16 : index
        %get3A_195 = tpu.vector_load %arg13[%get3A_193, %get3A_194] {strides = array<i32>} : memref<80x128xf32, #tpu.memory_space<vmem>>, vector<16xf32>,
        %mul3A_196 = arith.mulf %get3A_195, %gather3A_192 : vector<16xf32>
        %swap3A_197 = arith.index_cast %scan3A_160 : i32 to index
        %swap3A_198 = arith.constant 16 : index
        %swap3A_199 = tpu.vector_load %arg15[%swap3A_197, %swap3A_198] {strides = array<i32>} : memref<80x144xf32, #tpu.memory_space<vmem>>, vector<16xf32>,
        tpu.vector_store %arg15[%swap3A_197, %swap3A_198], %mul3A_196 {strides = array<i32>} : memref<80x144xf32, #tpu.memory_space<vmem>>, vector<16xf32>,
        %mul3A_200 = arith.constant 16 : i32
        %mul3A_201 = arith.muli %scan3A_160, %mul3A_200 : i32
        %add3A_202 = arith.constant 2 : i32
        %add3A_203 = arith.addi %mul3A_201, %add3A_202 : i32
        %broadcast_in_dim3A_204 = vector.broadcast %add3A_203 : i32 to vector<16xi32>
        %gather3A_205 = tpu.vector_load_idx %arg14[%broadcast_in_dim3A_204] : memref<1280xf32, #tpu.memory_space<vmem>>[vector<16xi32>], vector<16xf32>,
        %get3A_206 = arith.index_cast %scan3A_160 : i32 to index
        %get3A_207 = arith.constant 32 : index
        %get3A_208 = tpu.vector_load %arg13[%get3A_206, %get3A_207] {strides = array<i32>} : memref<80x128xf32, #tpu.memory_space<vmem>>, vector<16xf32>,
        %mul3A_209 = arith.mulf %get3A_208, %gather3A_205 : vector<16xf32>
        %swap3A_210 = arith.index_cast %scan3A_160 : i32 to index
        %swap3A_211 = arith.constant 32 : index
        %swap3A_212 = tpu.vector_load %arg15[%swap3A_210, %swap3A_211] {strides = array<i32>} : memref<80x144xf32, #tpu.memory_space<vmem>>, vector<16xf32>,
        tpu.vector_store %arg15[%swap3A_210, %swap3A_211], %mul3A_209 {strides = array<i32>} : memref<80x144xf32, #tpu.memory_space<vmem>>, vector<16xf32>,
        %mul3A_213 = arith.constant 16 : i32
        %mul3A_214 = arith.muli %scan3A_160, %mul3A_213 : i32
        %add3A_215 = arith.constant 3 : i32
        %add3A_216 = arith.addi %mul3A_214, %add3A_215 : i32
        %broadcast_in_dim3A_217 = vector.broadcast %add3A_216 : i32 to vector<16xi32>
        %gather3A_218 = tpu.vector_load_idx %arg14[%broadcast_in_dim3A_217] : memref<1280xf32, #tpu.memory_space<vmem>>[vector<16xi32>], vector<16xf32>,
        %get3A_219 = arith.index_cast %scan3A_160 : i32 to index
        %get3A_220 = arith.constant 48 : index
        %get3A_221 = tpu.vector_load %arg13[%get3A_219, %get3A_220] {strides = array<i32>} : memref<80x128xf32, #tpu.memory_space<vmem>>, vector<16xf32>,
        %mul3A_222 = arith.mulf %get3A_221, %gather3A_218 : vector<16xf32>
        %swap3A_223 = arith.index_cast %scan3A_160 : i32 to index
        %swap3A_224 = arith.constant 48 : index
        %swap3A_225 = tpu.vector_load %arg15[%swap3A_223, %swap3A_224] {strides = array<i32>} : memref<80x144xf32, #tpu.memory_space<vmem>>, vector<16xf32>,
        tpu.vector_store %arg15[%swap3A_223, %swap3A_224], %mul3A_222 {strides = array<i32>} : memref<80x144xf32, #tpu.memory_space<vmem>>, vector<16xf32>,
        %mul3A_226 = arith.constant 16 : i32
        %mul3A_227 = arith.muli %scan3A_160, %mul3A_226 : i32
        %add3A_228 = arith.constant 4 : i32
        %add3A_229 = arith.addi %mul3A_227, %add3A_228 : i32
        %broadcast_in_dim3A_230 = vector.broadcast %add3A_229 : i32 to vector<16xi32>
        %gather3A_231 = tpu.vector_load_idx %arg14[%broadcast_in_dim3A_230] : memref<1280xf32, #tpu.memory_space<vmem>>[vector<16xi32>], vector<16xf32>,
        %get3A_232 = arith.index_cast %scan3A_160 : i32 to index
        %get3A_233 = arith.constant 64 : index
        %get3A_234 = tpu.vector_load %arg13[%get3A_232, %get3A_233] {strides = array<i32>} : memref<80x128xf32, #tpu.memory_space<vmem>>, vector<16xf32>,
        %mul3A_235 = arith.mulf %get3A_234, %gather3A_231 : vector<16xf32>
        %swap3A_236 = arith.index_cast %scan3A_160 : i32 to index
        %swap3A_237 = arith.constant 64 : index
        %swap3A_238 = tpu.vector_load %arg15[%swap3A_236, %swap3A_237] {strides = array<i32>} : memref<80x144xf32, #tpu.memory_space<vmem>>, vector<16xf32>,
        tpu.vector_store %arg15[%swap3A_236, %swap3A_237], %mul3A_235 {strides = array<i32>} : memref<80x144xf32, #tpu.memory_space<vmem>>, vector<16xf32>,
        %mul3A_239 = arith.constant 16 : i32
        %mul3A_240 = arith.muli %scan3A_160, %mul3A_239 : i32
        %add3A_241 = arith.constant 5 : i32
        %add3A_242 = arith.addi %mul3A_240, %add3A_241 : i32
        %broadcast_in_dim3A_243 = vector.broadcast %add3A_242 : i32 to vector<16xi32>
        %gather3A_244 = tpu.vector_load_idx %arg14[%broadcast_in_dim3A_243] : memref<1280xf32, #tpu.memory_space<vmem>>[vector<16xi32>], vector<16xf32>,
        %get3A_245 = arith.index_cast %scan3A_160 : i32 to index
        %get3A_246 = arith.constant 80 : index
        %get3A_247 = tpu.vector_load %arg13[%get3A_245, %get3A_246] {strides = array<i32>} : memref<80x128xf32, #tpu.memory_space<vmem>>, vector<16xf32>,
        %mul3A_248 = arith.mulf %get3A_247, %gather3A_244 : vector<16xf32>
        %swap3A_249 = arith.index_cast %scan3A_160 : i32 to index
        %swap3A_250 = arith.constant 80 : index
        %swap3A_251 = tpu.vector_load %arg15[%swap3A_249, %swap3A_250] {strides = array<i32>} : memref<80x144xf32, #tpu.memory_space<vmem>>, vector<16xf32>,
        tpu.vector_store %arg15[%swap3A_249, %swap3A_250], %mul3A_248 {strides = array<i32>} : memref<80x144xf32, #tpu.memory_space<vmem>>, vector<16xf32>,
        %mul3A_252 = arith.constant 16 : i32
        %mul3A_253 = arith.muli %scan3A_160, %mul3A_252 : i32
        %add3A_254 = arith.constant 6 : i32
        %add3A_255 = arith.addi %mul3A_253, %add3A_254 : i32
        %broadcast_in_dim3A_256 = vector.broadcast %add3A_255 : i32 to vector<16xi32>
        %gather3A_257 = tpu.vector_load_idx %arg14[%broadcast_in_dim3A_256] : memref<1280xf32, #tpu.memory_space<vmem>>[vector<16xi32>], vector<16xf32>,
        %get3A_258 = arith.index_cast %scan3A_160 : i32 to index
        %get3A_259 = arith.constant 96 : index
        %get3A_260 = tpu.vector_load %arg13[%get3A_258, %get3A_259] {strides = array<i32>} : memref<80x128xf32, #tpu.memory_space<vmem>>, vector<16xf32>,
        %mul3A_261 = arith.mulf %get3A_260, %gather3A_257 : vector<16xf32>
        %swap3A_262 = arith.index_cast %scan3A_160 : i32 to index
        %swap3A_263 = arith.constant 96 : index
        %swap3A_264 = tpu.vector_load %arg15[%swap3A_262, %swap3A_263] {strides = array<i32>} : memref<80x144xf32, #tpu.memory_space<vmem>>, vector<16xf32>,
        tpu.vector_store %arg15[%swap3A_262, %swap3A_263], %mul3A_261 {strides = array<i32>} : memref<80x144xf32, #tpu.memory_space<vmem>>, vector<16xf32>,
        %mul3A_265 = arith.constant 16 : i32
        %mul3A_266 = arith.muli %scan3A_160, %mul3A_265 : i32
        %add3A_267 = arith.constant 7 : i32
        %add3A_268 = arith.addi %mul3A_266, %add3A_267 : i32
        %broadcast_in_dim3A_269 = vector.broadcast %add3A_268 : i32 to vector<16xi32>
        %gather3A_270 = tpu.vector_load_idx %arg14[%broadcast_in_dim3A_269] : memref<1280xf32, #tpu.memory_space<vmem>>[vector<16xi32>], vector<16xf32>,
        %get3A_271 = arith.index_cast %scan3A_160 : i32 to index
        %get3A_272 = arith.constant 112 : index
        %get3A_273 = tpu.vector_load %arg13[%get3A_271, %get3A_272] {strides = array<i32>} : memref<80x128xf32, #tpu.memory_space<vmem>>, vector<16xf32>,
        %mul3A_274 = arith.mulf %get3A_273, %gather3A_270 : vector<16xf32>
        %swap3A_275 = arith.index_cast %scan3A_160 : i32 to index
        %swap3A_276 = arith.constant 112 : index
        %swap3A_277 = tpu.vector_load %arg15[%swap3A_275, %swap3A_276] {strides = array<i32>} : memref<80x144xf32, #tpu.memory_space<vmem>>, vector<16xf32>,
        tpu.vector_store %arg15[%swap3A_275, %swap3A_276], %mul3A_274 {strides = array<i32>} : memref<80x144xf32, #tpu.memory_space<vmem>>, vector<16xf32>,
      }
      %scan3A_159 = arith.constant 80 : i32
      "tpu.region"() ({
        %run_scoped3A = tpu.sem_alloc : memref<!tpu.dma_semaphore, #tpu.memory_space<semaphore_mem>>
        %dma_start3A_160 = arith.constant 0 : i32
        %dma_start3A_161 = arith.constant 0 : i32
        %dma_start3A_162 = tpu.memref_slice %arg17[%dma_start3A_160, %dma_start3A_161] : memref<10000x144xf32, #tpu.memory_space<vmem_shared>> -> memref<10000x144xf32, #tpu.memory_space<vmem_shared>>
        tpu.enqueue_indirect_dma source(%arg15 : memref<80x144xf32, #tpu.memory_space<vmem>>) target(%dma_start3A_162 : memref<10000x144xf32, #tpu.memory_space<vmem_shared>>) offsets(%arg10 : memref<80xi32, #tpu.memory_space<vmem>>) semaphore(%run_scoped3A : memref<!tpu.dma_semaphore, #tpu.memory_space<semaphore_mem>>) {add = true}
        %dma_wait3A_163 = arith.constant 0 : i32
        %dma_wait3A_164 = arith.constant 0 : i32
        %dma_wait3A_165 = tpu.memref_slice %arg17[%dma_wait3A_163, %dma_wait3A_164] : memref<10000x144xf32, #tpu.memory_space<vmem_shared>> -> memref<10000x144xf32, #tpu.memory_space<vmem_shared>>
        tpu.wait_indirect_dma semaphore(%run_scoped3A : memref<!tpu.dma_semaphore, #tpu.memory_space<semaphore_mem>>) src(%arg15 : memref<80x144xf32, #tpu.memory_space<vmem>>) dst(%dma_wait3A_165 : memref<10000x144xf32, #tpu.memory_space<vmem_shared>>)
        tpu.yield
      }) : () -> ()
    }
    %scan3A_70 = arith.constant 250 : i32
    %barrier3A_71 = arith.constant 0 : index
    tpu.barrier barrier_id(%barrier3A_71)
    %add3A_72 = arith.constant 0 : i32
    %add3A_73 = arith.addi %arg1, %add3A_72 : i32
    %lt3A_74 = arith.constant 125 : i32
    %lt3A_75 = arith.cmpi slt, %add3A_73, %lt3A_74 : i32
    %convert_element_type3A_76 = arith.extui %lt3A_75 : i1 to i32
    %cond3A_77 = arith.constant 0 : i32
    %cond3A_78 = arith.cmpi ne, %convert_element_type3A_76, %cond3A_77 : i32
    scf.if %cond3A_78 {
      %mul3A_128 = arith.constant 80 : i32
      %mul3A_129 = arith.muli %add3A_73, %mul3A_128 : i32
      %mul3A_130 = arith.constant 10000 : i32
      %mul3A_131 = arith.muli %arg0, %mul3A_130 : i32
      %add3A_132 = arith.addi %mul3A_131, %mul3A_129 : i32
      "tpu.region"() ({
        %run_scoped3A = tpu.sem_alloc : memref<!tpu.dma_semaphore, #tpu.memory_space<semaphore_mem>>
        %dma_start3A = arith.constant 0 : i32
        %dma_start3A_133 = tpu.memref_slice %arg7[%add3A_132, %dma_start3A] : memref<20000x144xf32, #tpu.memory_space<hbm>> -> memref<80x144xf32, #tpu.memory_space<hbm>>
        %dma_start3A_134 = arith.constant 0 : i32
        %dma_start3A_135 = tpu.memref_slice %arg17[%mul3A_129, %dma_start3A_134] : memref<10000x144xf32, #tpu.memory_space<vmem_shared>> -> memref<80x144xf32, #tpu.memory_space<vmem_shared>>
        tpu.enqueue_dma source(%dma_start3A_135 : memref<80x144xf32, #tpu.memory_space<vmem_shared>>) target(%dma_start3A_133 : memref<80x144xf32, #tpu.memory_space<hbm>>) target_semaphore(%run_scoped3A : memref<!tpu.dma_semaphore, #tpu.memory_space<semaphore_mem>>)
        %dma_wait3A = arith.constant 0 : i32
        %dma_wait3A_136 = tpu.memref_slice %arg7[%add3A_132, %dma_wait3A] : memref<20000x144xf32, #tpu.memory_space<hbm>> -> memref<80x144xf32, #tpu.memory_space<hbm>>
        %dma_wait3A_137 = arith.constant 0 : i32
        %dma_wait3A_138 = tpu.memref_slice %arg17[%mul3A_129, %dma_wait3A_137] : memref<10000x144xf32, #tpu.memory_space<vmem_shared>> -> memref<80x144xf32, #tpu.memory_space<vmem_shared>>
        tpu.wait_dma2 semaphore(%run_scoped3A : memref<!tpu.dma_semaphore, #tpu.memory_space<semaphore_mem>>) src(%dma_wait3A_138 : memref<80x144xf32, #tpu.memory_space<vmem_shared>>) dst(%dma_wait3A_136 : memref<80x144xf32, #tpu.memory_space<hbm>>)
        tpu.yield
      }) : () -> ()
    } else {
    }
    %add3A_79 = arith.constant 16 : i32
    %add3A_80 = arith.addi %arg1, %add3A_79 : i32
    %lt3A_81 = arith.constant 125 : i32
    %lt3A_82 = arith.cmpi slt, %add3A_80, %lt3A_81 : i32
    %convert_element_type3A_83 = arith.extui %lt3A_82 : i1 to i32
    %cond3A_84 = arith.constant 0 : i32
    %cond3A_85 = arith.cmpi ne, %convert_element_type3A_83, %cond3A_84 : i32
    scf.if %cond3A_85 {
      %mul3A_128 = arith.constant 80 : i32
      %mul3A_129 = arith.muli %add3A_80, %mul3A_128 : i32
      %mul3A_130 = arith.constant 10000 : i32
      %mul3A_131 = arith.muli %arg0, %mul3A_130 : i32
      %add3A_132 = arith.addi %mul3A_131, %mul3A_129 : i32
      "tpu.region"() ({
        %run_scoped3A = tpu.sem_alloc : memref<!tpu.dma_semaphore, #tpu.memory_space<semaphore_mem>>
        %dma_start3A = arith.constant 0 : i32
        %dma_start3A_133 = tpu.memref_slice %arg7[%add3A_132, %dma_start3A] : memref<20000x144xf32, #tpu.memory_space<hbm>> -> memref<80x144xf32, #tpu.memory_space<hbm>>
        %dma_start3A_134 = arith.constant 0 : i32
        %dma_start3A_135 = tpu.memref_slice %arg17[%mul3A_129, %dma_start3A_134] : memref<10000x144xf32, #tpu.memory_space<vmem_shared>> -> memref<80x144xf32, #tpu.memory_space<vmem_shared>>
        tpu.enqueue_dma source(%dma_start3A_135 : memref<80x144xf32, #tpu.memory_space<vmem_shared>>) target(%dma_start3A_133 : memref<80x144xf32, #tpu.memory_space<hbm>>) target_semaphore(%run_scoped3A : memref<!tpu.dma_semaphore, #tpu.memory_space<semaphore_mem>>)
        %dma_wait3A = arith.constant 0 : i32
        %dma_wait3A_136 = tpu.memref_slice %arg7[%add3A_132, %dma_wait3A] : memref<20000x144xf32, #tpu.memory_space<hbm>> -> memref<80x144xf32, #tpu.memory_space<hbm>>
        %dma_wait3A_137 = arith.constant 0 : i32
        %dma_wait3A_138 = tpu.memref_slice %arg17[%mul3A_129, %dma_wait3A_137] : memref<10000x144xf32, #tpu.memory_space<vmem_shared>> -> memref<80x144xf32, #tpu.memory_space<vmem_shared>>
        tpu.wait_dma2 semaphore(%run_scoped3A : memref<!tpu.dma_semaphore, #tpu.memory_space<semaphore_mem>>) src(%dma_wait3A_138 : memref<80x144xf32, #tpu.memory_space<vmem_shared>>) dst(%dma_wait3A_136 : memref<80x144xf32, #tpu.memory_space<hbm>>)
        tpu.yield
      }) : () -> ()
    } else {
    }
    %add3A_86 = arith.constant 32 : i32
    %add3A_87 = arith.addi %arg1, %add3A_86 : i32
    %lt3A_88 = arith.constant 125 : i32
    %lt3A_89 = arith.cmpi slt, %add3A_87, %lt3A_88 : i32
    %convert_element_type3A_90 = arith.extui %lt3A_89 : i1 to i32
    %cond3A_91 = arith.constant 0 : i32
    %cond3A_92 = arith.cmpi ne, %convert_element_type3A_90, %cond3A_91 : i32
    scf.if %cond3A_92 {
      %mul3A_128 = arith.constant 80 : i32
      %mul3A_129 = arith.muli %add3A_87, %mul3A_128 : i32
      %mul3A_130 = arith.constant 10000 : i32
      %mul3A_131 = arith.muli %arg0, %mul3A_130 : i32
      %add3A_132 = arith.addi %mul3A_131, %mul3A_129 : i32
      "tpu.region"() ({
        %run_scoped3A = tpu.sem_alloc : memref<!tpu.dma_semaphore, #tpu.memory_space<semaphore_mem>>
        %dma_start3A = arith.constant 0 : i32
        %dma_start3A_133 = tpu.memref_slice %arg7[%add3A_132, %dma_start3A] : memref<20000x144xf32, #tpu.memory_space<hbm>> -> memref<80x144xf32, #tpu.memory_space<hbm>>
        %dma_start3A_134 = arith.constant 0 : i32
        %dma_start3A_135 = tpu.memref_slice %arg17[%mul3A_129, %dma_start3A_134] : memref<10000x144xf32, #tpu.memory_space<vmem_shared>> -> memref<80x144xf32, #tpu.memory_space<vmem_shared>>
        tpu.enqueue_dma source(%dma_start3A_135 : memref<80x144xf32, #tpu.memory_space<vmem_shared>>) target(%dma_start3A_133 : memref<80x144xf32, #tpu.memory_space<hbm>>) target_semaphore(%run_scoped3A : memref<!tpu.dma_semaphore, #tpu.memory_space<semaphore_mem>>)
        %dma_wait3A = arith.constant 0 : i32
        %dma_wait3A_136 = tpu.memref_slice %arg7[%add3A_132, %dma_wait3A] : memref<20000x144xf32, #tpu.memory_space<hbm>> -> memref<80x144xf32, #tpu.memory_space<hbm>>
        %dma_wait3A_137 = arith.constant 0 : i32
        %dma_wait3A_138 = tpu.memref_slice %arg17[%mul3A_129, %dma_wait3A_137] : memref<10000x144xf32, #tpu.memory_space<vmem_shared>> -> memref<80x144xf32, #tpu.memory_space<vmem_shared>>
        tpu.wait_dma2 semaphore(%run_scoped3A : memref<!tpu.dma_semaphore, #tpu.memory_space<semaphore_mem>>) src(%dma_wait3A_138 : memref<80x144xf32, #tpu.memory_space<vmem_shared>>) dst(%dma_wait3A_136 : memref<80x144xf32, #tpu.memory_space<hbm>>)
        tpu.yield
      }) : () -> ()
    } else {
    }
    %add3A_93 = arith.constant 48 : i32
    %add3A_94 = arith.addi %arg1, %add3A_93 : i32
    %lt3A_95 = arith.constant 125 : i32
    %lt3A_96 = arith.cmpi slt, %add3A_94, %lt3A_95 : i32
    %convert_element_type3A_97 = arith.extui %lt3A_96 : i1 to i32
    %cond3A_98 = arith.constant 0 : i32
    %cond3A_99 = arith.cmpi ne, %convert_element_type3A_97, %cond3A_98 : i32
    scf.if %cond3A_99 {
      %mul3A_128 = arith.constant 80 : i32
      %mul3A_129 = arith.muli %add3A_94, %mul3A_128 : i32
      %mul3A_130 = arith.constant 10000 : i32
      %mul3A_131 = arith.muli %arg0, %mul3A_130 : i32
      %add3A_132 = arith.addi %mul3A_131, %mul3A_129 : i32
      "tpu.region"() ({
        %run_scoped3A = tpu.sem_alloc : memref<!tpu.dma_semaphore, #tpu.memory_space<semaphore_mem>>
        %dma_start3A = arith.constant 0 : i32
        %dma_start3A_133 = tpu.memref_slice %arg7[%add3A_132, %dma_start3A] : memref<20000x144xf32, #tpu.memory_space<hbm>> -> memref<80x144xf32, #tpu.memory_space<hbm>>
        %dma_start3A_134 = arith.constant 0 : i32
        %dma_start3A_135 = tpu.memref_slice %arg17[%mul3A_129, %dma_start3A_134] : memref<10000x144xf32, #tpu.memory_space<vmem_shared>> -> memref<80x144xf32, #tpu.memory_space<vmem_shared>>
        tpu.enqueue_dma source(%dma_start3A_135 : memref<80x144xf32, #tpu.memory_space<vmem_shared>>) target(%dma_start3A_133 : memref<80x144xf32, #tpu.memory_space<hbm>>) target_semaphore(%run_scoped3A : memref<!tpu.dma_semaphore, #tpu.memory_space<semaphore_mem>>)
        %dma_wait3A = arith.constant 0 : i32
        %dma_wait3A_136 = tpu.memref_slice %arg7[%add3A_132, %dma_wait3A] : memref<20000x144xf32, #tpu.memory_space<hbm>> -> memref<80x144xf32, #tpu.memory_space<hbm>>
        %dma_wait3A_137 = arith.constant 0 : i32
        %dma_wait3A_138 = tpu.memref_slice %arg17[%mul3A_129, %dma_wait3A_137] : memref<10000x144xf32, #tpu.memory_space<vmem_shared>> -> memref<80x144xf32, #tpu.memory_space<vmem_shared>>
        tpu.wait_dma2 semaphore(%run_scoped3A : memref<!tpu.dma_semaphore, #tpu.memory_space<semaphore_mem>>) src(%dma_wait3A_138 : memref<80x144xf32, #tpu.memory_space<vmem_shared>>) dst(%dma_wait3A_136 : memref<80x144xf32, #tpu.memory_space<hbm>>)
        tpu.yield
      }) : () -> ()
    } else {
    }
    %add3A_100 = arith.constant 64 : i32
    %add3A_101 = arith.addi %arg1, %add3A_100 : i32
    %lt3A_102 = arith.constant 125 : i32
    %lt3A_103 = arith.cmpi slt, %add3A_101, %lt3A_102 : i32
    %convert_element_type3A_104 = arith.extui %lt3A_103 : i1 to i32
    %cond3A_105 = arith.constant 0 : i32
    %cond3A_106 = arith.cmpi ne, %convert_element_type3A_104, %cond3A_105 : i32
    scf.if %cond3A_106 {
      %mul3A_128 = arith.constant 80 : i32
      %mul3A_129 = arith.muli %add3A_101, %mul3A_128 : i32
      %mul3A_130 = arith.constant 10000 : i32
      %mul3A_131 = arith.muli %arg0, %mul3A_130 : i32
      %add3A_132 = arith.addi %mul3A_131, %mul3A_129 : i32
      "tpu.region"() ({
        %run_scoped3A = tpu.sem_alloc : memref<!tpu.dma_semaphore, #tpu.memory_space<semaphore_mem>>
        %dma_start3A = arith.constant 0 : i32
        %dma_start3A_133 = tpu.memref_slice %arg7[%add3A_132, %dma_start3A] : memref<20000x144xf32, #tpu.memory_space<hbm>> -> memref<80x144xf32, #tpu.memory_space<hbm>>
        %dma_start3A_134 = arith.constant 0 : i32
        %dma_start3A_135 = tpu.memref_slice %arg17[%mul3A_129, %dma_start3A_134] : memref<10000x144xf32, #tpu.memory_space<vmem_shared>> -> memref<80x144xf32, #tpu.memory_space<vmem_shared>>
        tpu.enqueue_dma source(%dma_start3A_135 : memref<80x144xf32, #tpu.memory_space<vmem_shared>>) target(%dma_start3A_133 : memref<80x144xf32, #tpu.memory_space<hbm>>) target_semaphore(%run_scoped3A : memref<!tpu.dma_semaphore, #tpu.memory_space<semaphore_mem>>)
        %dma_wait3A = arith.constant 0 : i32
        %dma_wait3A_136 = tpu.memref_slice %arg7[%add3A_132, %dma_wait3A] : memref<20000x144xf32, #tpu.memory_space<hbm>> -> memref<80x144xf32, #tpu.memory_space<hbm>>
        %dma_wait3A_137 = arith.constant 0 : i32
        %dma_wait3A_138 = tpu.memref_slice %arg17[%mul3A_129, %dma_wait3A_137] : memref<10000x144xf32, #tpu.memory_space<vmem_shared>> -> memref<80x144xf32, #tpu.memory_space<vmem_shared>>
        tpu.wait_dma2 semaphore(%run_scoped3A : memref<!tpu.dma_semaphore, #tpu.memory_space<semaphore_mem>>) src(%dma_wait3A_138 : memref<80x144xf32, #tpu.memory_space<vmem_shared>>) dst(%dma_wait3A_136 : memref<80x144xf32, #tpu.memory_space<hbm>>)
        tpu.yield
      }) : () -> ()
    } else {
    }
    %add3A_107 = arith.constant 80 : i32
    %add3A_108 = arith.addi %arg1, %add3A_107 : i32
    %lt3A_109 = arith.constant 125 : i32
    %lt3A_110 = arith.cmpi slt, %add3A_108, %lt3A_109 : i32
    %convert_element_type3A_111 = arith.extui %lt3A_110 : i1 to i32
    %cond3A_112 = arith.constant 0 : i32
    %cond3A_113 = arith.cmpi ne, %convert_element_type3A_111, %cond3A_112 : i32
    scf.if %cond3A_113 {
      %mul3A_128 = arith.constant 80 : i32
      %mul3A_129 = arith.muli %add3A_108, %mul3A_128 : i32
      %mul3A_130 = arith.constant 10000 : i32
      %mul3A_131 = arith.muli %arg0, %mul3A_130 : i32
      %add3A_132 = arith.addi %mul3A_131, %mul3A_129 : i32
      "tpu.region"() ({
        %run_scoped3A = tpu.sem_alloc : memref<!tpu.dma_semaphore, #tpu.memory_space<semaphore_mem>>
        %dma_start3A = arith.constant 0 : i32
        %dma_start3A_133 = tpu.memref_slice %arg7[%add3A_132, %dma_start3A] : memref<20000x144xf32, #tpu.memory_space<hbm>> -> memref<80x144xf32, #tpu.memory_space<hbm>>
        %dma_start3A_134 = arith.constant 0 : i32
        %dma_start3A_135 = tpu.memref_slice %arg17[%mul3A_129, %dma_start3A_134] : memref<10000x144xf32, #tpu.memory_space<vmem_shared>> -> memref<80x144xf32, #tpu.memory_space<vmem_shared>>
        tpu.enqueue_dma source(%dma_start3A_135 : memref<80x144xf32, #tpu.memory_space<vmem_shared>>) target(%dma_start3A_133 : memref<80x144xf32, #tpu.memory_space<hbm>>) target_semaphore(%run_scoped3A : memref<!tpu.dma_semaphore, #tpu.memory_space<semaphore_mem>>)
        %dma_wait3A = arith.constant 0 : i32
        %dma_wait3A_136 = tpu.memref_slice %arg7[%add3A_132, %dma_wait3A] : memref<20000x144xf32, #tpu.memory_space<hbm>> -> memref<80x144xf32, #tpu.memory_space<hbm>>
        %dma_wait3A_137 = arith.constant 0 : i32
        %dma_wait3A_138 = tpu.memref_slice %arg17[%mul3A_129, %dma_wait3A_137] : memref<10000x144xf32, #tpu.memory_space<vmem_shared>> -> memref<80x144xf32, #tpu.memory_space<vmem_shared>>
        tpu.wait_dma2 semaphore(%run_scoped3A : memref<!tpu.dma_semaphore, #tpu.memory_space<semaphore_mem>>) src(%dma_wait3A_138 : memref<80x144xf32, #tpu.memory_space<vmem_shared>>) dst(%dma_wait3A_136 : memref<80x144xf32, #tpu.memory_space<hbm>>)
        tpu.yield
      }) : () -> ()
    } else {
    }
    %add3A_114 = arith.constant 96 : i32
    %add3A_115 = arith.addi %arg1, %add3A_114 : i32
    %lt3A_116 = arith.constant 125 : i32
    %lt3A_117 = arith.cmpi slt, %add3A_115, %lt3A_116 : i32
    %convert_element_type3A_118 = arith.extui %lt3A_117 : i1 to i32
    %cond3A_119 = arith.constant 0 : i32
    %cond3A_120 = arith.cmpi ne, %convert_element_type3A_118, %cond3A_119 : i32
    scf.if %cond3A_120 {
      %mul3A_128 = arith.constant 80 : i32
      %mul3A_129 = arith.muli %add3A_115, %mul3A_128 : i32
      %mul3A_130 = arith.constant 10000 : i32
      %mul3A_131 = arith.muli %arg0, %mul3A_130 : i32
      %add3A_132 = arith.addi %mul3A_131, %mul3A_129 : i32
      "tpu.region"() ({
        %run_scoped3A = tpu.sem_alloc : memref<!tpu.dma_semaphore, #tpu.memory_space<semaphore_mem>>
        %dma_start3A = arith.constant 0 : i32
        %dma_start3A_133 = tpu.memref_slice %arg7[%add3A_132, %dma_start3A] : memref<20000x144xf32, #tpu.memory_space<hbm>> -> memref<80x144xf32, #tpu.memory_space<hbm>>
        %dma_start3A_134 = arith.constant 0 : i32
        %dma_start3A_135 = tpu.memref_slice %arg17[%mul3A_129, %dma_start3A_134] : memref<10000x144xf32, #tpu.memory_space<vmem_shared>> -> memref<80x144xf32, #tpu.memory_space<vmem_shared>>
        tpu.enqueue_dma source(%dma_start3A_135 : memref<80x144xf32, #tpu.memory_space<vmem_shared>>) target(%dma_start3A_133 : memref<80x144xf32, #tpu.memory_space<hbm>>) target_semaphore(%run_scoped3A : memref<!tpu.dma_semaphore, #tpu.memory_space<semaphore_mem>>)
        %dma_wait3A = arith.constant 0 : i32
        %dma_wait3A_136 = tpu.memref_slice %arg7[%add3A_132, %dma_wait3A] : memref<20000x144xf32, #tpu.memory_space<hbm>> -> memref<80x144xf32, #tpu.memory_space<hbm>>
        %dma_wait3A_137 = arith.constant 0 : i32
        %dma_wait3A_138 = tpu.memref_slice %arg17[%mul3A_129, %dma_wait3A_137] : memref<10000x144xf32, #tpu.memory_space<vmem_shared>> -> memref<80x144xf32, #tpu.memory_space<vmem_shared>>
        tpu.wait_dma2 semaphore(%run_scoped3A : memref<!tpu.dma_semaphore, #tpu.memory_space<semaphore_mem>>) src(%dma_wait3A_138 : memref<80x144xf32, #tpu.memory_space<vmem_shared>>) dst(%dma_wait3A_136 : memref<80x144xf32, #tpu.memory_space<hbm>>)
        tpu.yield
      }) : () -> ()
    } else {
    }
    %add3A_121 = arith.constant 112 : i32
    %add3A_122 = arith.addi %arg1, %add3A_121 : i32
    %lt3A_123 = arith.constant 125 : i32
    %lt3A_124 = arith.cmpi slt, %add3A_122, %lt3A_123 : i32
    %convert_element_type3A_125 = arith.extui %lt3A_124 : i1 to i32
    %cond3A_126 = arith.constant 0 : i32
    %cond3A_127 = arith.cmpi ne, %convert_element_type3A_125, %cond3A_126 : i32
    scf.if %cond3A_127 {
      %mul3A_128 = arith.constant 80 : i32
      %mul3A_129 = arith.muli %add3A_122, %mul3A_128 : i32
      %mul3A_130 = arith.constant 10000 : i32
      %mul3A_131 = arith.muli %arg0, %mul3A_130 : i32
      %add3A_132 = arith.addi %mul3A_131, %mul3A_129 : i32
      "tpu.region"() ({
        %run_scoped3A = tpu.sem_alloc : memref<!tpu.dma_semaphore, #tpu.memory_space<semaphore_mem>>
        %dma_start3A = arith.constant 0 : i32
        %dma_start3A_133 = tpu.memref_slice %arg7[%add3A_132, %dma_start3A] : memref<20000x144xf32, #tpu.memory_space<hbm>> -> memref<80x144xf32, #tpu.memory_space<hbm>>
        %dma_start3A_134 = arith.constant 0 : i32
        %dma_start3A_135 = tpu.memref_slice %arg17[%mul3A_129, %dma_start3A_134] : memref<10000x144xf32, #tpu.memory_space<vmem_shared>> -> memref<80x144xf32, #tpu.memory_space<vmem_shared>>
        tpu.enqueue_dma source(%dma_start3A_135 : memref<80x144xf32, #tpu.memory_space<vmem_shared>>) target(%dma_start3A_133 : memref<80x144xf32, #tpu.memory_space<hbm>>) target_semaphore(%run_scoped3A : memref<!tpu.dma_semaphore, #tpu.memory_space<semaphore_mem>>)
        %dma_wait3A = arith.constant 0 : i32
        %dma_wait3A_136 = tpu.memref_slice %arg7[%add3A_132, %dma_wait3A] : memref<20000x144xf32, #tpu.memory_space<hbm>> -> memref<80x144xf32, #tpu.memory_space<hbm>>
        %dma_wait3A_137 = arith.constant 0 : i32
        %dma_wait3A_138 = tpu.memref_slice %arg17[%mul3A_129, %dma_wait3A_137] : memref<10000x144xf32, #tpu.memory_space<vmem_shared>> -> memref<80x144xf32, #tpu.memory_space<vmem_shared>>
        tpu.wait_dma2 semaphore(%run_scoped3A : memref<!tpu.dma_semaphore, #tpu.memory_space<semaphore_mem>>) src(%dma_wait3A_138 : memref<80x144xf32, #tpu.memory_space<vmem_shared>>) dst(%dma_wait3A_136 : memref<80x144xf32, #tpu.memory_space<hbm>>)
        tpu.yield
      }) : () -> ()
    } else {
    }
    return
  }
}

module attributes {stable_mosaic.version = 14 : i64} {
  func.func @_dense1_body(%arg0: i32, %arg1: memref<4000x3xf32, #tpu.memory_space<vmem>>, %arg2: memref<3x128xf32, #tpu.memory_space<vmem>>, %arg3: memref<3x32xf32, #tpu.memory_space<vmem>>, %arg4: memref<4000x128xf32, #tpu.memory_space<vmem>>, %arg5: memref<4000x32xf32, #tpu.memory_space<vmem>>) attributes {dimension_semantics = [#tpu.dimension_semantics<arbitrary>], iteration_bounds = array<i64: 10>, scalar_prefetch = 0 : i64, scratch_operands = 0 : i64, tpu.core_type = #tpu.core_type<tc>, window_params = [{transform_indices = @transform_0, window_bounds = array<i64: 4000, 3>}, {pipeline_mode = #tpu.pipeline_mode<synchronous>, transform_indices = @transform_1, window_bounds = array<i64: 3, 128>}, {pipeline_mode = #tpu.pipeline_mode<synchronous>, transform_indices = @transform_2, window_bounds = array<i64: 3, 32>}, {transform_indices = @transform_3, window_bounds = array<i64: 4000, 128>}, {transform_indices = @transform_4, window_bounds = array<i64: 4000, 32>}]} {
    %get3A = arith.constant 0 : index
    %get3A_0 = arith.constant 0 : index
    %get3A_1 = vector.load %arg1[%get3A, %get3A_0] : memref<4000x3xf32, #tpu.memory_space<vmem>>, vector<4000x3xf32>
    %get3A_2 = arith.constant 0 : index
    %get3A_3 = arith.constant 0 : index
    %get3A_4 = vector.load %arg2[%get3A_2, %get3A_3] : memref<3x128xf32, #tpu.memory_space<vmem>>, vector<3x128xf32>
    %dot_general3A = arith.constant dense<0.000000e+00> : vector<4000x128xf32>
    %dot_general3A_5 = tpu.matmul %get3A_1, %get3A_4, %dot_general3A {dimension_numbers = #tpu.dot_dimension_numbers<[1], [0], [0], [1], [0, 0, 1, 1], [], []>, precision = #tpu.contract_precision<fp32>, transpose_lhs_hint = false} : vector<4000x3xf32>, vector<3x128xf32>, vector<4000x128xf32> -> vector<4000x128xf32>
    %swap3A = arith.constant 0 : index
    %swap3A_6 = arith.constant 0 : index
    %swap3A_7 = vector.load %arg4[%swap3A, %swap3A_6] : memref<4000x128xf32, #tpu.memory_space<vmem>>, vector<4000x128xf32>
    tpu.vector_store %arg4[%swap3A, %swap3A_6], %dot_general3A_5 {strides = array<i32>} : memref<4000x128xf32, #tpu.memory_space<vmem>>, vector<4000x128xf32>,
    %get3A_8 = arith.constant 0 : index
    %get3A_9 = arith.constant 0 : index
    %get3A_10 = vector.load %arg3[%get3A_8, %get3A_9] : memref<3x32xf32, #tpu.memory_space<vmem>>, vector<3x32xf32>
    %dot_general3A_11 = arith.constant dense<0.000000e+00> : vector<4000x32xf32>
    %dot_general3A_12 = tpu.matmul %get3A_1, %get3A_10, %dot_general3A_11 {dimension_numbers = #tpu.dot_dimension_numbers<[1], [0], [0], [1], [0, 0, 1, 1], [], []>, precision = #tpu.contract_precision<fp32>, transpose_lhs_hint = false} : vector<4000x3xf32>, vector<3x32xf32>, vector<4000x32xf32> -> vector<4000x32xf32>
    %swap3A_13 = arith.constant 0 : index
    %swap3A_14 = arith.constant 0 : index
    %swap3A_15 = vector.load %arg5[%swap3A_13, %swap3A_14] : memref<4000x32xf32, #tpu.memory_space<vmem>>, vector<4000x32xf32>
    tpu.vector_store %arg5[%swap3A_13, %swap3A_14], %dot_general3A_12 {strides = array<i32>} : memref<4000x32xf32, #tpu.memory_space<vmem>>, vector<4000x32xf32>,
    return
  }
  func.func @transform_0(%arg0: i32) -> (i32, i32) {
    %c0_i32 = arith.constant 0 : i32
    %c0_i32_0 = arith.constant 0 : i32
    return %arg0, %c0_i32 : i32, i32
  }
  func.func @transform_1(%arg0: i32) -> (i32, i32) {
    %c0_i32 = arith.constant 0 : i32
    %c0_i32_0 = arith.constant 0 : i32
    %c0_i32_1 = arith.constant 0 : i32
    return %c0_i32, %c0_i32_0 : i32, i32
  }
  func.func @transform_2(%arg0: i32) -> (i32, i32) {
    %c0_i32 = arith.constant 0 : i32
    %c0_i32_0 = arith.constant 0 : i32
    %c0_i32_1 = arith.constant 0 : i32
    return %c0_i32, %c0_i32_0 : i32, i32
  }
  func.func @transform_3(%arg0: i32) -> (i32, i32) {
    %c0_i32 = arith.constant 0 : i32
    %c0_i32_0 = arith.constant 0 : i32
    return %arg0, %c0_i32 : i32, i32
  }
  func.func @transform_4(%arg0: i32) -> (i32, i32) {
    %c0_i32 = arith.constant 0 : i32
    %c0_i32_0 = arith.constant 0 : i32
    return %arg0, %c0_i32 : i32, i32
  }
}

module attributes {stable_mosaic.version = 14 : i64} {
  func.func @_fin1_body(%arg0: i32, %arg1: memref<2000x128xf32, #tpu.memory_space<vmem>>, %arg2: memref<2000x32xf32, #tpu.memory_space<vmem>>, %arg3: memref<2000x128xf32, #tpu.memory_space<vmem>>, %arg4: memref<2000x128xf32, #tpu.memory_space<vmem>>, %arg5: memref<1x128xf32, #tpu.memory_space<vmem>>, %arg6: memref<128x32xf32, #tpu.memory_space<vmem>>, %arg7: memref<32x16xf32, #tpu.memory_space<vmem>>, %arg8: memref<16x128xf32, #tpu.memory_space<vmem>>, %arg9: memref<2000x32xf32, #tpu.memory_space<vmem>>) attributes {dimension_semantics = [#tpu.dimension_semantics<arbitrary>], iteration_bounds = array<i64: 20>, scalar_prefetch = 0 : i64, scratch_operands = 0 : i64, tpu.core_type = #tpu.core_type<tc>, window_params = [{transform_indices = @transform_0, window_bounds = array<i64: 2000, 128>}, {transform_indices = @transform_1, window_bounds = array<i64: 2000, 32>}, {transform_indices = @transform_2, window_bounds = array<i64: 2000, 128>}, {transform_indices = @transform_3, window_bounds = array<i64: 2000, 128>}, {pipeline_mode = #tpu.pipeline_mode<synchronous>, transform_indices = @transform_4, window_bounds = array<i64: 1, 128>}, {pipeline_mode = #tpu.pipeline_mode<synchronous>, transform_indices = @transform_5, window_bounds = array<i64: 128, 32>}, {pipeline_mode = #tpu.pipeline_mode<synchronous>, transform_indices = @transform_6, window_bounds = array<i64: 32, 16>}, {pipeline_mode = #tpu.pipeline_mode<synchronous>, transform_indices = @transform_7, window_bounds = array<i64: 16, 128>}, {transform_indices = @transform_8, window_bounds = array<i64: 2000, 32>}]} {
    %get3A = arith.constant 0 : index
    %get3A_0 = arith.constant 0 : index
    %get3A_1 = vector.load %arg1[%get3A, %get3A_0] : memref<2000x128xf32, #tpu.memory_space<vmem>>, vector<2000x128xf32>
    %get3A_2 = arith.constant 0 : index
    %get3A_3 = arith.constant 0 : index
    %get3A_4 = vector.load %arg2[%get3A_2, %get3A_3] : memref<2000x32xf32, #tpu.memory_space<vmem>>, vector<2000x32xf32>
    %get3A_5 = arith.constant 0 : index
    %get3A_6 = arith.constant 0 : index
    %get3A_7 = vector.load %arg7[%get3A_5, %get3A_6] : memref<32x16xf32, #tpu.memory_space<vmem>>, vector<32x16xf32>
    %dot_general3A = arith.constant dense<0.000000e+00> : vector<2000x16xf32>
    %dot_general3A_8 = tpu.matmul %get3A_4, %get3A_7, %dot_general3A {dimension_numbers = #tpu.dot_dimension_numbers<[1], [0], [0], [1], [0, 0, 1, 1], [], []>, precision = #tpu.contract_precision<fp32>, transpose_lhs_hint = false} : vector<2000x32xf32>, vector<32x16xf32>, vector<2000x16xf32> -> vector<2000x16xf32>
    %mul3A = arith.constant 2.000000e-01 : f32
    %mul3A_9 = vector.broadcast %mul3A : f32 to vector<2000x16xf32>
    %mul3A_10 = arith.mulf %mul3A_9, %dot_general3A_8 : vector<2000x16xf32>
    %max3A = arith.maximumf %dot_general3A_8, %mul3A_10 : vector<2000x16xf32>
    %exp3A = math.exp %max3A : vector<2000x16xf32>
    %get3A_11 = arith.constant 0 : index
    %get3A_12 = arith.constant 0 : index
    %get3A_13 = vector.load %arg8[%get3A_11, %get3A_12] : memref<16x128xf32, #tpu.memory_space<vmem>>, vector<16x128xf32>
    %dot_general3A_14 = arith.constant dense<0.000000e+00> : vector<2000x128xf32>
    %dot_general3A_15 = tpu.matmul %exp3A, %get3A_13, %dot_general3A_14 {dimension_numbers = #tpu.dot_dimension_numbers<[1], [0], [0], [1], [0, 0, 1, 1], [], []>, precision = #tpu.contract_precision<fp32>, transpose_lhs_hint = false} : vector<2000x16xf32>, vector<16x128xf32>, vector<2000x128xf32> -> vector<2000x128xf32>
    %get3A_16 = arith.constant 0 : index
    %get3A_17 = arith.constant 0 : index
    %get3A_18 = vector.load %arg4[%get3A_16, %get3A_17] : memref<2000x128xf32, #tpu.memory_space<vmem>>, vector<2000x128xf32>
    %slice3A = vector.extract_strided_slice %get3A_18 {offsets = [0, 0], sizes = [2000, 16], strides = [1, 1]} : vector<2000x128xf32> to vector<2000x16xf32>
    %get3A_19 = arith.constant 0 : index
    %get3A_20 = arith.constant 0 : index
    %get3A_21 = vector.load %arg8[%get3A_19, %get3A_20] : memref<16x128xf32, #tpu.memory_space<vmem>>, vector<16x128xf32>
    %dot_general3A_22 = arith.constant dense<0.000000e+00> : vector<2000x128xf32>
    %dot_general3A_23 = tpu.matmul %slice3A, %get3A_21, %dot_general3A_22 {dimension_numbers = #tpu.dot_dimension_numbers<[1], [0], [0], [1], [0, 0, 1, 1], [], []>, precision = #tpu.contract_precision<fp32>, transpose_lhs_hint = false} : vector<2000x16xf32>, vector<16x128xf32>, vector<2000x128xf32> -> vector<2000x128xf32>
    %get3A_24 = arith.constant 0 : index
    %get3A_25 = arith.constant 0 : index
    %get3A_26 = vector.load %arg3[%get3A_24, %get3A_25] : memref<2000x128xf32, #tpu.memory_space<vmem>>, vector<2000x128xf32>
    %mul3A_27 = arith.mulf %dot_general3A_15, %get3A_1 : vector<2000x128xf32>
    %add3A = arith.addf %get3A_26, %mul3A_27 : vector<2000x128xf32>
    %add3A_28 = arith.addf %dot_general3A_23, %dot_general3A_15 : vector<2000x128xf32>
    %add3A_29 = arith.constant 1.000000e-16 : f32
    %add3A_30 = vector.broadcast %add3A_29 : f32 to vector<2000x128xf32>
    %add3A_31 = arith.addf %add3A_28, %add3A_30 : vector<2000x128xf32>
    %div3A = arith.divf %add3A, %add3A_31 : vector<2000x128xf32>
    %lt3A = arith.constant 10 : i32
    %lt3A_32 = arith.cmpi slt, %arg0, %lt3A : i32
    %select_n3A = arith.select %lt3A_32, %get3A_1, %div3A : vector<2000x128xf32>
    %get3A_33 = arith.constant 0 : index
    %get3A_34 = arith.constant 0 : index
    %get3A_35 = vector.load %arg5[%get3A_33, %get3A_34] : memref<1x128xf32, #tpu.memory_space<vmem>>, vector<1x128xf32>
    %add3A_36 = vector.broadcast %get3A_35 : vector<1x128xf32> to vector<2000x128xf32>
    %add3A_37 = arith.addf %select_n3A, %add3A_36 : vector<2000x128xf32>
    %gt3A = arith.constant 0.000000e+00 : f32
    %gt3A_38 = vector.broadcast %gt3A : f32 to vector<2000x128xf32>
    %gt3A_39 = arith.cmpf ogt, %add3A_37, %gt3A_38 : vector<2000x128xf32>
    %exp3A_40 = math.exp %add3A_37 : vector<2000x128xf32>
    %sub3A = arith.constant 1.000000e+00 : f32
    %sub3A_41 = vector.broadcast %sub3A : f32 to vector<2000x128xf32>
    %sub3A_42 = arith.subf %exp3A_40, %sub3A_41 : vector<2000x128xf32>
    %select_n3A_43 = arith.select %gt3A_39, %add3A_37, %sub3A_42 : vector<2000x128xi1>, vector<2000x128xf32>
    %get3A_44 = arith.constant 0 : index
    %get3A_45 = arith.constant 0 : index
    %get3A_46 = vector.load %arg6[%get3A_44, %get3A_45] : memref<128x32xf32, #tpu.memory_space<vmem>>, vector<128x32xf32>
    %dot_general3A_47 = arith.constant dense<0.000000e+00> : vector<2000x32xf32>
    %dot_general3A_48 = tpu.matmul %select_n3A_43, %get3A_46, %dot_general3A_47 {dimension_numbers = #tpu.dot_dimension_numbers<[1], [0], [0], [1], [0, 0, 1, 1], [], []>, precision = #tpu.contract_precision<fp32>, transpose_lhs_hint = false} : vector<2000x128xf32>, vector<128x32xf32>, vector<2000x32xf32> -> vector<2000x32xf32>
    %swap3A = arith.constant 0 : index
    %swap3A_49 = arith.constant 0 : index
    %swap3A_50 = vector.load %arg9[%swap3A, %swap3A_49] : memref<2000x32xf32, #tpu.memory_space<vmem>>, vector<2000x32xf32>
    tpu.vector_store %arg9[%swap3A, %swap3A_49], %dot_general3A_48 {strides = array<i32>} : memref<2000x32xf32, #tpu.memory_space<vmem>>, vector<2000x32xf32>,
    return
  }
  func.func @transform_0(%arg0: i32) -> (i32, i32) {
    %c0_i32 = arith.constant 0 : i32
    %c0_i32_0 = arith.constant 0 : i32
    return %arg0, %c0_i32 : i32, i32
  }
  func.func @transform_1(%arg0: i32) -> (i32, i32) {
    %c0_i32 = arith.constant 0 : i32
    %c0_i32_0 = arith.constant 0 : i32
    return %arg0, %c0_i32 : i32, i32
  }
  func.func @transform_2(%arg0: i32) -> (i32, i32) {
    %sub3A = arith.constant 10 : i32
    %sub3A_0 = arith.subi %arg0, %sub3A : i32
    %max3A = arith.constant 0 : i32
    %max3A_1 = arith.maxsi %sub3A_0, %max3A : i32
    %c0_i32 = arith.constant 0 : i32
    %c0_i32_2 = arith.constant 0 : i32
    return %max3A_1, %c0_i32 : i32, i32
  }
  func.func @transform_3(%arg0: i32) -> (i32, i32) {
    %sub3A = arith.constant 10 : i32
    %sub3A_0 = arith.subi %arg0, %sub3A : i32
    %max3A = arith.constant 0 : i32
    %max3A_1 = arith.maxsi %sub3A_0, %max3A : i32
    %c1_i32 = arith.constant 1 : i32
    %c0_i32 = arith.constant 0 : i32
    return %max3A_1, %c1_i32 : i32, i32
  }
  func.func @transform_4(%arg0: i32) -> (i32, i32) {
    %c0_i32 = arith.constant 0 : i32
    %c0_i32_0 = arith.constant 0 : i32
    %c0_i32_1 = arith.constant 0 : i32
    return %c0_i32, %c0_i32_0 : i32, i32
  }
  func.func @transform_5(%arg0: i32) -> (i32, i32) {
    %c0_i32 = arith.constant 0 : i32
    %c0_i32_0 = arith.constant 0 : i32
    %c0_i32_1 = arith.constant 0 : i32
    return %c0_i32, %c0_i32_0 : i32, i32
  }
  func.func @transform_6(%arg0: i32) -> (i32, i32) {
    %c0_i32 = arith.constant 0 : i32
    %c0_i32_0 = arith.constant 0 : i32
    %c0_i32_1 = arith.constant 0 : i32
    return %c0_i32, %c0_i32_0 : i32, i32
  }
  func.func @transform_7(%arg0: i32) -> (i32, i32) {
    %c0_i32 = arith.constant 0 : i32
    %c0_i32_0 = arith.constant 0 : i32
    %c0_i32_1 = arith.constant 0 : i32
    return %c0_i32, %c0_i32_0 : i32, i32
  }
  func.func @transform_8(%arg0: i32) -> (i32, i32) {
    %c0_i32 = arith.constant 0 : i32
    %c0_i32_0 = arith.constant 0 : i32
    return %arg0, %c0_i32 : i32, i32
  }
}

module attributes {stable_mosaic.version = 14 : i64} {
  func.func @_fin2_body(%arg0: i32, %arg1: memref<2000x32xf32, #tpu.memory_space<vmem>>, %arg2: memref<2000x32xf32, #tpu.memory_space<vmem>>, %arg3: memref<1x16xf32, #tpu.memory_space<vmem>>, %arg4: memref<32x16xf32, #tpu.memory_space<vmem>>, %arg5: memref<32x16xf32, #tpu.memory_space<vmem>>, %arg6: memref<2000x16xf32, #tpu.memory_space<vmem>>) attributes {dimension_semantics = [#tpu.dimension_semantics<arbitrary>], iteration_bounds = array<i64: 20>, scalar_prefetch = 0 : i64, scratch_operands = 0 : i64, tpu.core_type = #tpu.core_type<tc>, window_params = [{transform_indices = @transform_0, window_bounds = array<i64: 2000, 32>}, {transform_indices = @transform_1, window_bounds = array<i64: 2000, 32>}, {pipeline_mode = #tpu.pipeline_mode<synchronous>, transform_indices = @transform_2, window_bounds = array<i64: 1, 16>}, {pipeline_mode = #tpu.pipeline_mode<synchronous>, transform_indices = @transform_3, window_bounds = array<i64: 32, 16>}, {pipeline_mode = #tpu.pipeline_mode<synchronous>, transform_indices = @transform_4, window_bounds = array<i64: 32, 16>}, {transform_indices = @transform_5, window_bounds = array<i64: 2000, 16>}]} {
    %get3A = arith.constant 0 : index
    %get3A_0 = arith.constant 0 : index
    %get3A_1 = vector.load %arg1[%get3A, %get3A_0] : memref<2000x32xf32, #tpu.memory_space<vmem>>, vector<2000x32xf32>
    %slice3A = vector.extract_strided_slice %get3A_1 {offsets = [0, 0], sizes = [2000, 16], strides = [1, 1]} : vector<2000x32xf32> to vector<2000x16xf32>
    %get3A_2 = arith.constant 0 : index
    %get3A_3 = arith.constant 0 : index
    %get3A_4 = vector.load %arg4[%get3A_2, %get3A_3] : memref<32x16xf32, #tpu.memory_space<vmem>>, vector<32x16xf32>
    %dot_general3A = arith.constant dense<0.000000e+00> : vector<2000x16xf32>
    %dot_general3A_5 = tpu.matmul %get3A_1, %get3A_4, %dot_general3A {dimension_numbers = #tpu.dot_dimension_numbers<[1], [0], [0], [1], [0, 0, 1, 1], [], []>, precision = #tpu.contract_precision<fp32>, transpose_lhs_hint = false} : vector<2000x32xf32>, vector<32x16xf32>, vector<2000x16xf32> -> vector<2000x16xf32>
    %mul3A = arith.constant 2.000000e-01 : f32
    %mul3A_6 = vector.broadcast %mul3A : f32 to vector<2000x16xf32>
    %mul3A_7 = arith.mulf %mul3A_6, %dot_general3A_5 : vector<2000x16xf32>
    %max3A = arith.maximumf %dot_general3A_5, %mul3A_7 : vector<2000x16xf32>
    %exp3A = math.exp %max3A : vector<2000x16xf32>
    %get3A_8 = arith.constant 0 : index
    %get3A_9 = arith.constant 0 : index
    %get3A_10 = vector.load %arg2[%get3A_8, %get3A_9] : memref<2000x32xf32, #tpu.memory_space<vmem>>, vector<2000x32xf32>
    %slice3A_11 = vector.extract_strided_slice %get3A_10 {offsets = [0, 0], sizes = [2000, 16], strides = [1, 1]} : vector<2000x32xf32> to vector<2000x16xf32>
    %get3A_12 = arith.constant 0 : index
    %get3A_13 = arith.constant 0 : index
    %get3A_14 = vector.load %arg5[%get3A_12, %get3A_13] : memref<32x16xf32, #tpu.memory_space<vmem>>, vector<32x16xf32>
    %dot_general3A_15 = arith.constant dense<0.000000e+00> : vector<2000x16xf32>
    %dot_general3A_16 = tpu.matmul %get3A_10, %get3A_14, %dot_general3A_15 {dimension_numbers = #tpu.dot_dimension_numbers<[1], [0], [0], [1], [0, 0, 1, 1], [], []>, precision = #tpu.contract_precision<fp32>, transpose_lhs_hint = false} : vector<2000x32xf32>, vector<32x16xf32>, vector<2000x16xf32> -> vector<2000x16xf32>
    %mul3A_17 = arith.mulf %exp3A, %slice3A : vector<2000x16xf32>
    %add3A = arith.addf %slice3A_11, %mul3A_17 : vector<2000x16xf32>
    %add3A_18 = arith.addf %dot_general3A_16, %exp3A : vector<2000x16xf32>
    %add3A_19 = arith.constant 1.000000e-16 : f32
    %add3A_20 = vector.broadcast %add3A_19 : f32 to vector<2000x16xf32>
    %add3A_21 = arith.addf %add3A_18, %add3A_20 : vector<2000x16xf32>
    %div3A = arith.divf %add3A, %add3A_21 : vector<2000x16xf32>
    %lt3A = arith.constant 10 : i32
    %lt3A_22 = arith.cmpi slt, %arg0, %lt3A : i32
    %select_n3A = arith.select %lt3A_22, %slice3A, %div3A : vector<2000x16xf32>
    %get3A_23 = arith.constant 0 : index
    %get3A_24 = arith.constant 0 : index
    %get3A_25 = vector.load %arg3[%get3A_23, %get3A_24] : memref<1x16xf32, #tpu.memory_space<vmem>>, vector<1x16xf32>
    %add3A_26 = vector.broadcast %get3A_25 : vector<1x16xf32> to vector<2000x16xf32>
    %add3A_27 = arith.addf %select_n3A, %add3A_26 : vector<2000x16xf32>
    %gt3A = arith.constant 0.000000e+00 : f32
    %gt3A_28 = vector.broadcast %gt3A : f32 to vector<2000x16xf32>
    %gt3A_29 = arith.cmpf ogt, %add3A_27, %gt3A_28 : vector<2000x16xf32>
    %exp3A_30 = math.exp %add3A_27 : vector<2000x16xf32>
    %sub3A = arith.constant 1.000000e+00 : f32
    %sub3A_31 = vector.broadcast %sub3A : f32 to vector<2000x16xf32>
    %sub3A_32 = arith.subf %exp3A_30, %sub3A_31 : vector<2000x16xf32>
    %select_n3A_33 = arith.select %gt3A_29, %add3A_27, %sub3A_32 : vector<2000x16xi1>, vector<2000x16xf32>
    %swap3A = arith.constant 0 : index
    %swap3A_34 = arith.constant 0 : index
    %swap3A_35 = vector.load %arg6[%swap3A, %swap3A_34] : memref<2000x16xf32, #tpu.memory_space<vmem>>, vector<2000x16xf32>
    tpu.vector_store %arg6[%swap3A, %swap3A_34], %select_n3A_33 {strides = array<i32>} : memref<2000x16xf32, #tpu.memory_space<vmem>>, vector<2000x16xf32>,
    return
  }
  func.func @transform_0(%arg0: i32) -> (i32, i32) {
    %c0_i32 = arith.constant 0 : i32
    %c0_i32_0 = arith.constant 0 : i32
    return %arg0, %c0_i32 : i32, i32
  }
  func.func @transform_1(%arg0: i32) -> (i32, i32) {
    %sub3A = arith.constant 10 : i32
    %sub3A_0 = arith.subi %arg0, %sub3A : i32
    %max3A = arith.constant 0 : i32
    %max3A_1 = arith.maxsi %sub3A_0, %max3A : i32
    %c0_i32 = arith.constant 0 : i32
    %c0_i32_2 = arith.constant 0 : i32
    return %max3A_1, %c0_i32 : i32, i32
  }
  func.func @transform_2(%arg0: i32) -> (i32, i32) {
    %c0_i32 = arith.constant 0 : i32
    %c0_i32_0 = arith.constant 0 : i32
    %c0_i32_1 = arith.constant 0 : i32
    return %c0_i32, %c0_i32_0 : i32, i32
  }
  func.func @transform_3(%arg0: i32) -> (i32, i32) {
    %c0_i32 = arith.constant 0 : i32
    %c0_i32_0 = arith.constant 0 : i32
    %c0_i32_1 = arith.constant 0 : i32
    return %c0_i32, %c0_i32_0 : i32, i32
  }
  func.func @transform_4(%arg0: i32) -> (i32, i32) {
    %c0_i32 = arith.constant 0 : i32
    %c0_i32_0 = arith.constant 0 : i32
    %c0_i32_1 = arith.constant 0 : i32
    return %c0_i32, %c0_i32_0 : i32, i32
  }
  func.func @transform_5(%arg0: i32) -> (i32, i32) {
    %c0_i32 = arith.constant 0 : i32
    %c0_i32_0 = arith.constant 0 : i32
    return %arg0, %c0_i32 : i32, i32
  }
}

module attributes {stable_mosaic.version = 14 : i64} {
  func.func @_mlpa_body(%arg0: i32, %arg1: memref<8x6400xf32, #tpu.memory_space<vmem>>, %arg2: memref<6400x16xf32, #tpu.memory_space<vmem>>, %arg3: memref<1x16xf32, #tpu.memory_space<vmem>>, %arg4: memref<16x16xf32, #tpu.memory_space<vmem>>, %arg5: memref<1x16xf32, #tpu.memory_space<vmem>>, %arg6: memref<8x16xf32, #tpu.memory_space<vmem>>) attributes {dimension_semantics = [#tpu.dimension_semantics<arbitrary>], iteration_bounds = array<i64: 100>, scalar_prefetch = 0 : i64, scratch_operands = 0 : i64, tpu.core_type = #tpu.core_type<tc>, window_params = [{transform_indices = @transform_0, window_bounds = array<i64: 8, 6400>}, {transform_indices = @transform_1, window_bounds = array<i64: 6400, 16>}, {pipeline_mode = #tpu.pipeline_mode<synchronous>, transform_indices = @transform_2, window_bounds = array<i64: 1, 16>}, {pipeline_mode = #tpu.pipeline_mode<synchronous>, transform_indices = @transform_3, window_bounds = array<i64: 16, 16>}, {pipeline_mode = #tpu.pipeline_mode<synchronous>, transform_indices = @transform_4, window_bounds = array<i64: 1, 16>}, {pipeline_mode = #tpu.pipeline_mode<synchronous>, transform_indices = @transform_5, window_bounds = array<i64: 8, 16>}]} {
    %get3A = arith.constant 0 : index
    %get3A_0 = arith.constant 0 : index
    %get3A_1 = vector.load %arg1[%get3A, %get3A_0] : memref<8x6400xf32, #tpu.memory_space<vmem>>, vector<8x6400xf32>
    %get3A_2 = arith.constant 0 : index
    %get3A_3 = arith.constant 0 : index
    %get3A_4 = vector.load %arg2[%get3A_2, %get3A_3] : memref<6400x16xf32, #tpu.memory_space<vmem>>, vector<6400x16xf32>
    %dot_general3A = arith.constant dense<0.000000e+00> : vector<8x16xf32>
    %dot_general3A_5 = tpu.matmul %get3A_1, %get3A_4, %dot_general3A {dimension_numbers = #tpu.dot_dimension_numbers<[1], [0], [0], [1], [0, 0, 1, 1], [], []>, precision = #tpu.contract_precision<fp32>, transpose_lhs_hint = false} : vector<8x6400xf32>, vector<6400x16xf32>, vector<8x16xf32> -> vector<8x16xf32>
    %eq3A = arith.constant 0 : i32
    %eq3A_6 = arith.cmpi eq, %arg0, %eq3A : i32
    %convert_element_type3A = arith.extui %eq3A_6 : i1 to i32
    %cond3A = arith.constant 0 : i32
    %cond3A_7 = arith.cmpi ne, %convert_element_type3A, %cond3A : i32
    scf.if %cond3A_7 {
      %swap3A = arith.constant 0 : index
      %swap3A_17 = arith.constant 0 : index
      %swap3A_18 = vector.load %arg6[%swap3A, %swap3A_17] : memref<8x16xf32, #tpu.memory_space<vmem>>, vector<8x16xf32>
      tpu.vector_store %arg6[%swap3A, %swap3A_17], %dot_general3A_5 {strides = array<i32>} : memref<8x16xf32, #tpu.memory_space<vmem>>, vector<8x16xf32>,
    } else {
    }
    %gt3A = arith.constant 0 : i32
    %gt3A_8 = arith.cmpi sgt, %arg0, %gt3A : i32
    %convert_element_type3A_9 = arith.extui %gt3A_8 : i1 to i32
    %cond3A_10 = arith.constant 0 : i32
    %cond3A_11 = arith.cmpi ne, %convert_element_type3A_9, %cond3A_10 : i32
    scf.if %cond3A_11 {
      %get3A_17 = arith.constant 0 : index
      %get3A_18 = arith.constant 0 : index
      %get3A_19 = vector.load %arg6[%get3A_17, %get3A_18] : memref<8x16xf32, #tpu.memory_space<vmem>>, vector<8x16xf32>
      %add3A = arith.addf %get3A_19, %dot_general3A_5 : vector<8x16xf32>
      %swap3A = arith.constant 0 : index
      %swap3A_20 = arith.constant 0 : index
      %swap3A_21 = vector.load %arg6[%swap3A, %swap3A_20] : memref<8x16xf32, #tpu.memory_space<vmem>>, vector<8x16xf32>
      tpu.vector_store %arg6[%swap3A, %swap3A_20], %add3A {strides = array<i32>} : memref<8x16xf32, #tpu.memory_space<vmem>>, vector<8x16xf32>,
    } else {
    }
    %eq3A_12 = arith.constant 99 : i32
    %eq3A_13 = arith.cmpi eq, %arg0, %eq3A_12 : i32
    %convert_element_type3A_14 = arith.extui %eq3A_13 : i1 to i32
    %cond3A_15 = arith.constant 0 : i32
    %cond3A_16 = arith.cmpi ne, %convert_element_type3A_14, %cond3A_15 : i32
    scf.if %cond3A_16 {
      %get3A_17 = arith.constant 0 : index
      %get3A_18 = arith.constant 0 : index
      %get3A_19 = vector.load %arg6[%get3A_17, %get3A_18] : memref<8x16xf32, #tpu.memory_space<vmem>>, vector<8x16xf32>
      %get3A_20 = arith.constant 0 : index
      %get3A_21 = arith.constant 0 : index
      %get3A_22 = vector.load %arg3[%get3A_20, %get3A_21] : memref<1x16xf32, #tpu.memory_space<vmem>>, vector<1x16xf32>
      %add3A = vector.broadcast %get3A_22 : vector<1x16xf32> to vector<8x16xf32>
      %add3A_23 = arith.addf %get3A_19, %add3A : vector<8x16xf32>
      %max3A = arith.constant 0.000000e+00 : f32
      %max3A_24 = vector.broadcast %max3A : f32 to vector<8x16xf32>
      %max3A_25 = arith.maximumf %add3A_23, %max3A_24 : vector<8x16xf32>
      %get3A_26 = arith.constant 0 : index
      %get3A_27 = arith.constant 0 : index
      %get3A_28 = vector.load %arg4[%get3A_26, %get3A_27] : memref<16x16xf32, #tpu.memory_space<vmem>>, vector<16x16xf32>
      %dot_general3A_29 = arith.constant dense<0.000000e+00> : vector<8x16xf32>
      %dot_general3A_30 = tpu.matmul %max3A_25, %get3A_28, %dot_general3A_29 {dimension_numbers = #tpu.dot_dimension_numbers<[1], [0], [0], [1], [0, 0, 1, 1], [], []>, precision = #tpu.contract_precision<fp32>, transpose_lhs_hint = false} : vector<8x16xf32>, vector<16x16xf32>, vector<8x16xf32> -> vector<8x16xf32>
      %get3A_31 = arith.constant 0 : index
      %get3A_32 = arith.constant 0 : index
      %get3A_33 = vector.load %arg5[%get3A_31, %get3A_32] : memref<1x16xf32, #tpu.memory_space<vmem>>, vector<1x16xf32>
      %add3A_34 = vector.broadcast %get3A_33 : vector<1x16xf32> to vector<8x16xf32>
      %add3A_35 = arith.addf %dot_general3A_30, %add3A_34 : vector<8x16xf32>
      %max3A_36 = arith.constant 0.000000e+00 : f32
      %max3A_37 = vector.broadcast %max3A_36 : f32 to vector<8x16xf32>
      %max3A_38 = arith.maximumf %add3A_35, %max3A_37 : vector<8x16xf32>
      %swap3A = arith.constant 0 : index
      %swap3A_39 = arith.constant 0 : index
      %swap3A_40 = vector.load %arg6[%swap3A, %swap3A_39] : memref<8x16xf32, #tpu.memory_space<vmem>>, vector<8x16xf32>
      tpu.vector_store %arg6[%swap3A, %swap3A_39], %max3A_38 {strides = array<i32>} : memref<8x16xf32, #tpu.memory_space<vmem>>, vector<8x16xf32>,
    } else {
    }
    return
  }
  func.func @transform_0(%arg0: i32) -> (i32, i32) {
    %c0_i32 = arith.constant 0 : i32
    %c0_i32_0 = arith.constant 0 : i32
    return %c0_i32, %arg0 : i32, i32
  }
  func.func @transform_1(%arg0: i32) -> (i32, i32) {
    %c0_i32 = arith.constant 0 : i32
    %c0_i32_0 = arith.constant 0 : i32
    return %arg0, %c0_i32 : i32, i32
  }
  func.func @transform_2(%arg0: i32) -> (i32, i32) {
    %c0_i32 = arith.constant 0 : i32
    %c0_i32_0 = arith.constant 0 : i32
    %c0_i32_1 = arith.constant 0 : i32
    return %c0_i32, %c0_i32_0 : i32, i32
  }
  func.func @transform_3(%arg0: i32) -> (i32, i32) {
    %c0_i32 = arith.constant 0 : i32
    %c0_i32_0 = arith.constant 0 : i32
    %c0_i32_1 = arith.constant 0 : i32
    return %c0_i32, %c0_i32_0 : i32, i32
  }
  func.func @transform_4(%arg0: i32) -> (i32, i32) {
    %c0_i32 = arith.constant 0 : i32
    %c0_i32_0 = arith.constant 0 : i32
    %c0_i32_1 = arith.constant 0 : i32
    return %c0_i32, %c0_i32_0 : i32, i32
  }
  func.func @transform_5(%arg0: i32) -> (i32, i32) {
    %c0_i32 = arith.constant 0 : i32
    %c0_i32_0 = arith.constant 0 : i32
    %c0_i32_1 = arith.constant 0 : i32
    return %c0_i32, %c0_i32_0 : i32, i32
  }
}

module attributes {stable_mosaic.version = 14 : i64} {
  func.func @_mlpb_body(%arg0: memref<4x16xf32, #tpu.memory_space<vmem>>, %arg1: memref<16x10000xf32, #tpu.memory_space<vmem>>, %arg2: memref<1x10000xf32, #tpu.memory_space<vmem>>, %arg3: memref<4x10000xf32, #tpu.memory_space<vmem>>) attributes {dimension_semantics = [], scalar_prefetch = 0 : i64, scratch_operands = 0 : i64, tpu.core_type = #tpu.core_type<tc>} {
    %get3A = arith.constant 0 : index
    %get3A_0 = arith.constant 0 : index
    %get3A_1 = vector.load %arg0[%get3A, %get3A_0] : memref<4x16xf32, #tpu.memory_space<vmem>>, vector<4x16xf32>
    %get3A_2 = arith.constant 0 : index
    %get3A_3 = arith.constant 0 : index
    %get3A_4 = vector.load %arg1[%get3A_2, %get3A_3] : memref<16x10000xf32, #tpu.memory_space<vmem>>, vector<16x10000xf32>
    %dot_general3A = arith.constant dense<0.000000e+00> : vector<4x10000xf32>
    %dot_general3A_5 = tpu.matmul %get3A_1, %get3A_4, %dot_general3A {dimension_numbers = #tpu.dot_dimension_numbers<[1], [0], [0], [1], [0, 0, 1, 1], [], []>, precision = #tpu.contract_precision<fp32>, transpose_lhs_hint = false} : vector<4x16xf32>, vector<16x10000xf32>, vector<4x10000xf32> -> vector<4x10000xf32>
    %get3A_6 = arith.constant 0 : index
    %get3A_7 = arith.constant 0 : index
    %get3A_8 = vector.load %arg2[%get3A_6, %get3A_7] : memref<1x10000xf32, #tpu.memory_space<vmem>>, vector<1x10000xf32>
    %add3A = vector.broadcast %get3A_8 : vector<1x10000xf32> to vector<4x10000xf32>
    %add3A_9 = arith.addf %dot_general3A_5, %add3A : vector<4x10000xf32>
    %logistic3A = arith.negf %add3A_9 : vector<4x10000xf32>
    %logistic3A_10 = math.exp %logistic3A : vector<4x10000xf32>
    %logistic3A_11 = arith.constant 1.000000e+00 : f32
    %logistic3A_12 = vector.broadcast %logistic3A_11 : f32 to vector<4x10000xf32>
    %logistic3A_13 = arith.addf %logistic3A_12, %logistic3A_10 : vector<4x10000xf32>
    %logistic3A_14 = arith.divf %logistic3A_12, %logistic3A_13 : vector<4x10000xf32>
    %swap3A = arith.constant 0 : index
    %swap3A_15 = arith.constant 0 : index
    %swap3A_16 = vector.load %arg3[%swap3A, %swap3A_15] : memref<4x10000xf32, #tpu.memory_space<vmem>>, vector<4x10000xf32>
    tpu.vector_store %arg3[%swap3A, %swap3A_15], %logistic3A_14 {strides = array<i32>} : memref<4x10000xf32, #tpu.memory_space<vmem>>, vector<4x10000xf32>,
    return
  }
}

</mosaic_0001>

<sc_bundles>
// kernel: _run.12.cloned.1.call-start
scs
__scs_entry_jumppad:
0x0: {  	(pc) =	sbr.rel $0x88, $3  }
0x1: {  	(tag) =	ssettag $0x0;
	lr =	simm.s32 $0x1  }
0x2: {  	[smem:$0x3F90] =	sst lr;
	_ =	strace $0xD0000000  }
0x3: {  	_ = 	snop  }
0x4: {  	_ = 	snop  }
0x5: {  	_ = 	snop  }
0x6: {  	_ = 	snop  }
0x7: {  	_ = 	snop  }
__scs_overlays_trampoline_lowered:
0x8: {  	[smem:$0x3F9F] =	sst s0  }
0x9: {  	[smem:$0x3FA0] =	sst s1  }
0xa: {  	[smem:$0x3FA1] =	sst s2  }
0xb: {  	[smem:$0x3FA2] =	sst s3  }
0xc: {  	[smem:$0x3FA3] =	sst s4  }
0xd: {  	[smem:$0x3FA4] =	sst s5  }
0xe: {  	[smem:$0x3FA5] =	sst s6  }
0xf: {  	[smem:$0x3FA6] =	sst s7  }
0x10: {  	[smem:$0x3FA7] =	sst s8  }
0x11: {  	[smem:$0x3FA8] =	sst s9;
	s0 =	simm.s32 @!p0 $0x0  }
0x12: {  	s1 =	sld [smem:$0x3F8E];
	s0 =	simm.s32 @p0 $0x1  }
0x13: {  	[smem:$0x3FA9] =	sst s0;
	s0 =	simm.s32 @!p1 $0x0  }
0x14: {  	s2 =	sld [smem:$0x3F8D];
	s0 =	simm.s32 @p1 $0x1  }
0x15: {  	[smem:$0x3FAA] =	sst s0;
	s0 =	simm.s32 @!p2 $0x0  }
0x16: {  	s3 =	sld [smem:$0x3FDB];
	s0 =	simm.s32 @p2 $0x1  }
0x17: {  	s4 =	simm.s32 $0x1BF5;
	[smem:$0x3FAC] =	sst s0  }
0x18: {  	s0 =	sld [smem:$0x3F8F];
	_ =	swait.ge [sflag:s4], $0x0  }
0x19: {  	s7 =	sld [smem:$0x3F90]  }
0x1a: {  	s8 =	sadd.s32 $0xFFFFE003, lr  }
0x1b: {  	s9 =	sadd.s32 $0xFFFFFEF7, lr;
	s5 =	simm.s32 $0xFFFFFFFF;
	p2 =	slt.u32 s8, $0xFFFFF086  }
0x1c: {  	p1 =	slt.u32 s9, $0xF7A;
	s5 =	simm.s32 @!p2 $0x0  }
0x1d: {  	s5 =	simm.s32 @p1 $0x1;
	p0 =	seq.s32 s7, s2  }
0x1e: {  	s7 =	smul.u32 @!p0 $0xF7A, s2;
	p2 =	seq.s32 @!p0 s5, $0x0  }
0x1f: {  	s9 =	smul.u32 $0xF7A, s1;
	s8 =	simm.s32 @!p0 $0x1BF5;
	p2 =	por !p2, p0  }
0x20: {  	[sflag:s8] =	ssyncset.s32 @!p0 $0xFFFFF086;
	s6 =	sadd.s32 @!p0 s3, s7;
	s7 =	simm.s32 @!p0 $0x108  }
0x21: {  	s3 =	sadd.s32 s3, s9;
	s6 =	sadd.s32 @!p0 $0x88, s6;
	s7 =	simm.s32 @p2 $0x1082  }
0x22: {  	[simem:s7], [sflag:s8] =	dma.local @!p0 [hbm:s6], $0xF7A  }
0x23: {  	s9 =	sor.u32 $0xD0000000, s2;
	s6 =	simm.s32 $0x108;
	_ =	swait.ge @!p0 [sflag:s8], $0x0  }
0x24: {  	s3 =	sadd.s32 $0x88, s3;
	s6 =	simm.s32 @!p1 $0x1082;
	[sflag:s4] =	ssyncset.s32 $0xFFFFF086  }
0x25: {  	[simem:s6], [sflag:s4] =	dma.local [hbm:s3], $0xF7A  }
0x26: {  	[smem:$0x3F90] =	sst s1;
	(tag) =	ssettag s2;
	_ =	strace s9  }
0x27: {  	s1 =	sld [smem:$0x3FA0]  }
0x28: {  	s2 =	sld [smem:$0x3FA1]  }
0x29: {  	s4 =	sld [smem:$0x3FA3]  }
0x2a: {  	p0 =	seq.s32 s5, $0x0;
	s5 =	sld [smem:$0x3FA4]  }
0x2b: {  	s6 =	sld [smem:$0x3FA5]  }
0x2c: {  	s7 =	sld [smem:$0x3FA6]  }
0x2d: {  	s3 =	simm.s32 $0x108;
	s8 =	sld [smem:$0x3FA7]  }
0x2e: {  	s3 =	simm.s32 @!p0 $0x1082;
	s9 =	sld [smem:$0x3FA8]  }
0x2f: {  	lr =	sadd.s32 s0, s3;
	s0 =	sld [smem:$0x3F9F]  }
0x30: {  	s3 =	sld [smem:$0x3FA2]  }
0x31: {  	[smem:$0x3FAB] =	sst s10  }
0x32: {  	s10 =	sld [smem:$0x3FA9];
	_ =	sdelay $0x3  }
0x33: {  	p0 =	seq.s32 s10, $0x1;
	s10 =	sld [smem:$0x3FAB];
	_ =	sdelay $0x3  }
0x34: {  	[smem:$0x3FAB] =	sst s10  }
0x35: {  	s10 =	sld [smem:$0x3FAA];
	_ =	sdelay $0x3  }
0x36: {  	p1 =	seq.s32 s10, $0x1;
	s10 =	sld [smem:$0x3FAB];
	_ =	sdelay $0x3  }
0x37: {  	[smem:$0x3FAB] =	sst s10  }
0x38: {  	s10 =	sld [smem:$0x3FAC]  }
0x39: {  	_ = 	snop;
	(pc) =	sbr.ind lr, $3  }
0x3a: {  	_ = 	snop  }
0x3b: {  	_ = 	snop  }
0x3c: {  	p2 =	seq.s32 s10, $0x1;
	s10 =	sld [smem:$0x3FAB]  }
0x3d: {  	_ =	shalt  }
0x3e: {  	_ =	shalt  }
0x3f: {  	_ =	shalt  }
0x40: {  	_ =	shalt  }
0x41: {  	_ =	shalt  }
0x42: {  	_ =	shalt  }
0x43: {  	_ =	shalt  }
0x44: {  	_ =	shalt  }
0x45: {  	_ =	shalt  }
0x46: {  	_ =	shalt  }
0x47: {  	_ =	shalt  }
0x48: {  	_ =	shalt  }
0x49: {  	_ =	shalt  }
0x4a: {  	_ =	shalt  }
0x4b: {  	_ =	shalt  }
0x4c: {  	_ =	shalt  }
0x4d: {  	_ =	shalt  }
0x4e: {  	_ =	shalt  }
0x4f: {  	_ =	shalt  }
0x50: {  	_ =	shalt  }
0x51: {  	_ =	shalt  }
0x52: {  	_ =	shalt  }
0x53: {  	_ =	shalt  }
0x54: {  	_ =	shalt  }
0x55: {  	_ =	shalt  }
0x56: {  	_ =	shalt  }
0x57: {  	_ =	shalt  }
0x58: {  	_ =	shalt  }
0x59: {  	_ =	shalt  }
0x5a: {  	_ =	shalt  }
0x5b: {  	_ =	shalt  }
0x5c: {  	_ =	shalt  }
0x5d: {  	_ =	shalt  }
0x5e: {  	_ =	shalt  }
0x5f: {  	_ =	shalt  }
0x60: {  	_ =	shalt  }
0x61: {  	_ =	shalt  }
0x62: {  	_ =	shalt  }
0x63: {  	_ =	shalt  }
0x64: {  	_ =	shalt  }
0x65: {  	_ =	shalt  }
0x66: {  	_ =	shalt  }
0x67: {  	_ =	shalt  }
0x68: {  	_ =	shalt  }
0x69: {  	_ =	shalt  }
0x6a: {  	_ =	shalt  }
0x6b: {  	_ =	shalt  }
0x6c: {  	_ =	shalt  }
0x6d: {  	_ =	shalt  }
0x6e: {  	_ =	shalt  }
0x6f: {  	_ =	shalt  }
0x70: {  	_ =	shalt  }
0x71: {  	_ =	shalt  }
0x72: {  	_ =	shalt  }
0x73: {  	_ =	shalt  }
0x74: {  	_ =	shalt  }
0x75: {  	_ =	shalt  }
0x76: {  	_ =	shalt  }
0x77: {  	_ =	shalt  }
0x78: {  	_ =	shalt  }
0x79: {  	_ =	shalt  }
0x7a: {  	_ =	shalt  }
0x7b: {  	_ =	shalt  }
0x7c: {  	_ =	shalt  }
0x7d: {  	_ =	shalt  }
0x7e: {  	_ =	shalt  }
0x7f: {  	_ =	shalt  }
0x80: {  	_ =	shalt  }
0x81: {  	_ =	shalt  }
0x82: {  	_ =	shalt  }
0x83: {  	_ =	shalt  }
0x84: {  	_ =	shalt  }
0x85: {  	_ =	shalt  }
0x86: {  	_ =	shalt  }
0x87: {  	_ =	shalt  }
.Lfunc_end0:
.L_simem_size_0:
called_computation.1_lowered:
.L_overlay_start_0:
0x88: {  	s2 =	sld [smem:$0x3FD9]  }
0x89: {  	s3 =	sld [smem:$0x3FFE];
	_ =	sdelay $0x1  }
0x8a: {  	s1 =	srdreg.scid  }
0x8b: {  	s0 =	sand.u32 $0x1, s1  }
0x8c: {  	s16 =	sshll.u32 s0, $0xA;
	s2 =	sadd.s32 s3, s2  }
0x8d: {  	s2 =	sadd.s32 s2, s16  }
0x8e: {  	[smem:$0x3FB7] =	sst s2  }
0x8f: {  	_ = 	snop  }
0x90: {  	(tm) =	ssettm $0x1  }
0x91: {  	s17 =	sld [smem:$0x3FFB];
	_ =	sdelay $0x3  }
0x92: {  	_ =	strace s17  }
0x93: {  	s2 =	sld [smem:$0x3FFC];
	_ =	sdelay $0x3  }
0x94: {  	_ =	strace s2  }
0x95: {  	s2 =	sld [smem:$0x3FFD];
	_ =	sdelay $0x3  }
0x96: {  	_ =	strace s2  }
0x97: {  	_ =	strace $0x8FFFFFFF  }
0x98: {  	s18 =	sld [smem:$0x3FDB];
	_ =	sdelay $0x1  }
0x99: {  	s19 =	simm.s32 $_scs_section_size  }
0x9a: {  	s4 =	simm.s32 $_size__tile_overlayer_lowered;
	s5 =	simm.s32 $_tile_overlayer_lowered  }
0x9b: {  	s22 =	simm.s32 $0x1BFF;
	s21 =	sshll.u32 s5, $0x1;
	s2 =	sadd.s32 s19, s18  }
0x9c: {  	s6 =	simm.s32 $0x0;
	s20 =	sshll.u32 s4, $0x1;
	s4 =	sadd.s32 s21, s2  }
0x9d: {  	[timem:s6], [sflag:s22] =	dma.local [hbm:s4], s20  }
0x9e: {  	_ =	swait.ge [sflag:s22], s20  }
0x9f: {  	s3 =	ssub.s32 $0x0, s20;
	[sflag:s22] =	ssyncset.done $0x0  }
0xa0: {  	[sflag:s22] =	ssyncadd.s32 s3;
	_ =	sdelay $0x1  }
0xa1: {  	s23 =	simm.s32 $0x1B8B  }
0xa2: {  	_ =	swait.ge [sflag:s23], $0x1  }
0xa3: {  	[sflag:s23] =	ssyncset.done $0x0  }
0xa4: {  	s25 =	simm.s32 $0x1B8E;
	s24 =	sld [smem:$0x3FFE];
	[sflag:s23] =	ssyncadd.s32 $0xFFFFFFFF  }
0xa5: {  	s26 =	simm.s32 $execute0_lowered;
	[smem:$0x3FD2] =	sst s25  }
0xa6: {  	s4 =	sshll.u32 s26, $0x1;
	_ =	strace $0x80000049;
	[dreg:$0x1] =	wrdreg $0xFFFFFFFF  }
0xa7: {  	s28 =	simm.s32 $_size_execute0_lowered;
	s2 =	sadd.s32 s2, s4;
	[dreg:$0x0] =	wrdreg $0x0  }
0xa8: {  	s4 =	sshll.u32 s28, $0x1;
	[dreg:$0x2] =	wrdreg s2  }
0xa9: {  	[dreg:$0x3] =	wrdreg s4  }
0xaa: {  	[dreg:$0x4] =	wrdreg $0xC0  }
0xab: {  	_ =	task [dreg:s6], $0x5FFFF  }
0xac: {  	[dreg:$0x1] =	wrdreg $0xFFFFFFFF  }
0xad: {  	[dreg:$0x0] =	wrdreg $0x60  }
0xae: {  	[dreg:$0x2] =	wrdreg s24  }
0xaf: {  	[dreg:$0x3] =	wrdreg $0x68700  }
0xb0: {  	[dreg:$0x4] =	wrdreg $0x9  }
0xb1: {  	_ =	task.clear_ibuf [dreg:s6], $0x5FFFF;
	_ =	strace $0x90000049  }
0xb2: {  	s29 =	simm.s32 $0x9;
	_ =	strace $0x8000004B  }
0xb3: {  	_ =	swait.ge [sflag:s29], $0x1  }
0xb4: {  	[sflag:s29] =	ssyncadd.s32 $0xFFFFFFFF  }
0xb5: {  	_ =	strace $0x9000004B  }
0xb6: {  	_ =	sfence  }
0xb7: {  	s30 =	sld [smem:$0x0];
	_ =	sdelay $0x2  }
0xb8: {  	s31 =	sshll.u32 s1, $0xD;
	s1 =	sshrl.u32 s1, $0x2  }
0xb9: {  	s3 =	sand.u32 $0x4000, s31;
	s1 =	sadd.s32 s1, s30  }
0xba: {  	s0 =	sor.u32 s3, s0;
	s1 =	sshll.u32 s1, $0x11  }
0xbb: {  	s0 =	sor.u32 s1, s0  }
0xbc: {  	s0 =	sadd.s32 $0x8F2B, s0  }
0xbd: {  	[sflag:s0] =	ssyncadd.remote.s32 $0x1  }
0xbe: {  	_ =	sfence.sel $0xFFFF  }
0xbf: {  	[dreg:$0x0] =	wrdreg $0xFFFFFFFF;
	(pc) =	sbr.abs _section_cstart, $3  }
0xc0: {  	[dreg:$0x1] =	wrdreg $0xFFFFFFFF  }
0xc1: {  	_ =	task.clear_ibuf [dreg:s6], $0x2FFFF;
	_ =	strace $0x9FFFFFFF  }
0xc2: {  	(tm) =	ssettm $0x7FFFFFFF  }
0xc3: {  	_ =	shalt  }
tec
execute0_lowered:
.L_overlay_start_1:
0x0: {  	(tag) =	ssettag $0x1  }
0x1: {  	s3 =	rddreg [dreg:$0x0];
	s0 =	srdreg.scid  }
0x2: {  	s1 =	rddreg [dreg:$0x1];
	s24 =	stileid.u32  }
0x3: {  	s2 =	simm.s32 $0x0;
	s28 =	simm.s32 $0x5E70;
	s11 =	smul.u32 $0x50, s24  }
0x4: {  	s29 =	simm.s32 $0x2;
	s4 =	sand.u32 $0x1, s0;
	s13 =	smul.u32 $0x4E20, s24  }
0x5: {  	s30 =	simm.s32 $0x1050;
	s31 =	simm.s32 $0x3760;
	s5 =	smul.u32 $0x2710, s4  }
0x6: {  	s10 =	sor.u32 $0x20, s24;
	s0 =	ssub.s32 $0x2, s4;
	s4 =	smul.u32 $0x4E200, s4  }
0x7: {  	[smem:$0x7FF] =	sst s2;
	s17 =	sor.u32 $0x40, s24;
	s15 =	smul.u32 $0x50, s10  }
0x8: {  	s8 =	sadd.s32 $0xC9A00, s3;
	s18 =	sor.u32 $0x50, s24;
	s16 =	smul.u32 $0x50, s17  }
0x9: {  	s12 =	sor.u32 $0x30, s24;
	s19 =	sor.u32 $0x60, s24;
	s22 =	smul.u32 $0x50, s18  }
0xa: {  	s20 =	sor.u32 $0x70, s24;
	p0 =	sgt.u32 s24, $0xC;
	s26 =	smul.u32 $0x50, s19  }
0xb: {  	_ =	strace $0x8000004A;
	s10 =	smul.u32 $0x2800, s10;
	s9 =	sshrl.u32 s0, $0x1  }
0xc: {  	s7 =	sshrl.u32 s5, $0x3;
	s6 =	sadd.s32 $0x4E20, s5;
	s0 =	ssub.s32 s0, s9  }
0xd: {  	s9 =	sor.u32 $0x10, s24;
	s11 =	sadd.s32 s11, s5;
	s4 =	sadd.s32 s13, s4  }
0xe: {  	s25 =	sadd.s32 s5, s16;
	s16 =	smul.u32 $0x50, s20;
	s11 =	sshll.u32 s11, $0x2  }
0xf: {  	s14 =	smul.u32 $0x50, s9;
	s7 =	sadd.s32 s7, s3;
	s11 =	sadd.s32 s8, s11  }
0x10: {  	s9 =	smul.u32 $0x2800, s9;
	s16 =	sadd.s32 s5, s16;
	[dreg:$0x3] =	wrdreg s11  }
0x11: {  	s13 =	sadd.s32 s5, s14;
	s14 =	sadd.s32 s5, s15;
	s15 =	smul.u32 $0x50, s12  }
0x12: {  	s12 =	smul.u32 $0x2800, s12;
	s11 =	sshll.u32 s13, $0x2;
	s13 =	sshll.u32 s14, $0x2  }
0x13: {  	v0 =	vmov s6;
	s14 =	sshll.u32 s25, $0x2;
	s25 =	sshrl.u32 s6, $0x3;
	s6 =	simm.s32 $0xA0  }
0x14: {  	s11 =	sadd.s32 s8, s11;
	s21 =	sadd.s32 s8, s13;
	s23 =	sadd.s32 s5, s15  }
0x15: {  	s14 =	sadd.s32 s8, s14;
	s15 =	sadd.s32 s5, s26;
	[dreg:$0x4] =	wrdreg s11  }
0x16: {  	s26 =	smul.u32 $0x2800, s17;
	s17 =	sshrl.u32 s9, $0x2;
	[dreg:$0x5] =	wrdreg s21  }
0x17: {  	s13 =	sshll.u32 s23, $0x2;
	[dreg:$0x7] =	wrdreg s14;
	s11 =	sadd.s32 s5, s22  }
0x18: {  	s21 =	sshll.u32 s15, $0x2;
	s22 =	sshll.u32 s16, $0x2;
	s23 =	smul.u32 $0x2800, s24  }
0x19: {  	s14 =	sadd.s32 $0x176E00, s3;
	s15 =	sadd.s32 $0xB6000, s3;
	s17 =	sadd.s32 s17, s1  }
0x1a: {  	v1 =	vmov s5;
	s5 =	simm.s32 $0x5F0;
	s13 =	sadd.s32 s8, s13;
	s11 =	sshll.u32 s11, $0x2  }
0x1b: {  	[dreg:$0x6] =	wrdreg s13;
	s11 =	sadd.s32 s8, s11;
	s13 =	sadd.s32 $0x3A00, s3  }
0x1c: {  	[dreg:$0x8] =	wrdreg s11;
	s11 =	sadd.s32 s8, s21;
	s8 =	sadd.s32 s8, s22  }
0x1d: {  	s21 =	sshrl.u32 s10, $0x2;
	s22 =	smul.u32 $0x2800, s18;
	[dreg:$0x9] =	wrdreg s11  }
0x1e: {  	[dreg:$0xa] =	wrdreg s8;
	s11 =	sadd.s32 s25, s3;
	s8 =	sshrl.u32 s23, $0x2  }
0x1f: {  	s18 =	sadd.s32 s21, s1;
	s23 =	smul.u32 $0x2800, s19;
	s25 =	sshrl.u32 s12, $0x2  }
0x20: {  	s3 =	sshrl.u32 s26, $0x2;
	s26 =	smul.u32 $0x2800, s20;
	s16 =	sadd.s32 s8, s1  }
0x21: {  	s19 =	sadd.s32 s25, s1;
	s20 =	sadd.s32 s3, s1;
	s22 =	sshrl.u32 s22, $0x2  }
0x22: {  	s3 =	simm.s32 $0x1;
	s21 =	sadd.s32 s22, s1;
	s23 =	sshrl.u32 s23, $0x2  }
0x23: {  	s25 =	sshrl.u32 s26, $0x2;
	s26 =	sadd.s32 $0xB4C00, s7;
	s7 =	simm.s32 $0x650  }
0x24: {  	s22 =	sadd.s32 s23, s1;
	s23 =	sadd.s32 s25, s1;
	[dreg:$0xb] =	wrdreg s26  }
0x25: {  	v2 =	vimm.f32 $0.0e+00;
	s25 =	sadd.s32 $0xB3800, s11;
	s26 =	smax.u32 s0, $0x1;
	s0 =	simm.s32 $0x50  }
.LBB2_1:
0x26: {  	s8 =	simm.s32 $0x80;
	s9 =	simm.s32 $0x0  }
.LBB2_2:
0x27: {  	p1 =	sne.s32 s8, $0x2780;
	[tilespmem:s9+$0x5E70] =	vst v2;
	s10 =	smov.u32 s8;
	s8 =	sadd.s32 $0x80, s8  }
.Ltmp0:
0x28: {  	[tilespmem:s9+$0x5E80] =	vst v2;
	(pc) =	sbr.rel @p1 .LBB2_2-.Ltmp0, $2  }
0x29: {  	_ =	sdelay $0x2  }
0x2a: {  	s9 =	sshra.s32 s10, $0x2  }
0x2b: {  	[tilespmem:s9+$0x5E70] =	vst v2  }
0x2c: {  	[tilespmem:s9+$0x5E80] =	vst v2  }
0x2d: {  	[spmem:s16] =	stream.linear.scatter [tilespmem:s28], [sflag:$0x2], $0xA00, $0x38;
	[tilespmem:$0xB690] =	vst v63  }
0x2e: {  	_ =	swait.ge [sflag:s29], $0xA00  }
0x2f: {  	[sflag:s29] =	ssyncset.done $0x0  }
0x30: {  	[sflag:s29] =	ssyncadd.s32 $0xFFFFF600  }
0x31: {  	[spmem:s17] =	stream.linear.scatter [tilespmem:s28], [sflag:$0x2], $0xA00, $0x38;
	[tilespmem:$0xB690] =	vst v63  }
0x32: {  	_ =	swait.ge [sflag:s29], $0xA00  }
0x33: {  	[sflag:s29] =	ssyncset.done $0x0  }
0x34: {  	[sflag:s29] =	ssyncadd.s32 $0xFFFFF600  }
0x35: {  	[spmem:s18] =	stream.linear.scatter [tilespmem:s28], [sflag:$0x2], $0xA00, $0x38;
	[tilespmem:$0xB690] =	vst v63  }
0x36: {  	_ =	swait.ge [sflag:s29], $0xA00  }
0x37: {  	[sflag:s29] =	ssyncset.done $0x0  }
0x38: {  	[sflag:s29] =	ssyncadd.s32 $0xFFFFF600  }
0x39: {  	[spmem:s19] =	stream.linear.scatter [tilespmem:s28], [sflag:$0x2], $0xA00, $0x38;
	[tilespmem:$0xB690] =	vst v63  }
0x3a: {  	_ =	swait.ge [sflag:s29], $0xA00  }
0x3b: {  	[sflag:s29] =	ssyncset.done $0x0  }
0x3c: {  	[sflag:s29] =	ssyncadd.s32 $0xFFFFF600  }
0x3d: {  	[spmem:s20] =	stream.linear.scatter [tilespmem:s28], [sflag:$0x2], $0xA00, $0x38;
	[tilespmem:$0xB690] =	vst v63  }
0x3e: {  	_ =	swait.ge [sflag:s29], $0xA00  }
0x3f: {  	[sflag:s29] =	ssyncset.done $0x0  }
0x40: {  	[sflag:s29] =	ssyncadd.s32 $0xFFFFF600  }
0x41: {  	[spmem:s21] =	stream.linear.scatter [tilespmem:s28], [sflag:$0x2], $0xA00, $0x38;
	[tilespmem:$0xB690] =	vst v63  }
0x42: {  	_ =	swait.ge [sflag:s29], $0xA00  }
0x43: {  	[sflag:s29] =	ssyncset.done $0x0  }
0x44: {  	[sflag:s29] =	ssyncadd.s32 $0xFFFFF600  }
0x45: {  	[spmem:s22] =	stream.linear.scatter [tilespmem:s28], [sflag:$0x2], $0xA00, $0x38;
	[tilespmem:$0xB690] =	vst v63  }
0x46: {  	_ =	swait.ge [sflag:s29], $0xA00  }
0x47: {  	[sflag:s29] =	ssyncset.done $0x0  }
0x48: {  	s8 =	simm.s32 @!p0 $0x5E70;
	[sflag:s29] =	ssyncadd.s32 $0xFFFFF600  }
0x49: {  	[spmem:s23] =	stream.linear.scatter @!p0 [tilespmem:s8], [sflag:$0x2], $0xA00, $0x38;
	[tilespmem:$0xB690] =	vst v63  }
0x4a: {  	s8 =	simm.s32 @!p0 $0x2  }
0x4b: {  	_ =	swait.ge @!p0 [sflag:s8], $0xA00  }
0x4c: {  	[sflag:s8] =	ssyncset.done @!p0 $0x0  }
0x4d: {  	s24 =	rddreg [dreg:$0xb];
	[sflag:s8] =	ssyncadd.s32 @!p0 $0xFFFFF600;
	s8 =	simm.s32 $0x0  }
0x4e: {  	[tilespmem:s30], [sflag:$0x2] =	stream.linear.gather [hbm4b:s24+s8], $0x2710, $0x38;
	[tilespmem:$0xB690] =	vst v63  }
0x4f: {  	_ =	swait.ge [sflag:s29], $0x2710  }
0x50: {  	[sflag:s29] =	ssyncset.done $0x0  }
0x51: {  	[sflag:s29] =	ssyncadd.s32 $0xFFFFD8F0  }
0x52: {  	[tilespmem:s31], [sflag:$0x2] =	stream.linear.gather [hbm4b:s25+s8], $0x2710, $0x38;
	[tilespmem:$0xB690] =	vst v63  }
0x53: {  	_ =	swait.ge [sflag:s29], $0x2710  }
0x54: {  	[sflag:s29] =	ssyncset.done $0x0  }
0x55: {  	[sflag:s29] =	ssyncadd.s32 $0xFFFFD8F0  }
0x56: {  	s9 =	simm.s32 $0x0;
	[bflag:$0x0] =	sbarrier.arrive $0xFFFF  }
.LBB2_4:
0x57: {  	s10 =	smul.u32 $0x50, s9;
	_ =	sdelay $0x1  }
0x58: {  	s10 =	sadd.s32 s10, s4  }
0x59: {  	s10 =	sshrl.u32 s10, $0x3  }
0x5a: {  	s11 =	sadd.s32 s13, s10  }
0x5b: {  	[tilespmem:s8], [sflag:$0x2] =	stream.linear.gather [hbm4b:s11+s8], $0x50, $0x38;
	[tilespmem:$0xB690] =	vst v63  }
0x5c: {  	_ =	swait.ge [sflag:s29], $0x50  }
0x5d: {  	[sflag:s29] =	ssyncset.done $0x0  }
0x5e: {  	s10 =	sadd.s32 s14, s10;
	[sflag:s29] =	ssyncadd.s32 $0xFFFFFFB0  }
0x5f: {  	[tilespmem:s0], [sflag:$0x2] =	stream.linear.gather [hbm4b:s10+s8], $0x50, $0x38;
	[tilespmem:$0xB690] =	vst v63  }
0x60: {  	_ =	swait.ge [sflag:s29], $0x50  }
0x61: {  	[sflag:s29] =	ssyncset.done $0x0  }
0x62: {  	s10 =	simm.s32 $0xF0;
	[sflag:s29] =	ssyncadd.s32 $0xFFFFFFB0  }
0x63: {  	[tilespmem:s10], [sflag:$0x1] =	stream.indirect.gather [hbm4b:s15+s0], $0x10, s8, s0, $0xb8;
	[tilespmem:$0xB690] =	vst v63  }
0x64: {  	_ =	swait.ge [sflag:s3], $0x500  }
0x65: {  	[sflag:s3] =	ssyncset.done $0x0  }
0x66: {  	[sflag:s3] =	ssyncadd.s32 $0xFFFFFB00  }
0x67: {  	v3 =	vld [tilespmem:$0x0]  }
0x68: {  	v4 =	vld [tilespmem:$0x50];
	_ =	sdelay $0x3  }
0x69: {  	v5 =	vsub.s32 v3, v1  }
0x6a: {  	v6 =	vsub.s32 v4, v0;
	v3 =	vand.u32 $0x7, v3;
	v5 =	vand.u32 $0xFFFFFFF8, v5  }
0x6b: {  	v4 =	vand.u32 $0x7, v4;
	v3 =	vor.u32 v3, v5;
	v5 =	vand.u32 $0xFFFFFFF8, v6  }
0x6c: {  	v4 =	vor.u32 v4, v5;
	_ =	sdelay $0x2  }
0x6d: {  	[tilespmem:$0xA0] =	vst v6  }
0x6e: {  	v3 =	vld.idx.msk [tilespmem:v3+s30+$0x0], $0xffff  }
0x6f: {  	v4 =	vld.idx.msk [tilespmem:v4+s31+$0x0], $0xffff;
	_ =	sdelay $0x4  }
0x70: {  	v3 =	vadd.f32 v4, v3;
	_ =	sdelay $0x1  }
0x71: {  	v4 =	vmul.f32 $2.000000030e-01, v3;
	_ =	sdelay $0x1  }
0x72: {  	v3 =	vmax.f32 v3, v4  }
0x73: {  	v3 =	vmul.f32 $1.442695020e+00, v3;
	_ =	sdelay $0x1  }
0x74: {  	(erf) = vpow2.f32 v3;
	v3 =	vld [tilespmem:$0x10]  }
0x75: {  	v4 =	vld [tilespmem:$0x60];
	_ =	sdelay $0x3  }
0x76: {  	v5 =	vsub.s32 v3, v1  }
0x77: {  	v6 =	vsub.s32 v4, v0;
	v3 =	vand.u32 $0x7, v3;
	v5 =	vand.u32 $0xFFFFFFF8, v5  }
0x78: {  	v4 =	vand.u32 $0x7, v4;
	v3 =	vor.u32 v3, v5;
	v5 =	vand.u32 $0xFFFFFFF8, v6  }
0x79: {  	v4 =	vor.u32 v4, v5;
	_ =	sdelay $0x1  }
0x7a: {  	[tilespmem:$0xB0] =	vst v6;
	v5 =	vpop (erf)  }
0x7b: {  	[tilespmem:$0x5F0] =	vst v5  }
0x7c: {  	v3 =	vld.idx.msk [tilespmem:v3+s30+$0x0], $0xffff  }
0x7d: {  	v4 =	vld.idx.msk [tilespmem:v4+s31+$0x0], $0xffff;
	_ =	sdelay $0x4  }
0x7e: {  	v3 =	vadd.f32 v4, v3;
	_ =	sdelay $0x1  }
0x7f: {  	v4 =	vmul.f32 $2.000000030e-01, v3;
	_ =	sdelay $0x1  }
0x80: {  	v3 =	vmax.f32 v3, v4  }
0x81: {  	v3 =	vmul.f32 $1.442695020e+00, v3;
	_ =	sdelay $0x1  }
0x82: {  	(erf) = vpow2.f32 v3;
	v3 =	vld [tilespmem:$0x20]  }
0x83: {  	v4 =	vld [tilespmem:$0x70];
	_ =	sdelay $0x3  }
0x84: {  	v5 =	vsub.s32 v3, v1  }
0x85: {  	v6 =	vsub.s32 v4, v0;
	v3 =	vand.u32 $0x7, v3;
	v5 =	vand.u32 $0xFFFFFFF8, v5  }
0x86: {  	v4 =	vand.u32 $0x7, v4;
	v3 =	vor.u32 v3, v5;
	v5 =	vand.u32 $0xFFFFFFF8, v6  }
0x87: {  	v4 =	vor.u32 v4, v5;
	_ =	sdelay $0x1  }
0x88: {  	[tilespmem:$0xC0] =	vst v6;
	v5 =	vpop (erf)  }
0x89: {  	[tilespmem:$0x600] =	vst v5  }
0x8a: {  	v3 =	vld.idx.msk [tilespmem:v3+s30+$0x0], $0xffff  }
0x8b: {  	v4 =	vld.idx.msk [tilespmem:v4+s31+$0x0], $0xffff;
	_ =	sdelay $0x4  }
0x8c: {  	v3 =	vadd.f32 v4, v3;
	_ =	sdelay $0x1  }
0x8d: {  	v4 =	vmul.f32 $2.000000030e-01, v3;
	_ =	sdelay $0x1  }
0x8e: {  	v3 =	vmax.f32 v3, v4  }
0x8f: {  	v3 =	vmul.f32 $1.442695020e+00, v3;
	_ =	sdelay $0x1  }
0x90: {  	(erf) = vpow2.f32 v3;
	v3 =	vld [tilespmem:$0x30]  }
0x91: {  	v4 =	vld [tilespmem:$0x80];
	_ =	sdelay $0x3  }
0x92: {  	v5 =	vsub.s32 v3, v1  }
0x93: {  	v6 =	vsub.s32 v4, v0;
	v3 =	vand.u32 $0x7, v3;
	v5 =	vand.u32 $0xFFFFFFF8, v5  }
0x94: {  	v4 =	vand.u32 $0x7, v4;
	v3 =	vor.u32 v3, v5;
	v5 =	vand.u32 $0xFFFFFFF8, v6  }
0x95: {  	v4 =	vor.u32 v4, v5;
	_ =	sdelay $0x1  }
0x96: {  	[tilespmem:$0xD0] =	vst v6;
	v5 =	vpop (erf)  }
0x97: {  	[tilespmem:$0x610] =	vst v5  }
0x98: {  	v3 =	vld.idx.msk [tilespmem:v3+s30+$0x0], $0xffff  }
0x99: {  	v4 =	vld.idx.msk [tilespmem:v4+s31+$0x0], $0xffff;
	_ =	sdelay $0x4  }
0x9a: {  	v3 =	vadd.f32 v4, v3;
	_ =	sdelay $0x1  }
0x9b: {  	v4 =	vmul.f32 $2.000000030e-01, v3;
	_ =	sdelay $0x1  }
0x9c: {  	v3 =	vmax.f32 v3, v4  }
0x9d: {  	v3 =	vmul.f32 $1.442695020e+00, v3;
	_ =	sdelay $0x1  }
0x9e: {  	(erf) = vpow2.f32 v3;
	v3 =	vld [tilespmem:$0x40]  }
0x9f: {  	v4 =	vld [tilespmem:$0x90];
	_ =	sdelay $0x3  }
0xa0: {  	v5 =	vsub.s32 v3, v1  }
0xa1: {  	v6 =	vsub.s32 v4, v0;
	v3 =	vand.u32 $0x7, v3;
	v5 =	vand.u32 $0xFFFFFFF8, v5  }
0xa2: {  	v4 =	vand.u32 $0x7, v4;
	v3 =	vor.u32 v3, v5;
	v5 =	vand.u32 $0xFFFFFFF8, v6  }
0xa3: {  	v4 =	vor.u32 v4, v5;
	_ =	sdelay $0x1  }
0xa4: {  	[tilespmem:$0xE0] =	vst v6;
	v5 =	vpop (erf)  }
0xa5: {  	[tilespmem:$0x620] =	vst v5  }
0xa6: {  	v3 =	vld.idx.msk [tilespmem:v3+s30+$0x0], $0xffff  }
0xa7: {  	v4 =	vld.idx.msk [tilespmem:v4+s31+$0x0], $0xffff;
	_ =	sdelay $0x4  }
0xa8: {  	v3 =	vadd.f32 v4, v3;
	_ =	sdelay $0x1  }
0xa9: {  	v4 =	vmul.f32 $2.000000030e-01, v3;
	_ =	sdelay $0x1  }
0xaa: {  	v3 =	vmax.f32 v3, v4  }
0xab: {  	v3 =	vmul.f32 $1.442695020e+00, v3;
	_ =	sdelay $0x1  }
0xac: {  	(erf) = vpow2.f32 v3;
	_ =	sdelay $0x5  }
0xad: {  	v3 =	vmov s8;
	_ =	sdelay $0x2  }
0xae: {  	v4 =	vpop (erf)  }
0xaf: {  	[tilespmem:$0x630] =	vst v4  }
0xb0: {  	v3 =	vld.idx.msk [tilespmem:v3+s5+$0x0], $0xffff  }
0xb1: {  	v4 =	vld [tilespmem:s10+$0x0];
	_ =	sdelay $0x4  }
0xb2: {  	v3 =	vmul.f32 v4, v3  }
0xb3: {  	s12 =	simm.s32 $0x660  }
0xb4: {  	s11 =	simm.s32 $0x5F0;
	[tilespmem:s12+$0xFFFFFFF0] =	vst v3  }
0xb5: {  	s24 =	simm.s32 $0x1;
	v3 =	vld [tilespmem:s11+$0x0]  }
0xb6: {  	v4 =	vmov s24;
	s24 =	simm.s32 $0x2  }
.LBB2_5:
0xb7: {  	p1 =	sne.s32 s24, $0x4F;
	_ =	sdelay $0x2  }
0xb8: {  	[tilespmem:s12+$0x0] =	vst v3  }
0xb9: {  	s10 =	sadd.s32 $0x10, s10;
	v3 =	vld.idx.msk [tilespmem:v4+s5+$0x0], $0xffff  }
0xba: {  	v4 =	vld [tilespmem:s10+$0x0];
	_ =	sdelay $0x4  }
.Ltmp1:
0xbb: {  	v3 =	vmul.f32 v4, v3;
	(pc) =	sbr.rel @p1 .LBB2_5-.Ltmp1, $4  }
0xbc: {  	s12 =	sadd.s32 $0x20, s12  }
0xbd: {  	s11 =	sadd.s32 $0x1, s11;
	[tilespmem:s12+$0xFFFFFFF0] =	vst v3  }
0xbe: {  	v3 =	vld [tilespmem:s11+$0x0]  }
0xbf: {  	v4 =	vmov s24;
	s24 =	sadd.s32 $0x1, s24  }
0xc0: {  	_ =	sdelay $0x2  }
0xc1: {  	[tilespmem:s12+$0x0] =	vst v3  }
0xc2: {  	s10 =	sadd.s32 $0x10, s10;
	v3 =	vld.idx.msk [tilespmem:v4+s5+$0x0], $0xffff  }
0xc3: {  	v63 =	vld [tilespmem:s10+$0x0];
	_ =	sdelay $0x4  }
0xc4: {  	v3 =	vmul.f32 v63, v3  }
0xc5: {  	s24 =	sadd.s32 $0x20, s12  }
0xc6: {  	s11 =	sadd.s32 $0x1, s11;
	[tilespmem:s24+$0xFFFFFFF0] =	vst v3  }
0xc7: {  	v3 =	vld [tilespmem:s11+$0x0];
	_ =	sdelay $0x2  }
0xc8: {  	s9 =	sadd.s32 $0x1, s9  }
0xc9: {  	p1 =	sne.s32 s9, $0xFA  }
.Ltmp2:
0xca: {  	[tilespmem:s24+$0x0] =	vst v3;
	(pc) =	sbr.rel @p1 .LBB2_4-.Ltmp2, $4  }
0xcb: {  	[spmem:s1] =	stream.indirect.scatter.add.f32 [tilespmem:s7], [sflag:$0x2], $0x20, s6, s0, $0xb8;
	[tilespmem:$0xB690] =	vst v63  }
0xcc: {  	_ =	swait.ge [sflag:s29], $0xA00  }
0xcd: {  	[sflag:s29] =	ssyncset.done $0x0  }
0xce: {  	[sflag:s29] =	ssyncadd.s32 $0xFFFFF600  }
0xcf: {  	s8 =	stileid.u32  }
0xd0: {  	[bflag:$0x0] =	sbarrier.arrive $0xFFFF;
	s8 =	sshll.u32 s8, $0x6  }
0xd1: {  	s9 =	sshrl.u32 s16, $0x3;
	s10 =	rddreg [dreg:$0x3];
	s8 =	sor.u32 $0x1C02, s8  }
0xd2: {  	[hbm:s10], [sflag:s8] =	dma.local [spmem:s9], $0x140  }
0xd3: {  	_ =	swait.ge [sflag:s29], $0x140  }
0xd4: {  	[sflag:s29] =	ssyncset.done $0x0  }
0xd5: {  	s10 =	sshrl.u32 s17, $0x3;
	s11 =	rddreg [dreg:$0x4];
	[sflag:s29] =	ssyncadd.s32 $0xFFFFFEC0  }
0xd6: {  	[hbm:s11], [sflag:s8] =	dma.local [spmem:s10], $0x140  }
0xd7: {  	_ =	swait.ge [sflag:s29], $0x140  }
0xd8: {  	[sflag:s29] =	ssyncset.done $0x0  }
0xd9: {  	s12 =	sshrl.u32 s18, $0x3;
	s24 =	rddreg [dreg:$0x5];
	[sflag:s29] =	ssyncadd.s32 $0xFFFFFEC0  }
0xda: {  	[hbm:s24], [sflag:s8] =	dma.local [spmem:s12], $0x140  }
0xdb: {  	_ =	swait.ge [sflag:s29], $0x140  }
0xdc: {  	[sflag:s29] =	ssyncset.done $0x0  }
0xdd: {  	s10 =	sshrl.u32 s19, $0x3;
	s11 =	rddreg [dreg:$0x6];
	[sflag:s29] =	ssyncadd.s32 $0xFFFFFEC0  }
0xde: {  	[hbm:s11], [sflag:s8] =	dma.local [spmem:s10], $0x140  }
0xdf: {  	_ =	swait.ge [sflag:s29], $0x140  }
0xe0: {  	[sflag:s29] =	ssyncset.done $0x0  }
0xe1: {  	s12 =	sshrl.u32 s20, $0x3;
	s24 =	rddreg [dreg:$0x7];
	[sflag:s29] =	ssyncadd.s32 $0xFFFFFEC0  }
0xe2: {  	[hbm:s24], [sflag:s8] =	dma.local [spmem:s12], $0x140  }
0xe3: {  	_ =	swait.ge [sflag:s29], $0x140  }
0xe4: {  	[sflag:s29] =	ssyncset.done $0x0  }
0xe5: {  	s10 =	sshrl.u32 s21, $0x3;
	s11 =	rddreg [dreg:$0x8];
	[sflag:s29] =	ssyncadd.s32 $0xFFFFFEC0  }
0xe6: {  	[hbm:s11], [sflag:s8] =	dma.local [spmem:s10], $0x140  }
0xe7: {  	_ =	swait.ge [sflag:s29], $0x140  }
0xe8: {  	[sflag:s29] =	ssyncset.done $0x0  }
0xe9: {  	s12 =	sshrl.u32 s22, $0x3;
	s24 =	rddreg [dreg:$0x9];
	[sflag:s29] =	ssyncadd.s32 $0xFFFFFEC0  }
0xea: {  	[hbm:s24], [sflag:s8] =	dma.local [spmem:s12], $0x140  }
0xeb: {  	s2 =	sadd.s32 $0x1, s2;
	_ =	swait.ge [sflag:s29], $0x140  }
0xec: {  	p1 =	sne.s32 s2, s26;
	[sflag:s29] =	ssyncset.done $0x0  }
0xed: {  	s9 =	sshrl.u32 @!p0 s23, $0x3;
	s10 =	rddreg [dreg:$0xa];
	[sflag:s29] =	ssyncadd.s32 $0xFFFFFEC0  }
0xee: {  	[hbm:s10], [sflag:s8] =	dma.local @!p0 [spmem:s9], $0x140  }
.Ltmp3:
0xef: {  	_ = 	snop;
	(pc) =	sbr.rel @p1 .LBB2_1-.Ltmp3, $4  }
0xf0: {  	s8 =	simm.s32 @!p0 $0x2  }
0xf1: {  	_ =	swait.ge @!p0 [sflag:s8], $0x140  }
0xf2: {  	[sflag:s8] =	ssyncset.done @!p0 $0x0  }
0xf3: {  	[sflag:s8] =	ssyncadd.s32 @!p0 $0xFFFFFEC0  }
0xf4: {  	_ =	sfence.sel $0x180000  }
0xf5: {  	[bflag:$0x0] =	sbarrier.arrive $0xFFFF  }
0xf6: {  	_ =	strace $0x9000004A  }
0xf7: {  	s0 =	stileid.u32;
	[bflag:$0x2] =	sbarrier.arrive $0xFFFF  }
0xf8: {  	p0 =	sne.s32 s0, $0x0;
	s0 =	rddreg [dreg:$0x2]  }
0xf9: {  	s0 =	sadd.s32 @!p0 $0x100000, s0  }
0xfa: {  	[sflag:s0] =	ssyncadd.tile.s32 @!p0 $0x1;
	_ =	shalt  }
.Lfunc_end2:
_tile_overlayer_lowered:
.L_overlay_start_2:
0xfb: {  	(tag) =	ssettag $0x2  }
0xfc: {  	s0 =	rddreg [dreg:$0x0];
	s2 =	stileid.u32  }
0xfd: {  	s1 =	rddreg [dreg:$0x1];
	p0 =	sne.s32 s2, $0x0  }
0xfe: {  	s3 =	rddreg [dreg:$0x2];
	[bflag:$0x3] =	sbarrier.arrive $0xFFFF;
	s2 =	simm.s32 @!p0 $0x1C02  }
0xff: {  	[timem:s3], [sflag:s2] =	dma.local @!p0 [hbm:s0], s1  }
0x100: {  	s0 =	simm.s32 @!p0 $0x2  }
0x101: {  	_ =	swait.ge @!p0 [sflag:s0], s1  }
0x102: {  	s1 =	ssub.s32 @!p0 $0x0, s1;
	[sflag:s0] =	ssyncset.done @!p0 $0x0  }
0x103: {  	[sflag:s0] =	ssyncadd.s32 @!p0 s1  }
0x104: {  	[bflag:$0x3] =	sbarrier.arrive $0xFFFF  }
0x105: {  	_ =	shalt  }

// kernel: _run.9.cloned.1.call-start
scs
__scs_entry_jumppad:
0x0: {  	(pc) =	sbr.rel $0x88, $3  }
0x1: {  	(tag) =	ssettag $0x0;
	lr =	simm.s32 $0x1  }
0x2: {  	[smem:$0x3F90] =	sst lr;
	_ =	strace $0xD0000000  }
0x3: {  	_ = 	snop  }
0x4: {  	_ = 	snop  }
0x5: {  	_ = 	snop  }
0x6: {  	_ = 	snop  }
0x7: {  	_ = 	snop  }
__scs_overlays_trampoline_lowered:
0x8: {  	[smem:$0x3F9F] =	sst s0  }
0x9: {  	[smem:$0x3FA0] =	sst s1  }
0xa: {  	[smem:$0x3FA1] =	sst s2  }
0xb: {  	[smem:$0x3FA2] =	sst s3  }
0xc: {  	[smem:$0x3FA3] =	sst s4  }
0xd: {  	[smem:$0x3FA4] =	sst s5  }
0xe: {  	[smem:$0x3FA5] =	sst s6  }
0xf: {  	[smem:$0x3FA6] =	sst s7  }
0x10: {  	[smem:$0x3FA7] =	sst s8  }
0x11: {  	[smem:$0x3FA8] =	sst s9;
	s0 =	simm.s32 @!p0 $0x0  }
0x12: {  	s1 =	sld [smem:$0x3F8E];
	s0 =	simm.s32 @p0 $0x1  }
0x13: {  	[smem:$0x3FA9] =	sst s0;
	s0 =	simm.s32 @!p1 $0x0  }
0x14: {  	s2 =	sld [smem:$0x3F8D];
	s0 =	simm.s32 @p1 $0x1  }
0x15: {  	[smem:$0x3FAA] =	sst s0;
	s0 =	simm.s32 @!p2 $0x0  }
0x16: {  	s3 =	sld [smem:$0x3FDB];
	s0 =	simm.s32 @p2 $0x1  }
0x17: {  	s4 =	simm.s32 $0x1BF5;
	[smem:$0x3FAC] =	sst s0  }
0x18: {  	s0 =	sld [smem:$0x3F8F];
	_ =	swait.ge [sflag:s4], $0x0  }
0x19: {  	s7 =	sld [smem:$0x3F90]  }
0x1a: {  	s8 =	sadd.s32 $0xFFFFE003, lr  }
0x1b: {  	s9 =	sadd.s32 $0xFFFFFEF7, lr;
	s5 =	simm.s32 $0xFFFFFFFF;
	p2 =	slt.u32 s8, $0xFFFFF086  }
0x1c: {  	p1 =	slt.u32 s9, $0xF7A;
	s5 =	simm.s32 @!p2 $0x0  }
0x1d: {  	s5 =	simm.s32 @p1 $0x1;
	p0 =	seq.s32 s7, s2  }
0x1e: {  	s7 =	smul.u32 @!p0 $0xF7A, s2;
	p2 =	seq.s32 @!p0 s5, $0x0  }
0x1f: {  	s9 =	smul.u32 $0xF7A, s1;
	s8 =	simm.s32 @!p0 $0x1BF5;
	p2 =	por !p2, p0  }
0x20: {  	[sflag:s8] =	ssyncset.s32 @!p0 $0xFFFFF086;
	s6 =	sadd.s32 @!p0 s3, s7;
	s7 =	simm.s32 @!p0 $0x108  }
0x21: {  	s3 =	sadd.s32 s3, s9;
	s6 =	sadd.s32 @!p0 $0x88, s6;
	s7 =	simm.s32 @p2 $0x1082  }
0x22: {  	[simem:s7], [sflag:s8] =	dma.local @!p0 [hbm:s6], $0xF7A  }
0x23: {  	s9 =	sor.u32 $0xD0000000, s2;
	s6 =	simm.s32 $0x108;
	_ =	swait.ge @!p0 [sflag:s8], $0x0  }
0x24: {  	s3 =	sadd.s32 $0x88, s3;
	s6 =	simm.s32 @!p1 $0x1082;
	[sflag:s4] =	ssyncset.s32 $0xFFFFF086  }
0x25: {  	[simem:s6], [sflag:s4] =	dma.local [hbm:s3], $0xF7A  }
0x26: {  	[smem:$0x3F90] =	sst s1;
	(tag) =	ssettag s2;
	_ =	strace s9  }
0x27: {  	s1 =	sld [smem:$0x3FA0]  }
0x28: {  	s2 =	sld [smem:$0x3FA1]  }
0x29: {  	s4 =	sld [smem:$0x3FA3]  }
0x2a: {  	p0 =	seq.s32 s5, $0x0;
	s5 =	sld [smem:$0x3FA4]  }
0x2b: {  	s6 =	sld [smem:$0x3FA5]  }
0x2c: {  	s7 =	sld [smem:$0x3FA6]  }
0x2d: {  	s3 =	simm.s32 $0x108;
	s8 =	sld [smem:$0x3FA7]  }
0x2e: {  	s3 =	simm.s32 @!p0 $0x1082;
	s9 =	sld [smem:$0x3FA8]  }
0x2f: {  	lr =	sadd.s32 s0, s3;
	s0 =	sld [smem:$0x3F9F]  }
0x30: {  	s3 =	sld [smem:$0x3FA2]  }
0x31: {  	[smem:$0x3FAB] =	sst s10  }
0x32: {  	s10 =	sld [smem:$0x3FA9];
	_ =	sdelay $0x3  }
0x33: {  	p0 =	seq.s32 s10, $0x1;
	s10 =	sld [smem:$0x3FAB];
	_ =	sdelay $0x3  }
0x34: {  	[smem:$0x3FAB] =	sst s10  }
0x35: {  	s10 =	sld [smem:$0x3FAA];
	_ =	sdelay $0x3  }
0x36: {  	p1 =	seq.s32 s10, $0x1;
	s10 =	sld [smem:$0x3FAB];
	_ =	sdelay $0x3  }
0x37: {  	[smem:$0x3FAB] =	sst s10  }
0x38: {  	s10 =	sld [smem:$0x3FAC]  }
0x39: {  	_ = 	snop;
	(pc) =	sbr.ind lr, $3  }
0x3a: {  	_ = 	snop  }
0x3b: {  	_ = 	snop  }
0x3c: {  	p2 =	seq.s32 s10, $0x1;
	s10 =	sld [smem:$0x3FAB]  }
0x3d: {  	_ =	shalt  }
0x3e: {  	_ =	shalt  }
0x3f: {  	_ =	shalt  }
0x40: {  	_ =	shalt  }
0x41: {  	_ =	shalt  }
0x42: {  	_ =	shalt  }
0x43: {  	_ =	shalt  }
0x44: {  	_ =	shalt  }
0x45: {  	_ =	shalt  }
0x46: {  	_ =	shalt  }
0x47: {  	_ =	shalt  }
0x48: {  	_ =	shalt  }
0x49: {  	_ =	shalt  }
0x4a: {  	_ =	shalt  }
0x4b: {  	_ =	shalt  }
0x4c: {  	_ =	shalt  }
0x4d: {  	_ =	shalt  }
0x4e: {  	_ =	shalt  }
0x4f: {  	_ =	shalt  }
0x50: {  	_ =	shalt  }
0x51: {  	_ =	shalt  }
0x52: {  	_ =	shalt  }
0x53: {  	_ =	shalt  }
0x54: {  	_ =	shalt  }
0x55: {  	_ =	shalt  }
0x56: {  	_ =	shalt  }
0x57: {  	_ =	shalt  }
0x58: {  	_ =	shalt  }
0x59: {  	_ =	shalt  }
0x5a: {  	_ =	shalt  }
0x5b: {  	_ =	shalt  }
0x5c: {  	_ =	shalt  }
0x5d: {  	_ =	shalt  }
0x5e: {  	_ =	shalt  }
0x5f: {  	_ =	shalt  }
0x60: {  	_ =	shalt  }
0x61: {  	_ =	shalt  }
0x62: {  	_ =	shalt  }
0x63: {  	_ =	shalt  }
0x64: {  	_ =	shalt  }
0x65: {  	_ =	shalt  }
0x66: {  	_ =	shalt  }
0x67: {  	_ =	shalt  }
0x68: {  	_ =	shalt  }
0x69: {  	_ =	shalt  }
0x6a: {  	_ =	shalt  }
0x6b: {  	_ =	shalt  }
0x6c: {  	_ =	shalt  }
0x6d: {  	_ =	shalt  }
0x6e: {  	_ =	shalt  }
0x6f: {  	_ =	shalt  }
0x70: {  	_ =	shalt  }
0x71: {  	_ =	shalt  }
0x72: {  	_ =	shalt  }
0x73: {  	_ =	shalt  }
0x74: {  	_ =	shalt  }
0x75: {  	_ =	shalt  }
0x76: {  	_ =	shalt  }
0x77: {  	_ =	shalt  }
0x78: {  	_ =	shalt  }
0x79: {  	_ =	shalt  }
0x7a: {  	_ =	shalt  }
0x7b: {  	_ =	shalt  }
0x7c: {  	_ =	shalt  }
0x7d: {  	_ =	shalt  }
0x7e: {  	_ =	shalt  }
0x7f: {  	_ =	shalt  }
0x80: {  	_ =	shalt  }
0x81: {  	_ =	shalt  }
0x82: {  	_ =	shalt  }
0x83: {  	_ =	shalt  }
0x84: {  	_ =	shalt  }
0x85: {  	_ =	shalt  }
0x86: {  	_ =	shalt  }
0x87: {  	_ =	shalt  }
.Lfunc_end0:
.L_simem_size_0:
called_computation_lowered:
.L_overlay_start_0:
0x88: {  	s2 =	sld [smem:$0x3FD9]  }
0x89: {  	s3 =	sld [smem:$0x3FFE];
	_ =	sdelay $0x1  }
0x8a: {  	s1 =	srdreg.scid  }
0x8b: {  	s0 =	sand.u32 $0x1, s1  }
0x8c: {  	s16 =	sshll.u32 s0, $0xA;
	s2 =	sadd.s32 s3, s2  }
0x8d: {  	s2 =	sadd.s32 s2, s16  }
0x8e: {  	[smem:$0x3FB7] =	sst s2  }
0x8f: {  	_ = 	snop  }
0x90: {  	(tm) =	ssettm $0x1  }
0x91: {  	s17 =	sld [smem:$0x3FFB];
	_ =	sdelay $0x3  }
0x92: {  	_ =	strace s17  }
0x93: {  	s2 =	sld [smem:$0x3FFC];
	_ =	sdelay $0x3  }
0x94: {  	_ =	strace s2  }
0x95: {  	s2 =	sld [smem:$0x3FFD];
	_ =	sdelay $0x3  }
0x96: {  	_ =	strace s2  }
0x97: {  	_ =	strace $0x8FFFFFFF  }
0x98: {  	s18 =	sld [smem:$0x3FDB];
	_ =	sdelay $0x1  }
0x99: {  	s19 =	simm.s32 $_scs_section_size  }
0x9a: {  	s4 =	simm.s32 $_size__tile_overlayer_lowered;
	s5 =	simm.s32 $_tile_overlayer_lowered  }
0x9b: {  	s22 =	simm.s32 $0x1BFF;
	s21 =	sshll.u32 s5, $0x1;
	s2 =	sadd.s32 s19, s18  }
0x9c: {  	s6 =	simm.s32 $0x0;
	s20 =	sshll.u32 s4, $0x1;
	s4 =	sadd.s32 s21, s2  }
0x9d: {  	[timem:s6], [sflag:s22] =	dma.local [hbm:s4], s20  }
0x9e: {  	_ =	swait.ge [sflag:s22], s20  }
0x9f: {  	s3 =	ssub.s32 $0x0, s20;
	[sflag:s22] =	ssyncset.done $0x0  }
0xa0: {  	[sflag:s22] =	ssyncadd.s32 s3;
	_ =	sdelay $0x1  }
0xa1: {  	s23 =	simm.s32 $0x1B8B  }
0xa2: {  	_ =	swait.ge [sflag:s23], $0x1  }
0xa3: {  	[sflag:s23] =	ssyncset.done $0x0  }
0xa4: {  	s25 =	simm.s32 $0x1B8E;
	s24 =	sld [smem:$0x3FFE];
	[sflag:s23] =	ssyncadd.s32 $0xFFFFFFFF  }
0xa5: {  	s26 =	simm.s32 $execute0_lowered;
	[smem:$0x3FD2] =	sst s25  }
0xa6: {  	s4 =	sshll.u32 s26, $0x1;
	_ =	strace $0x80000046;
	[dreg:$0x1] =	wrdreg $0xFFFFFFFF  }
0xa7: {  	s28 =	simm.s32 $_size_execute0_lowered;
	s2 =	sadd.s32 s2, s4;
	[dreg:$0x0] =	wrdreg $0x0  }
0xa8: {  	s4 =	sshll.u32 s28, $0x1;
	[dreg:$0x2] =	wrdreg s2  }
0xa9: {  	[dreg:$0x3] =	wrdreg s4  }
0xaa: {  	[dreg:$0x4] =	wrdreg $0xC0  }
0xab: {  	_ =	task [dreg:s6], $0x5FFFF  }
0xac: {  	[dreg:$0x1] =	wrdreg $0xFFFFFFFF  }
0xad: {  	[dreg:$0x0] =	wrdreg $0x60  }
0xae: {  	[dreg:$0x2] =	wrdreg s24  }
0xaf: {  	[dreg:$0x3] =	wrdreg $0x91F00  }
0xb0: {  	[dreg:$0x4] =	wrdreg $0x9  }
0xb1: {  	_ =	task.clear_ibuf [dreg:s6], $0x5FFFF;
	_ =	strace $0x90000046  }
0xb2: {  	s29 =	simm.s32 $0x9;
	_ =	strace $0x80000048  }
0xb3: {  	_ =	swait.ge [sflag:s29], $0x1  }
0xb4: {  	[sflag:s29] =	ssyncadd.s32 $0xFFFFFFFF  }
0xb5: {  	_ =	strace $0x90000048  }
0xb6: {  	_ =	sfence  }
0xb7: {  	s30 =	sld [smem:$0x0];
	_ =	sdelay $0x2  }
0xb8: {  	s31 =	sshll.u32 s1, $0xD;
	s1 =	sshrl.u32 s1, $0x2  }
0xb9: {  	s3 =	sand.u32 $0x4000, s31;
	s1 =	sadd.s32 s1, s30  }
0xba: {  	s0 =	sor.u32 s3, s0;
	s1 =	sshll.u32 s1, $0x11  }
0xbb: {  	s0 =	sor.u32 s1, s0  }
0xbc: {  	s0 =	sadd.s32 $0x8F2B, s0  }
0xbd: {  	[sflag:s0] =	ssyncadd.remote.s32 $0x1  }
0xbe: {  	_ =	sfence.sel $0xFFFF  }
0xbf: {  	[dreg:$0x0] =	wrdreg $0xFFFFFFFF;
	(pc) =	sbr.abs _section_cstart, $3  }
0xc0: {  	[dreg:$0x1] =	wrdreg $0xFFFFFFFF  }
0xc1: {  	_ =	task.clear_ibuf [dreg:s6], $0x2FFFF;
	_ =	strace $0x9FFFFFFF  }
0xc2: {  	(tm) =	ssettm $0x7FFFFFFF  }
0xc3: {  	_ =	shalt  }
tec
execute0_lowered:
.L_overlay_start_1:
0x0: {  	(tag) =	ssettag $0x1  }
0x1: {  	s26 =	stileid.u32  }
0x2: {  	s6 =	smul.u32 $0xB400, s26  }
0x3: {  	s3 =	smul.u32 $0x50, s26  }
0x4: {  	s2 =	sor.u32 $0x10, s26;
	s11 =	smul.u32 $0x4E20, s26  }
0x5: {  	s0 =	srdreg.scid;
	s4 =	sor.u32 $0x20, s26;
	s1 =	smul.u32 $0xB400, s2  }
0x6: {  	s5 =	sand.u32 $0x1, s0;
	s7 =	smul.u32 $0xB400, s4  }
0x7: {  	s10 =	rddreg [dreg:$0x0];
	s8 =	smul.u32 $0x4E200, s5  }
0x8: {  	s28 =	simm.s32 $0x64F0;
	s29 =	simm.s32 $0x4;
	s0 =	smul.u32 $0x2710, s5  }
0x9: {  	s30 =	simm.s32 $0x50;
	s31 =	simm.s32 $0xAF0;
	s9 =	smul.u32 $0x50, s2  }
0xa: {  	s13 =	sor.u32 $0x30, s26;
	s18 =	sor.u32 $0x40, s26;
	s4 =	smul.u32 $0x50, s4  }
0xb: {  	s17 =	sadd.s32 $0x18A800, s10;
	s19 =	sor.u32 $0x50, s26;
	s14 =	smul.u32 $0x50, s13  }
0xc: {  	s21 =	sor.u32 $0x60, s26;
	s23 =	sor.u32 $0x70, s26;
	s16 =	smul.u32 $0x50, s18  }
0xd: {  	p0 =	sgt.u32 s26, $0xC;
	s5 =	ssub.s32 $0x2, s5;
	s22 =	smul.u32 $0x50, s19  }
0xe: {  	s2 =	rddreg [dreg:$0x1];
	s24 =	smul.u32 $0x50, s21;
	s20 =	sshrl.u32 s5, $0x1  }
0xf: {  	s6 =	sshrl.u32 s6, $0x2;
	s3 =	sadd.s32 s3, s0;
	s20 =	ssub.s32 s5, s20  }
0x10: {  	s5 =	sadd.s32 s11, s8;
	s11 =	sadd.s32 s0, s22;
	s22 =	smul.u32 $0x50, s23  }
0x11: {  	s9 =	sadd.s32 s0, s9;
	s15 =	sadd.s32 s0, s4;
	s12 =	smul.u32 $0x12, s3  }
0x12: {  	s4 =	sadd.s32 $0x3A00, s10;
	s14 =	sadd.s32 s0, s14;
	s9 =	smul.u32 $0x12, s9  }
0x13: {  	s16 =	sadd.s32 s0, s16;
	s25 =	sadd.s32 s0, s24;
	s15 =	smul.u32 $0x12, s15  }
0x14: {  	s1 =	sshrl.u32 s1, $0x2;
	s3 =	simm.s32 $0x0;
	s14 =	smul.u32 $0x12, s14  }
0x15: {  	s7 =	sshrl.u32 s7, $0x2;
	s16 =	smul.u32 $0x12, s16;
	[smem:$0x7FF] =	sst s3  }
0x16: {  	s8 =	smul.u32 $0x12, s11;
	s11 =	sadd.s32 s0, s22;
	_ =	strace $0x80000047  }
0x17: {  	s12 =	sadd.s32 s17, s12;
	s9 =	sadd.s32 s17, s9;
	s22 =	sadd.s32 s17, s15  }
0x18: {  	s24 =	sadd.s32 s17, s14;
	s11 =	smul.u32 $0x12, s11;
	[dreg:$0x3] =	wrdreg s12  }
0x19: {  	s8 =	sadd.s32 s17, s8;
	s14 =	sadd.s32 $0x176E00, s10;
	[dreg:$0x4] =	wrdreg s9  }
0x1a: {  	s15 =	sadd.s32 $0x29BC00, s10;
	s9 =	smul.u32 $0x12, s25;
	[dreg:$0x5] =	wrdreg s22  }
0x1b: {  	[dreg:$0x6] =	wrdreg s24;
	s25 =	sadd.s32 s17, s16;
	s12 =	smul.u32 $0xB400, s13  }
0x1c: {  	[dreg:$0x8] =	wrdreg s8;
	s16 =	sadd.s32 $0x163400, s10;
	s22 =	smul.u32 $0xB400, s18  }
0x1d: {  	s13 =	sadd.s32 s6, s2;
	s24 =	smul.u32 $0xB400, s19;
	s18 =	sadd.s32 s1, s2  }
0x1e: {  	s19 =	sadd.s32 s7, s2;
	s7 =	simm.s32 $0x32F0;
	[dreg:$0x7] =	wrdreg s25  }
0x1f: {  	s11 =	sadd.s32 s17, s11;
	s25 =	smul.u32 $0xB400, s21;
	s9 =	sadd.s32 s17, s9  }
0x20: {  	[dreg:$0xa] =	wrdreg s11;
	s17 =	sadd.s32 $0x2AC00, s10;
	s8 =	sshrl.u32 s12, $0x2  }
0x21: {  	s6 =	sshrl.u32 s22, $0x2;
	s10 =	smul.u32 $0xB400, s23;
	s11 =	sshrl.u32 s24, $0x2  }
0x22: {  	[dreg:$0x9] =	wrdreg s9;
	s22 =	sadd.s32 s6, s2;
	s6 =	sadd.s32 s11, s2  }
0x23: {  	s1 =	sshrl.u32 s25, $0x2;
	s25 =	smax.u32 s20, $0x1;
	[dreg:$0xd] =	wrdreg s6  }
0x24: {  	s24 =	sadd.s32 $0x4E20, s0;
	s21 =	sadd.s32 s8, s2;
	[dreg:$0x10] =	wrdreg s25  }
0x25: {  	s0 =	simm.s32 $0x2;
	s8 =	simm.s32 $0xA0;
	[dreg:$0xb] =	wrdreg s21  }
0x26: {  	s12 =	sshrl.u32 s10, $0x2;
	s1 =	sadd.s32 s1, s2;
	[dreg:$0xc] =	wrdreg s22  }
0x27: {  	v2 =	vimm.s32 $0x0;
	vm0 =	vcmask $0x300;
	s9 =	simm.s32 $0x37F0;
	[dreg:$0xe] =	wrdreg s1;
	s23 =	sadd.s32 s12, s2  }
0x28: {  	v1 =	vimm.f32 $0.0e+00;
	v2 =	vsel vm0, $0x3, v2;
	v0 =	vmov s24;
	s6 =	simm.s32 $0x3;
	s1 =	simm.s32 $0x1;
	[dreg:$0xf] =	wrdreg s23  }
.LBB2_1:
0x29: {  	s10 =	simm.s32 $0x0;
	s11 =	simm.s32 $0x240  }
.LBB2_2:
0x2a: {  	p1 =	sne.s32 s11, $0xB1C0;
	[tilespmem:s10+$0x6570] =	vst v1  }
0x2b: {  	[tilespmem:s10+$0x64F0] =	vst v1  }
0x2c: {  	[tilespmem:s10+$0x6500] =	vst v1  }
0x2d: {  	[tilespmem:s10+$0x6510] =	vst v1  }
.Ltmp0:
0x2e: {  	[tilespmem:s10+$0x6520] =	vst v1;
	(pc) =	sbr.rel @p1 .LBB2_2-.Ltmp0, $4  }
0x2f: {  	[tilespmem:s10+$0x6530] =	vst v1  }
0x30: {  	[tilespmem:s10+$0x6540] =	vst v1  }
0x31: {  	[tilespmem:s10+$0x6550] =	vst v1  }
0x32: {  	[tilespmem:s10+$0x6560] =	vst v1;
	s10 =	sshra.s32 s11, $0x2;
	s11 =	sadd.s32 $0x240, s11  }
0x33: {  	[tilespmem:s10+$0x6570] =	vst v1  }
0x34: {  	[tilespmem:s10+$0x64F0] =	vst v1  }
0x35: {  	[tilespmem:s10+$0x6500] =	vst v1  }
0x36: {  	[tilespmem:s10+$0x6510] =	vst v1  }
0x37: {  	[tilespmem:s10+$0x6520] =	vst v1  }
0x38: {  	[tilespmem:s10+$0x6530] =	vst v1  }
0x39: {  	[tilespmem:s10+$0x6540] =	vst v1  }
0x3a: {  	[tilespmem:s10+$0x6550] =	vst v1  }
0x3b: {  	[tilespmem:s10+$0x6560] =	vst v1  }
0x3c: {  	[spmem:s13] =	stream.linear.scatter [tilespmem:s28], [sflag:$0x4], $0x2D00, $0x38;
	[tilespmem:$0x1F180] =	vst v63  }
0x3d: {  	_ =	swait.ge [sflag:s29], $0x2D00  }
0x3e: {  	[sflag:s29] =	ssyncset.done $0x0  }
0x3f: {  	[sflag:s29] =	ssyncadd.s32 $0xFFFFD300  }
0x40: {  	[spmem:s18] =	stream.linear.scatter [tilespmem:s28], [sflag:$0x4], $0x2D00, $0x38;
	[tilespmem:$0x1F180] =	vst v63  }
0x41: {  	_ =	swait.ge [sflag:s29], $0x2D00  }
0x42: {  	[sflag:s29] =	ssyncset.done $0x0  }
0x43: {  	[sflag:s29] =	ssyncadd.s32 $0xFFFFD300  }
0x44: {  	[spmem:s19] =	stream.linear.scatter [tilespmem:s28], [sflag:$0x4], $0x2D00, $0x38;
	[tilespmem:$0x1F180] =	vst v63  }
0x45: {  	_ =	swait.ge [sflag:s29], $0x2D00  }
0x46: {  	[sflag:s29] =	ssyncset.done $0x0  }
0x47: {  	[sflag:s29] =	ssyncadd.s32 $0xFFFFD300  }
0x48: {  	[spmem:s21] =	stream.linear.scatter [tilespmem:s28], [sflag:$0x4], $0x2D00, $0x38;
	[tilespmem:$0x1F180] =	vst v63  }
0x49: {  	_ =	swait.ge [sflag:s29], $0x2D00  }
0x4a: {  	[sflag:s29] =	ssyncset.done $0x0  }
0x4b: {  	[sflag:s29] =	ssyncadd.s32 $0xFFFFD300  }
0x4c: {  	[spmem:s22] =	stream.linear.scatter [tilespmem:s28], [sflag:$0x4], $0x2D00, $0x38;
	[tilespmem:$0x1F180] =	vst v63  }
0x4d: {  	_ =	swait.ge [sflag:s29], $0x2D00  }
0x4e: {  	[sflag:s29] =	ssyncset.done $0x0  }
0x4f: {  	s22 =	rddreg [dreg:$0xd];
	[sflag:s29] =	ssyncadd.s32 $0xFFFFD300  }
0x50: {  	[spmem:s22] =	stream.linear.scatter [tilespmem:s28], [sflag:$0x4], $0x2D00, $0x38;
	[tilespmem:$0x1F180] =	vst v63  }
0x51: {  	_ =	swait.ge [sflag:s29], $0x2D00  }
0x52: {  	[sflag:s29] =	ssyncset.done $0x0  }
0x53: {  	s26 =	rddreg [dreg:$0xe];
	[sflag:s29] =	ssyncadd.s32 $0xFFFFD300  }
0x54: {  	[spmem:s26] =	stream.linear.scatter [tilespmem:s28], [sflag:$0x4], $0x2D00, $0x38;
	[tilespmem:$0x1F180] =	vst v63  }
0x55: {  	_ =	swait.ge [sflag:s29], $0x2D00  }
0x56: {  	[sflag:s29] =	ssyncset.done $0x0  }
0x57: {  	s10 =	simm.s32 @!p0 $0x64F0;
	s11 =	rddreg [dreg:$0xf];
	[sflag:s29] =	ssyncadd.s32 $0xFFFFD300  }
0x58: {  	[spmem:s11] =	stream.linear.scatter @!p0 [tilespmem:s10], [sflag:$0x4], $0x2D00, $0x38;
	[tilespmem:$0x1F180] =	vst v63  }
0x59: {  	s10 =	simm.s32 @!p0 $0x4  }
0x5a: {  	_ =	swait.ge @!p0 [sflag:s10], $0x2D00  }
0x5b: {  	s23 =	smov.u32 s13;
	[sflag:s10] =	ssyncset.done @!p0 $0x0  }
0x5c: {  	s24 =	smov.u32 s18;
	s25 =	smov.u32 s19;
	[sflag:s10] =	ssyncadd.s32 @!p0 $0xFFFFD300  }
0x5d: {  	s11 =	simm.s32 $0x0;
	s10 =	simm.s32 $0x0;
	[bflag:$0x0] =	sbarrier.arrive $0xFFFF  }
.LBB2_4:
0x5e: {  	s12 =	smul.u32 $0x50, s11;
	_ =	sdelay $0x1  }
0x5f: {  	s12 =	sadd.s32 s12, s5  }
0x60: {  	s12 =	sshrl.u32 s12, $0x3  }
0x61: {  	s13 =	sadd.s32 s4, s12  }
0x62: {  	[tilespmem:s10], [sflag:$0x4] =	stream.linear.gather [hbm4b:s13+s10], $0x50, $0x38;
	[tilespmem:$0x1F180] =	vst v63  }
0x63: {  	_ =	swait.ge [sflag:s29], $0x50  }
0x64: {  	[sflag:s29] =	ssyncset.done $0x0  }
0x65: {  	s12 =	sadd.s32 s14, s12;
	[sflag:s29] =	ssyncadd.s32 $0xFFFFFFB0  }
0x66: {  	[tilespmem:s30], [sflag:$0x4] =	stream.linear.gather [hbm4b:s12+s10], $0x50, $0x38;
	[tilespmem:$0x1F180] =	vst v63  }
0x67: {  	_ =	swait.ge [sflag:s29], $0x50  }
0x68: {  	[sflag:s29] =	ssyncset.done $0x0  }
0x69: {  	s12 =	simm.s32 $0xF0;
	[sflag:s29] =	ssyncadd.s32 $0xFFFFFFB0  }
0x6a: {  	[tilespmem:s12], [sflag:$0x1] =	stream.indirect.gather [hbm4b:s15+s30], $0x10, s10, s30, $0xb8;
	[tilespmem:$0x1F180] =	vst v63  }
0x6b: {  	s13 =	simm.s32 $0x5F0  }
0x6c: {  	[tilespmem:s13], [sflag:$0x2] =	stream.indirect.gather [hbm4b:s16+s30], $0x10, s30, s30, $0xb8;
	[tilespmem:$0x1F180] =	vst v63  }
0x6d: {  	_ = 	snop  }
0x6e: {  	[tilespmem:s31], [sflag:$0x3] =	stream.indirect.gather [hbm4b:s17+s30], $0x80, s10, s30, $0xb8;
	[tilespmem:$0x1F180] =	vst v63  }
0x6f: {  	_ =	swait.ge [sflag:s1], $0x500  }
0x70: {  	[sflag:s1] =	ssyncset.done $0x0  }
0x71: {  	[sflag:s1] =	ssyncadd.s32 $0xFFFFFB00  }
0x72: {  	_ =	swait.ge [sflag:s0], $0x500  }
0x73: {  	[sflag:s0] =	ssyncset.done $0x0  }
0x74: {  	[sflag:s0] =	ssyncadd.s32 $0xFFFFFB00  }
0x75: {  	_ =	swait.ge [sflag:s6], $0x2800  }
0x76: {  	[sflag:s6] =	ssyncset.done $0x0  }
0x77: {  	[sflag:s6] =	ssyncadd.s32 $0xFFFFD800  }
0x78: {  	v3 =	vld [tilespmem:$0x50]  }
0x79: {  	v4 =	vld [tilespmem:$0x60]  }
0x7a: {  	v5 =	vld [tilespmem:$0x70]  }
0x7b: {  	v6 =	vld [tilespmem:$0x80]  }
0x7c: {  	v7 =	vld [tilespmem:$0x90]  }
0x7d: {  	v3 =	vsub.s32 v3, v0  }
0x7e: {  	[tilespmem:$0xA0] =	vst v3;
	v3 =	vsub.s32 v4, v0  }
0x7f: {  	[tilespmem:$0xB0] =	vst v3;
	v3 =	vsub.s32 v5, v0  }
0x80: {  	[tilespmem:$0xC0] =	vst v3;
	v3 =	vsub.s32 v6, v0  }
0x81: {  	[tilespmem:$0xD0] =	vst v3;
	v3 =	vsub.s32 v7, v0  }
0x82: {  	[tilespmem:$0xE0] =	vst v3  }
0x83: {  	v3 =	vld [tilespmem:s12+$0x0]  }
0x84: {  	v4 =	vld [tilespmem:s13+$0x0];
	_ =	sdelay $0x4  }
0x85: {  	v3 =	vadd.f32 v4, v3;
	_ =	sdelay $0x1  }
0x86: {  	v4 =	vmul.f32 $2.000000030e-01, v3;
	_ =	sdelay $0x1  }
0x87: {  	v3 =	vmax.f32 v3, v4  }
0x88: {  	v3 =	vmul.f32 $1.442695020e+00, v3;
	_ =	sdelay $0x1  }
0x89: {  	(erf) = vpow2.f32 v3;
	_ =	sdelay $0x2  }
0x8a: {  	v3 =	vmov s10  }
0x8b: {  	v3 =	vshrl.u32 v3, $0x3  }
0x8c: {  	v3 =	vshll.u32 v3, v2  }
0x8d: {  	v4 =	vbroadcast v3, $0x0;
	_ =	sdelay $0x2  }
0x8e: {  	s26 =	simm.s32 $0x32F0;
	v5 =	vpop (erf)  }
0x8f: {  	s18 =	simm.s32 $0x3830;
	[tilespmem:s26+$0x0] =	vst v5  }
0x90: {  	[tilespmem:s18+$0x40] =	vst v5  }
0x91: {  	s19 =	simm.s32 $0xB30;
	v4 =	vld.idx.msk [tilespmem:v4+s7+$0x0], $0xffff  }
0x92: {  	v5 =	vld [tilespmem:s19+$0xFFFFFFC0]  }
0x93: {  	v58 =	vadd.s32 $0x1, v3  }
0x94: {  	v6 =	vbroadcast v58, $0x0;
	_ =	sdelay $0x2  }
0x95: {  	v4 =	vmul.f32 v5, v4;
	_ =	sdelay $0x1  }
0x96: {  	[tilespmem:s18+$0xFFFFFFC0] =	vst v4  }
0x97: {  	v4 =	vld.idx.msk [tilespmem:v6+s7+$0x0], $0xffff  }
0x98: {  	v5 =	vld [tilespmem:s19+$0xFFFFFFD0]  }
0x99: {  	v59 =	vadd.s32 $0x2, v3  }
0x9a: {  	v6 =	vbroadcast v59, $0x0;
	_ =	sdelay $0x2  }
0x9b: {  	v4 =	vmul.f32 v5, v4;
	_ =	sdelay $0x1  }
0x9c: {  	[tilespmem:s18+$0xFFFFFFD0] =	vst v4  }
0x9d: {  	v4 =	vld.idx.msk [tilespmem:v6+s7+$0x0], $0xffff  }
0x9e: {  	v5 =	vld [tilespmem:s19+$0xFFFFFFE0]  }
0x9f: {  	v60 =	vadd.s32 $0x3, v3  }
0xa0: {  	v6 =	vbroadcast v60, $0x0;
	_ =	sdelay $0x2  }
0xa1: {  	v4 =	vmul.f32 v5, v4;
	_ =	sdelay $0x1  }
0xa2: {  	[tilespmem:s18+$0xFFFFFFE0] =	vst v4  }
0xa3: {  	v4 =	vld.idx.msk [tilespmem:v6+s7+$0x0], $0xffff  }
0xa4: {  	v5 =	vld [tilespmem:s19+$0xFFFFFFF0]  }
0xa5: {  	v61 =	vadd.s32 $0x4, v3  }
0xa6: {  	v6 =	vbroadcast v61, $0x0;
	_ =	sdelay $0x2  }
0xa7: {  	v4 =	vmul.f32 v5, v4;
	_ =	sdelay $0x1  }
0xa8: {  	[tilespmem:s18+$0xFFFFFFF0] =	vst v4  }
0xa9: {  	v4 =	vld.idx.msk [tilespmem:v6+s7+$0x0], $0xffff  }
0xaa: {  	v5 =	vld [tilespmem:s19+$0x0]  }
0xab: {  	v62 =	vadd.s32 $0x5, v3  }
0xac: {  	v6 =	vbroadcast v62, $0x0;
	_ =	sdelay $0x2  }
0xad: {  	v4 =	vmul.f32 v5, v4;
	_ =	sdelay $0x1  }
0xae: {  	[tilespmem:s18+$0x0] =	vst v4  }
0xaf: {  	v4 =	vld.idx.msk [tilespmem:v6+s7+$0x0], $0xffff  }
0xb0: {  	v5 =	vld [tilespmem:s19+$0x10]  }
0xb1: {  	v63 =	vadd.s32 $0x6, v3  }
0xb2: {  	v6 =	vbroadcast v63, $0x0;
	_ =	sdelay $0x2  }
0xb3: {  	v4 =	vmul.f32 v5, v4;
	_ =	sdelay $0x1  }
0xb4: {  	[tilespmem:s18+$0x10] =	vst v4  }
0xb5: {  	v4 =	vld.idx.msk [tilespmem:v6+s7+$0x0], $0xffff  }
0xb6: {  	v5 =	vld [tilespmem:s19+$0x20]  }
0xb7: {  	v3 =	vadd.s32 $0x7, v3  }
0xb8: {  	v3 =	vbroadcast v3, $0x0;
	_ =	sdelay $0x2  }
0xb9: {  	v4 =	vmul.f32 v5, v4;
	_ =	sdelay $0x1  }
0xba: {  	[tilespmem:s18+$0x20] =	vst v4  }
0xbb: {  	v3 =	vld.idx.msk [tilespmem:v3+s7+$0x0], $0xffff  }
0xbc: {  	v4 =	vld [tilespmem:s19+$0x30];
	_ =	sdelay $0x4  }
0xbd: {  	v3 =	vmul.f32 v4, v3  }
0xbe: {  	s20 =	simm.s32 $0xBB0;
	s21 =	simm.s32 $0x38C0;
	s19 =	simm.s32 $0x10  }
.LBB2_5:
0xbf: {  	[tilespmem:s18+$0x30] =	vst v3;
	s26 =	sadd.s32 $0x10, s26;
	s12 =	sadd.s32 $0x10, s12;
	s13 =	sadd.s32 $0x10, s13  }
0xc0: {  	p1 =	sne.s32 s19, $0x4F0;
	s22 =	smov.u32 s19;
	s19 =	sadd.s32 $0x10, s19;
	v3 =	vld [tilespmem:s12+$0x0]  }
0xc1: {  	s18 =	smov.u32 s21;
	v4 =	vld [tilespmem:s13+$0x0];
	_ =	sdelay $0x4  }
0xc2: {  	v3 =	vadd.f32 v4, v3;
	_ =	sdelay $0x1  }
0xc3: {  	v4 =	vmul.f32 $2.000000030e-01, v3;
	_ =	sdelay $0x1  }
0xc4: {  	v3 =	vmax.f32 v3, v4  }
0xc5: {  	v3 =	vmul.f32 $1.442695020e+00, v3;
	_ =	sdelay $0x1  }
0xc6: {  	(erf) = vpow2.f32 v3;
	_ =	sdelay $0x2  }
0xc7: {  	v3 =	vmov s22  }
0xc8: {  	v3 =	vshrl.u32 v3, $0x3  }
0xc9: {  	v3 =	vshll.u32 v3, v2  }
0xca: {  	v4 =	vbroadcast v3, $0x0;
	v5 =	vadd.s32 $0x1, v3;
	v6 =	vadd.s32 $0x2, v3  }
0xcb: {  	v7 =	vadd.s32 $0x3, v3;
	v8 =	vadd.s32 $0x4, v3;
	v9 =	vadd.s32 $0x5, v3  }
0xcc: {  	v10 =	vadd.s32 $0x6, v3;
	v3 =	vadd.s32 $0x7, v3  }
0xcd: {  	v11 =	vpop (erf)  }
0xce: {  	[tilespmem:s26+$0x0] =	vst v11  }
0xcf: {  	[tilespmem:s21+$0x40] =	vst v11  }
0xd0: {  	v4 =	vld.idx.msk [tilespmem:v4+s7+$0x0], $0xffff  }
0xd1: {  	v11 =	vld [tilespmem:s20+$0xFFFFFFC0];
	_ =	sdelay $0x1  }
0xd2: {  	v5 =	vbroadcast v5, $0x0;
	_ =	sdelay $0x2  }
0xd3: {  	v4 =	vmul.f32 v11, v4;
	_ =	sdelay $0x1  }
0xd4: {  	[tilespmem:s21+$0xFFFFFFC0] =	vst v4  }
0xd5: {  	v4 =	vld.idx.msk [tilespmem:v5+s7+$0x0], $0xffff  }
0xd6: {  	v5 =	vld [tilespmem:s20+$0xFFFFFFD0];
	_ =	sdelay $0x1  }
0xd7: {  	v6 =	vbroadcast v6, $0x0;
	_ =	sdelay $0x2  }
0xd8: {  	v4 =	vmul.f32 v5, v4;
	_ =	sdelay $0x1  }
0xd9: {  	[tilespmem:s21+$0xFFFFFFD0] =	vst v4  }
0xda: {  	v4 =	vld.idx.msk [tilespmem:v6+s7+$0x0], $0xffff  }
0xdb: {  	v5 =	vld [tilespmem:s20+$0xFFFFFFE0];
	_ =	sdelay $0x1  }
0xdc: {  	v6 =	vbroadcast v7, $0x0;
	_ =	sdelay $0x2  }
0xdd: {  	v4 =	vmul.f32 v5, v4;
	_ =	sdelay $0x1  }
0xde: {  	[tilespmem:s21+$0xFFFFFFE0] =	vst v4  }
0xdf: {  	v4 =	vld.idx.msk [tilespmem:v6+s7+$0x0], $0xffff  }
0xe0: {  	v5 =	vld [tilespmem:s20+$0xFFFFFFF0];
	_ =	sdelay $0x1  }
0xe1: {  	v6 =	vbroadcast v8, $0x0;
	_ =	sdelay $0x2  }
0xe2: {  	v4 =	vmul.f32 v5, v4;
	_ =	sdelay $0x1  }
0xe3: {  	[tilespmem:s21+$0xFFFFFFF0] =	vst v4  }
0xe4: {  	v4 =	vld.idx.msk [tilespmem:v6+s7+$0x0], $0xffff  }
0xe5: {  	v5 =	vld [tilespmem:s20+$0x0];
	_ =	sdelay $0x1  }
0xe6: {  	v6 =	vbroadcast v9, $0x0;
	_ =	sdelay $0x2  }
0xe7: {  	v4 =	vmul.f32 v5, v4;
	_ =	sdelay $0x1  }
0xe8: {  	[tilespmem:s21+$0x0] =	vst v4  }
0xe9: {  	v4 =	vld.idx.msk [tilespmem:v6+s7+$0x0], $0xffff  }
0xea: {  	v5 =	vld [tilespmem:s20+$0x10];
	_ =	sdelay $0x1  }
0xeb: {  	v6 =	vbroadcast v10, $0x0;
	_ =	sdelay $0x2  }
0xec: {  	v4 =	vmul.f32 v5, v4;
	_ =	sdelay $0x1  }
0xed: {  	[tilespmem:s21+$0x10] =	vst v4  }
0xee: {  	v4 =	vld.idx.msk [tilespmem:v6+s7+$0x0], $0xffff  }
0xef: {  	v5 =	vld [tilespmem:s20+$0x20];
	_ =	sdelay $0x1  }
0xf0: {  	v3 =	vbroadcast v3, $0x0;
	_ =	sdelay $0x2  }
0xf1: {  	v4 =	vmul.f32 v5, v4;
	_ =	sdelay $0x1  }
0xf2: {  	[tilespmem:s21+$0x20] =	vst v4  }
0xf3: {  	v3 =	vld.idx.msk [tilespmem:v3+s7+$0x0], $0xffff  }
0xf4: {  	v4 =	vld [tilespmem:s20+$0x30];
	_ =	sdelay $0x1  }
.Ltmp1:
0xf5: {  	(pc) =	sbr.rel @p1 .LBB2_5-.Ltmp1, $3  }
0xf6: {  	_ =	sdelay $0x1  }
0xf7: {  	v3 =	vmul.f32 v4, v3  }
0xf8: {  	s21 =	sadd.s32 $0x90, s21;
	s20 =	sadd.s32 $0x80, s20  }
0xf9: {  	s11 =	sadd.s32 $0x1, s11  }
0xfa: {  	p1 =	sne.s32 s11, $0xFA  }
.Ltmp2:
0xfb: {  	[tilespmem:s18+$0x30] =	vst v3;
	(pc) =	sbr.rel @p1 .LBB2_4-.Ltmp2, $4  }
0xfc: {  	[spmem:s2] =	stream.indirect.scatter.add.f32 [tilespmem:s9], [sflag:$0x4], $0x90, s8, s30, $0xb8;
	[tilespmem:$0x1F180] =	vst v63  }
0xfd: {  	_ =	swait.ge [sflag:s29], $0x2D00  }
0xfe: {  	[sflag:s29] =	ssyncset.done $0x0  }
0xff: {  	[sflag:s29] =	ssyncadd.s32 $0xFFFFD300  }
0x100: {  	s10 =	stileid.u32  }
0x101: {  	[bflag:$0x0] =	sbarrier.arrive $0xFFFF;
	s10 =	sshll.u32 s10, $0x6  }
0x102: {  	s11 =	sshrl.u32 s23, $0x3;
	s12 =	rddreg [dreg:$0x3];
	s10 =	sor.u32 $0x1C04, s10  }
0x103: {  	[hbm:s12], [sflag:s10] =	dma.local [spmem:s11], $0x5A0  }
0x104: {  	_ =	swait.ge [sflag:s29], $0x5A0  }
0x105: {  	[sflag:s29] =	ssyncset.done $0x0  }
0x106: {  	s19 =	sshrl.u32 s24, $0x3;
	s20 =	rddreg [dreg:$0x4];
	[sflag:s29] =	ssyncadd.s32 $0xFFFFFA60  }
0x107: {  	[hbm:s20], [sflag:s10] =	dma.local [spmem:s19], $0x5A0  }
0x108: {  	_ =	swait.ge [sflag:s29], $0x5A0  }
0x109: {  	[sflag:s29] =	ssyncset.done $0x0  }
0x10a: {  	s21 =	sshrl.u32 s25, $0x3;
	s22 =	rddreg [dreg:$0x5];
	[sflag:s29] =	ssyncadd.s32 $0xFFFFFA60  }
0x10b: {  	[hbm:s22], [sflag:s10] =	dma.local [spmem:s21], $0x5A0  }
0x10c: {  	s13 =	smov.u32 s23;
	_ =	swait.ge [sflag:s29], $0x5A0  }
0x10d: {  	s18 =	smov.u32 s24;
	[sflag:s29] =	ssyncset.done $0x0;
	s21 =	rddreg [dreg:$0xb]  }
0x10e: {  	s24 =	rddreg [dreg:$0x6];
	[sflag:s29] =	ssyncadd.s32 $0xFFFFFA60;
	s23 =	sshrl.u32 s21, $0x3  }
0x10f: {  	[hbm:s24], [sflag:s10] =	dma.local [spmem:s23], $0x5A0  }
0x110: {  	_ =	swait.ge [sflag:s29], $0x5A0  }
0x111: {  	s19 =	smov.u32 s25;
	[sflag:s29] =	ssyncset.done $0x0;
	s22 =	rddreg [dreg:$0xc]  }
0x112: {  	s26 =	rddreg [dreg:$0x7];
	[sflag:s29] =	ssyncadd.s32 $0xFFFFFA60;
	s25 =	sshrl.u32 s22, $0x3  }
0x113: {  	[hbm:s26], [sflag:s10] =	dma.local [spmem:s25], $0x5A0  }
0x114: {  	_ =	swait.ge [sflag:s29], $0x5A0  }
0x115: {  	[sflag:s29] =	ssyncset.done $0x0;
	s20 =	rddreg [dreg:$0xd]  }
0x116: {  	s23 =	rddreg [dreg:$0x8];
	[sflag:s29] =	ssyncadd.s32 $0xFFFFFA60;
	s11 =	sshrl.u32 s20, $0x3  }
0x117: {  	[hbm:s23], [sflag:s10] =	dma.local [spmem:s11], $0x5A0  }
0x118: {  	_ =	swait.ge [sflag:s29], $0x5A0  }
0x119: {  	[sflag:s29] =	ssyncset.done $0x0;
	s24 =	rddreg [dreg:$0xe]  }
0x11a: {  	s25 =	rddreg [dreg:$0x9];
	[sflag:s29] =	ssyncadd.s32 $0xFFFFFA60;
	s11 =	sshrl.u32 s24, $0x3  }
0x11b: {  	[hbm:s25], [sflag:s10] =	dma.local [spmem:s11], $0x5A0  }
0x11c: {  	_ =	swait.ge [sflag:s29], $0x5A0  }
0x11d: {  	[sflag:s29] =	ssyncset.done $0x0;
	s11 =	rddreg [dreg:$0xf]  }
0x11e: {  	s12 =	rddreg [dreg:$0xa];
	[sflag:s29] =	ssyncadd.s32 $0xFFFFFA60;
	s11 =	sshrl.u32 @!p0 s11, $0x3  }
0x11f: {  	[hbm:s12], [sflag:s10] =	dma.local @!p0 [spmem:s11], $0x5A0  }
0x120: {  	s10 =	simm.s32 @!p0 $0x4  }
0x121: {  	_ =	swait.ge @!p0 [sflag:s10], $0x5A0  }
0x122: {  	s3 =	sadd.s32 $0x1, s3;
	s26 =	rddreg [dreg:$0x10]  }
0x123: {  	p1 =	sne.s32 s3, s26  }
.Ltmp3:
0x124: {  	_ = 	snop;
	(pc) =	sbr.rel @p1 .LBB2_1-.Ltmp3, $3  }
0x125: {  	_ =	sdelay $0x1  }
0x126: {  	[sflag:s10] =	ssyncset.done @!p0 $0x0  }
0x127: {  	[sflag:s10] =	ssyncadd.s32 @!p0 $0xFFFFFA60  }
0x128: {  	_ =	sfence.sel $0x180000  }
0x129: {  	[bflag:$0x0] =	sbarrier.arrive $0xFFFF  }
0x12a: {  	_ =	strace $0x90000047  }
0x12b: {  	s0 =	stileid.u32;
	[bflag:$0x2] =	sbarrier.arrive $0xFFFF  }
0x12c: {  	p0 =	sne.s32 s0, $0x0;
	s0 =	rddreg [dreg:$0x2]  }
0x12d: {  	s0 =	sadd.s32 @!p0 $0x100000, s0  }
0x12e: {  	[sflag:s0] =	ssyncadd.tile.s32 @!p0 $0x1;
	_ =	shalt  }
.Lfunc_end2:
_tile_overlayer_lowered:
.L_overlay_start_2:
0x12f: {  	(tag) =	ssettag $0x2  }
0x130: {  	s0 =	rddreg [dreg:$0x0];
	s2 =	stileid.u32  }
0x131: {  	s1 =	rddreg [dreg:$0x1];
	p0 =	sne.s32 s2, $0x0  }
0x132: {  	s3 =	rddreg [dreg:$0x2];
	[bflag:$0x3] =	sbarrier.arrive $0xFFFF;
	s2 =	simm.s32 @!p0 $0x1C04  }
0x133: {  	[timem:s3], [sflag:s2] =	dma.local @!p0 [hbm:s0], s1  }
0x134: {  	s0 =	simm.s32 @!p0 $0x4  }
0x135: {  	_ =	swait.ge @!p0 [sflag:s0], s1  }
0x136: {  	s1 =	ssub.s32 @!p0 $0x0, s1;
	[sflag:s0] =	ssyncset.done @!p0 $0x0  }
0x137: {  	[sflag:s0] =	ssyncadd.s32 @!p0 s1  }
0x138: {  	[bflag:$0x3] =	sbarrier.arrive $0xFFFF  }
0x139: {  	_ =	shalt  }

</sc_bundles>
